<compile_context>
chip_gen: v7x
topology: tpu7x:2x2x1
jax: 0.10.2.dev20260603
libtpu: 0.0.44.dev20260713+nightly
codegen_flags: <defaults>
</compile_context>

<pallas_src>
import functools

import jax
import jax.numpy as jnp
from jax import lax
from jax.experimental import pallas as pl
from jax.experimental.pallas import tpu as pltpu
from jax.experimental.pallas import tpu_sc as plsc

N_NODES = 10000
NUM_EDGES = 10000
N_INC = 320000
C = 128

NC = 2
NS = 16
NW = NC * NS
PER_W = N_INC // NW
CHUNK = 112
N_CHUNKS = 90
PADW = N_CHUNKS * CHUNK
SEG = N_NODES
ACC_ROWS = PADW
AC_CHUNKS = ACC_ROWS // CHUNK
STEADY0 = 3
STEADY_ITERS = (N_CHUNKS - STEADY0 - 3) // 3



def _mm_body(x_ref, w_ref, o_ref):
    o_ref[...] = jnp.dot(x_ref[...], w_ref[...],
                         preferred_element_type=jnp.float32)


def _matmul(x, W):
    return pl.pallas_call(
        _mm_body,
        grid=(10,),
        in_specs=[
            pl.BlockSpec((ACC_ROWS // 10, C), lambda i: (i, 0)),
            pl.BlockSpec((C, C), lambda i: (0, 0)),
        ],
        out_specs=pl.BlockSpec((ACC_ROWS // 10, C), lambda i: (i, 0)),
        out_shape=jax.ShapeDtypeStruct((ACC_ROWS, C), jnp.float32),
    )(x, W)



def _make_stage(with_counts):
    mesh = plsc.VectorSubcoreMesh(core_axis_name="c", subcore_axis_name="s")
    out_type = [jax.ShapeDtypeStruct((NC, ACC_ROWS, C), jnp.float32)]
    scratch = [
        pltpu.VMEM((CHUNK,), jnp.int32), pltpu.VMEM((CHUNK,), jnp.int32),
        pltpu.VMEM((CHUNK,), jnp.int32),
        pltpu.VMEM((CHUNK,), jnp.int32), pltpu.VMEM((CHUNK,), jnp.int32),
        pltpu.VMEM((CHUNK,), jnp.int32),
        pltpu.VMEM((CHUNK, C), jnp.float32), pltpu.VMEM((CHUNK, C), jnp.float32),
        pltpu.VMEM((CHUNK, C), jnp.float32),
        pltpu.VMEM_SHARED((ACC_ROWS, C), jnp.float32),
        pltpu.SemaphoreType.DMA, pltpu.SemaphoreType.DMA,
        pltpu.SemaphoreType.DMA,
        pltpu.SemaphoreType.DMA, pltpu.SemaphoreType.DMA,
        pltpu.SemaphoreType.DMA,
        pltpu.SemaphoreType.DMA,
    ]
    if with_counts:
        out_type += [
            jax.ShapeDtypeStruct((NC * ACC_ROWS,), jnp.float32),
            jax.ShapeDtypeStruct((NC * ACC_ROWS,), jnp.float32),
        ]
        scratch += [
            pltpu.SemaphoreType.DMA,
            pltpu.VMEM((CHUNK,), jnp.float32),
            pltpu.VMEM((CHUNK,), jnp.float32),
            pltpu.VMEM_SHARED((ACC_ROWS,), jnp.float32),
            pltpu.VMEM_SHARED((ACC_ROWS,), jnp.float32),
        ]

    def body(src_hbm, gidx_hbm, sidx_hbm, out_hbm, *rest):
        if with_counts:
            (cnt_hbm, dcnt_hbm,
             gi0, gi1, gi2, si0, si1, si2, r0, r1, r2, acc_sh,
             semi0, semi1, semi2, semg0, semg1, semg2, sem_s,
             sem_c, ones_v, stg_v, cnt_sh, dcnt_sh) = rest
        else:
            (gi0, gi1, gi2, si0, si1, si2, r0, r1, r2, acc_sh,
             semi0, semi1, semi2, semg0, semg1, semg2, sem_s) = rest
        gi = (gi0, gi1, gi2)
        si = (si0, si1, si2)
        r = (r0, r1, r2)
        semi = (semi0, semi1, semi2)
        semg = (semg0, semg1, semg2)

        cid = lax.axis_index("c")
        sid = lax.axis_index("s")
        wid = cid * NS + sid
        base = wid * PADW
        nj = (AC_CHUNKS + NS - 1) // NS

        def chunk_id(i):
            return jnp.minimum(sid + i * NS, AC_CHUNKS - 1)

        def issue_idx(s, j):
            off = base + j * CHUNK
            pltpu.async_copy(gidx_hbm.at[pl.ds(off, CHUNK)], gi[s], semi[s])
            pltpu.async_copy(sidx_hbm.at[pl.ds(off, CHUNK)], si[s], semi[s])

        def wait_idx(s):
            pltpu.make_async_copy(
                gidx_hbm.at[pl.ds(0, CHUNK)], gi[s], semi[s]).wait()
            pltpu.make_async_copy(
                sidx_hbm.at[pl.ds(0, CHUNK)], si[s], semi[s]).wait()

        def issue_gather(s):
            pltpu.async_copy(src_hbm.at[gi[s]], r[s], semg[s])

        def wait_gather(s):
            pltpu.make_async_copy(src_hbm.at[gi[s]], r[s], semg[s]).wait()

        def issue_scats(s):
            pltpu.async_copy(r[s], acc_sh.at[si[s]], sem_s, add=True)
            if with_counts:
                pltpu.async_copy(ones_v, cnt_sh.at[si[s]], sem_c, add=True)
                pltpu.async_copy(ones_v, dcnt_sh.at[gi[s]], sem_c, add=True)

        def drain_scats(s):
            pltpu.make_async_copy(r[s], acc_sh.at[si[s]], sem_s).wait()
            if with_counts:
                pltpu.make_async_copy(ones_v, cnt_sh.at[si[s]], sem_c).wait()
                pltpu.make_async_copy(ones_v, dcnt_sh.at[gi[s]], sem_c).wait()

        z16 = jnp.zeros((16,), jnp.float32)

        def zero_rows(i, _):
            for cblk in range(C // 16):
                r0[i, pl.ds(cblk * 16, 16)] = z16
            return 0

        lax.fori_loop(0, CHUNK, zero_rows, 0)

        def zinit(i, _):
            j = chunk_id(i)
            pltpu.sync_copy(r0, acc_sh.at[pl.ds(j * CHUNK, CHUNK)])
            return 0

        lax.fori_loop(0, nj, zinit, 0)

        if with_counts:
            o16 = jnp.ones((16,), jnp.float32)
            for k in range(CHUNK // 16):
                ones_v[pl.ds(k * 16, 16)] = o16
                stg_v[pl.ds(k * 16, 16)] = z16

            def zinit_cnt(i, _):
                j = chunk_id(i)
                pltpu.sync_copy(stg_v, cnt_sh.at[pl.ds(j * CHUNK, CHUNK)])
                pltpu.sync_copy(stg_v, dcnt_sh.at[pl.ds(j * CHUNK, CHUNK)])
                return 0

            lax.fori_loop(0, nj, zinit_cnt, 0)

        plsc.subcore_barrier()

        def chunk_body(j, s, s1, s2, drain=True, prefetch=True,
                       gather_next=True):
            wait_gather(s)
            issue_scats(s)
            if drain:
                drain_scats(s2)
            if prefetch:
                issue_idx(s2, j + 2)
            if gather_next:
                wait_idx(s1)
                issue_gather(s1)

        issue_idx(0, 0)
        issue_idx(1, 1)
        wait_idx(0)
        issue_gather(0)
        chunk_body(0, 0, 1, 2, drain=False)
        chunk_body(1, 1, 2, 0)
        chunk_body(2, 2, 0, 1)

        def steady(i, _):
            j = STEADY0 + 3 * i
            chunk_body(j, 0, 1, 2)
            chunk_body(j + 1, 1, 2, 0)
            chunk_body(j + 2, 2, 0, 1)
            return 0

        lax.fori_loop(0, STEADY_ITERS, steady, 0)

        chunk_body(N_CHUNKS - 3, 0, 1, 2)
        chunk_body(N_CHUNKS - 2, 1, 2, 0, prefetch=False)
        chunk_body(N_CHUNKS - 1, 2, 0, 1, prefetch=False, gather_next=False)
        drain_scats(2)

        plsc.subcore_barrier()

        def wback(i, _):
            j = chunk_id(i)
            pltpu.sync_copy(acc_sh.at[pl.ds(j * CHUNK, CHUNK)], r0)
            pltpu.sync_copy(r0, out_hbm.at[cid, pl.ds(j * CHUNK, CHUNK)])
            return 0

        lax.fori_loop(0, nj, wback, 0)
        if with_counts:
            def wback_cnt(i, _):
                j = chunk_id(i)
                pltpu.sync_copy(cnt_sh.at[pl.ds(j * CHUNK, CHUNK)], stg_v)
                pltpu.sync_copy(
                    stg_v, cnt_hbm.at[pl.ds(cid * ACC_ROWS + j * CHUNK, CHUNK)])
                pltpu.sync_copy(dcnt_sh.at[pl.ds(j * CHUNK, CHUNK)], ones_v)
                pltpu.sync_copy(
                    ones_v, dcnt_hbm.at[pl.ds(cid * ACC_ROWS + j * CHUNK, CHUNK)])
                return 0

            lax.fori_loop(0, nj, wback_cnt, 0)

    return functools.partial(
        pl.kernel, mesh=mesh, out_type=out_type, scratch_types=scratch
    )(body)


_stage_counts = _make_stage(with_counts=True)
_stage_plain = _make_stage(with_counts=False)



def _comb_body(part_ref, cnt_ref, o_ref):
    rows = o_ref.shape[0]
    s = part_ref[0][:rows] + part_ref[1][:rows]
    c = (cnt_ref[0][:rows] + cnt_ref[1][:rows])[:, None]
    inv = jnp.where(c > 0.0, 1.0 / c, 0.0)
    o_ref[...] = s * inv


def _combine(part, cnt, out_rows):
    return pl.pallas_call(
        _comb_body,
        out_shape=jax.ShapeDtypeStruct((out_rows, C), jnp.float32),
    )(part, cnt)



def kernel(x, hyperedge_index, W):
    he = hyperedge_index.astype(jnp.int32)
    hep = jnp.pad(
        he.reshape(2, NW, PER_W),
        ((0, 0), (0, 0), (0, PADW - PER_W)),
        constant_values=SEG,
    ).reshape(2, NW * PADW)
    row = hep[0]
    col = hep[1]
    x_p = jnp.pad(x, ((0, ACC_ROWS - N_NODES), (0, 0)))
    xw = _matmul(x_p, W)
    e_part, cnt, dcnt = _stage_counts(xw, row, col)
    edge_feat = _combine(e_part, cnt.reshape(NC, ACC_ROWS), ACC_ROWS)
    (n_part,) = _stage_plain(edge_feat, col, row)
    out = _combine(n_part, dcnt.reshape(NC, ACC_ROWS), N_NODES)
    return out

# --- scband reference (transcript-rebuilt; emitter-appended) ---
"""Pipeline reference for scband-attn-block-34213709480336 (READ-ONLY COPY).

The authoritative reference and input builder live on the scoring server;
editing this copy changes nothing except your own understanding.
"""

import jax, jax.numpy as jnp
import numpy as np

N_NODES = 10000
NUM_EDGES = 10000
N_INC = 320000
IN_C = 128
OUT_C = 128


def setup_inputs(seed: int = 0) -> dict:
    key = jax.random.key(seed)
    k1, k2, k3, k4 = jax.random.split(key, 4)
    x = jax.random.normal(k1, (N_NODES, IN_C), dtype=jnp.float32)
    node_idx = jax.random.randint(k2, (N_INC,), 0, N_NODES)
    edge_idx = jax.random.randint(k3, (N_INC,), 0, NUM_EDGES)
    hyperedge_index = jnp.stack([node_idx, edge_idx]).astype(jnp.int64)
    # lin weight of HypergraphConv (bias=False, glorot-style scale); use_attention=False so heads collapses to 1
    W = jax.random.normal(k4, (IN_C, OUT_C), dtype=jnp.float32) * (1.0 / np.sqrt(IN_C))
    return {"x": x, "hyperedge_index": hyperedge_index, "W": W}


def reference(x, hyperedge_index, W):
    # Faithful translation of PyG HypergraphConv with use_attention=False, bias=False:
    #   X' = D^{-1} H W_e B^{-1} H^T (X Theta), with W_e = I (default hyperedge_weight)
    row = hyperedge_index[0]  # node indices (source of stage 1)
    col = hyperedge_index[1]  # hyperedge indices (target of stage 1)
    xw = x @ W  # self.lin(x)
    hyperedge_weight = jnp.ones((NUM_EDGES,), dtype=xw.dtype)
    # D: node degree = sum of incident hyperedge weights; invert with inf -> 0
    D = jax.ops.segment_sum(hyperedge_weight[col], row, num_segments=N_NODES)
    D = jnp.where(D > 0, 1.0 / D, 0.0)
    # B: hyperedge cardinality; invert with inf -> 0
    B = jax.ops.segment_sum(jnp.ones(col.shape, dtype=xw.dtype), col, num_segments=NUM_EDGES)
    B = jnp.where(B > 0, 1.0 / B, 0.0)
    # Stage 1 (node -> hyperedge): message = B[i] * x_j, aggregated by sum at hyperedges
    edge_feat = jax.ops.segment_sum(B[col][:, None] * xw[row], col, num_segments=NUM_EDGES)
    # Stage 2 (hyperedge -> node): message = D[i] * e_j, aggregated by sum at nodes
    out = jax.ops.segment_sum(D[row][:, None] * edge_feat[col], row, num_segments=N_NODES)
    # concat=True with heads=1 -> view is identity; bias=False -> done
    return out

if __name__ == "__main__":
    import jax
    _d = setup_inputs()
    print(jax.jit(kernel)(*tuple(_d.values())))

</pallas_src>

<mosaic_0001>
#map = affine_map<(d0, d1) -> (0, 0)>
#map1 = affine_map<(d0, d1) -> (0)>
#map2 = affine_map<(d0, d1) -> (0, 0, 0)>
module attributes {stable_mosaic.version = 14 : i64} {
  func.func @body(%arg0: i32, %arg1: i32, %arg2: memref<10080x128xf32, #tpu.memory_space<hbm>>, %arg3: memref<322560xi32, #tpu.memory_space<hbm>>, %arg4: memref<322560xi32, #tpu.memory_space<hbm>>, %arg5: memref<2x10080x128xf32, #tpu.memory_space<hbm>>, %arg6: memref<112xi32, #tpu.memory_space<vmem>>, %arg7: memref<112xi32, #tpu.memory_space<vmem>>, %arg8: memref<112xi32, #tpu.memory_space<vmem>>, %arg9: memref<112xi32, #tpu.memory_space<vmem>>, %arg10: memref<112xi32, #tpu.memory_space<vmem>>, %arg11: memref<112xi32, #tpu.memory_space<vmem>>, %arg12: memref<112x128xf32, #tpu.memory_space<vmem>>, %arg13: memref<112x128xf32, #tpu.memory_space<vmem>>, %arg14: memref<112x128xf32, #tpu.memory_space<vmem>>, %arg15: memref<10080x128xf32, #tpu.memory_space<vmem_shared>>, %arg16: memref<!tpu.dma_semaphore, #tpu.memory_space<semaphore_mem>>, %arg17: memref<!tpu.dma_semaphore, #tpu.memory_space<semaphore_mem>>, %arg18: memref<!tpu.dma_semaphore, #tpu.memory_space<semaphore_mem>>, %arg19: memref<!tpu.dma_semaphore, #tpu.memory_space<semaphore_mem>>, %arg20: memref<!tpu.dma_semaphore, #tpu.memory_space<semaphore_mem>>, %arg21: memref<!tpu.dma_semaphore, #tpu.memory_space<semaphore_mem>>, %arg22: memref<!tpu.dma_semaphore, #tpu.memory_space<semaphore_mem>>) attributes {dimension_semantics = [#tpu.dimension_semantics<core_parallel>, #tpu.dimension_semantics<subcore_parallel>], iteration_bounds = array<i64: 2, 16>, scalar_prefetch = 0 : i64, scratch_operands = 17 : i64, tpu.core_type = #tpu.core_type<sc_vector_subcore>, window_params = [{transform_indices = #map}, {transform_indices = #map1}, {transform_indices = #map1}, {transform_indices = #map2}]} {
    %mul3A = arith.constant 16 : i32
    %mul3A_0 = arith.muli %arg0, %mul3A : i32
    %add3A = arith.addi %mul3A_0, %arg1 : i32
    %mul3A_1 = arith.constant 10080 : i32
    %mul3A_2 = arith.muli %add3A, %mul3A_1 : i32
    %broadcast_in_dim3A = arith.constant 0.000000e+00 : f32
    %broadcast_in_dim3A_3 = vector.broadcast %broadcast_in_dim3A : f32 to vector<16xf32>
    %scan3A = arith.constant 0 : i32
    %scan3A_4 = arith.constant 0 : i32
    %scan3A_5 = arith.constant 112 : i32
    %scan3A_6 = arith.addi %scan3A_4, %scan3A_5 : i32
    %scan3A_7 = arith.constant 1 : i32
    %scan3A_8 = scf.for %scan3A_186 = %scan3A_4 to %scan3A_6 step %scan3A_7 iter_args(%scan3A_187 = %scan3A) -> (i32)  : i32 {
      %swap3A = arith.index_cast %scan3A_186 : i32 to index
      %swap3A_188 = arith.constant 0 : index
      %swap3A_189 = tpu.vector_load %arg12[%swap3A, %swap3A_188] {strides = array<i32>} : memref<112x128xf32, #tpu.memory_space<vmem>>, vector<1x16xf32>,
      %swap3A_190 = vector.shape_cast %swap3A_189 : vector<1x16xf32> to vector<16xf32>
      %swap3A_191 = vector.shape_cast %broadcast_in_dim3A_3 : vector<16xf32> to vector<1x16xf32>
      tpu.vector_store %arg12[%swap3A, %swap3A_188], %swap3A_191 {strides = array<i32>} : memref<112x128xf32, #tpu.memory_space<vmem>>, vector<1x16xf32>,
      %swap3A_192 = arith.index_cast %scan3A_186 : i32 to index
      %swap3A_193 = arith.constant 16 : index
      %swap3A_194 = tpu.vector_load %arg12[%swap3A_192, %swap3A_193] {strides = array<i32>} : memref<112x128xf32, #tpu.memory_space<vmem>>, vector<1x16xf32>,
      %swap3A_195 = vector.shape_cast %swap3A_194 : vector<1x16xf32> to vector<16xf32>
      %swap3A_196 = vector.shape_cast %broadcast_in_dim3A_3 : vector<16xf32> to vector<1x16xf32>
      tpu.vector_store %arg12[%swap3A_192, %swap3A_193], %swap3A_196 {strides = array<i32>} : memref<112x128xf32, #tpu.memory_space<vmem>>, vector<1x16xf32>,
      %swap3A_197 = arith.index_cast %scan3A_186 : i32 to index
      %swap3A_198 = arith.constant 32 : index
      %swap3A_199 = tpu.vector_load %arg12[%swap3A_197, %swap3A_198] {strides = array<i32>} : memref<112x128xf32, #tpu.memory_space<vmem>>, vector<1x16xf32>,
      %swap3A_200 = vector.shape_cast %swap3A_199 : vector<1x16xf32> to vector<16xf32>
      %swap3A_201 = vector.shape_cast %broadcast_in_dim3A_3 : vector<16xf32> to vector<1x16xf32>
      tpu.vector_store %arg12[%swap3A_197, %swap3A_198], %swap3A_201 {strides = array<i32>} : memref<112x128xf32, #tpu.memory_space<vmem>>, vector<1x16xf32>,
      %swap3A_202 = arith.index_cast %scan3A_186 : i32 to index
      %swap3A_203 = arith.constant 48 : index
      %swap3A_204 = tpu.vector_load %arg12[%swap3A_202, %swap3A_203] {strides = array<i32>} : memref<112x128xf32, #tpu.memory_space<vmem>>, vector<1x16xf32>,
      %swap3A_205 = vector.shape_cast %swap3A_204 : vector<1x16xf32> to vector<16xf32>
      %swap3A_206 = vector.shape_cast %broadcast_in_dim3A_3 : vector<16xf32> to vector<1x16xf32>
      tpu.vector_store %arg12[%swap3A_202, %swap3A_203], %swap3A_206 {strides = array<i32>} : memref<112x128xf32, #tpu.memory_space<vmem>>, vector<1x16xf32>,
      %swap3A_207 = arith.index_cast %scan3A_186 : i32 to index
      %swap3A_208 = arith.constant 64 : index
      %swap3A_209 = tpu.vector_load %arg12[%swap3A_207, %swap3A_208] {strides = array<i32>} : memref<112x128xf32, #tpu.memory_space<vmem>>, vector<1x16xf32>,
      %swap3A_210 = vector.shape_cast %swap3A_209 : vector<1x16xf32> to vector<16xf32>
      %swap3A_211 = vector.shape_cast %broadcast_in_dim3A_3 : vector<16xf32> to vector<1x16xf32>
      tpu.vector_store %arg12[%swap3A_207, %swap3A_208], %swap3A_211 {strides = array<i32>} : memref<112x128xf32, #tpu.memory_space<vmem>>, vector<1x16xf32>,
      %swap3A_212 = arith.index_cast %scan3A_186 : i32 to index
      %swap3A_213 = arith.constant 80 : index
      %swap3A_214 = tpu.vector_load %arg12[%swap3A_212, %swap3A_213] {strides = array<i32>} : memref<112x128xf32, #tpu.memory_space<vmem>>, vector<1x16xf32>,
      %swap3A_215 = vector.shape_cast %swap3A_214 : vector<1x16xf32> to vector<16xf32>
      %swap3A_216 = vector.shape_cast %broadcast_in_dim3A_3 : vector<16xf32> to vector<1x16xf32>
      tpu.vector_store %arg12[%swap3A_212, %swap3A_213], %swap3A_216 {strides = array<i32>} : memref<112x128xf32, #tpu.memory_space<vmem>>, vector<1x16xf32>,
      %swap3A_217 = arith.index_cast %scan3A_186 : i32 to index
      %swap3A_218 = arith.constant 96 : index
      %swap3A_219 = tpu.vector_load %arg12[%swap3A_217, %swap3A_218] {strides = array<i32>} : memref<112x128xf32, #tpu.memory_space<vmem>>, vector<1x16xf32>,
      %swap3A_220 = vector.shape_cast %swap3A_219 : vector<1x16xf32> to vector<16xf32>
      %swap3A_221 = vector.shape_cast %broadcast_in_dim3A_3 : vector<16xf32> to vector<1x16xf32>
      tpu.vector_store %arg12[%swap3A_217, %swap3A_218], %swap3A_221 {strides = array<i32>} : memref<112x128xf32, #tpu.memory_space<vmem>>, vector<1x16xf32>,
      %swap3A_222 = arith.index_cast %scan3A_186 : i32 to index
      %swap3A_223 = arith.constant 112 : index
      %swap3A_224 = tpu.vector_load %arg12[%swap3A_222, %swap3A_223] {strides = array<i32>} : memref<112x128xf32, #tpu.memory_space<vmem>>, vector<1x16xf32>,
      %swap3A_225 = vector.shape_cast %swap3A_224 : vector<1x16xf32> to vector<16xf32>
      %swap3A_226 = vector.shape_cast %broadcast_in_dim3A_3 : vector<16xf32> to vector<1x16xf32>
      tpu.vector_store %arg12[%swap3A_222, %swap3A_223], %swap3A_226 {strides = array<i32>} : memref<112x128xf32, #tpu.memory_space<vmem>>, vector<1x16xf32>,
      %scan3A_227 = arith.constant 0 : i32
      scf.yield %scan3A_227 : i32
    }
    %scan3A_9 = arith.constant 112 : i32
    %scan3A_10 = arith.constant 0 : i32
    %scan3A_11 = arith.constant 0 : i32
    %scan3A_12 = arith.constant 6 : i32
    %scan3A_13 = arith.addi %scan3A_11, %scan3A_12 : i32
    %scan3A_14 = arith.constant 1 : i32
    %scan3A_15 = scf.for %scan3A_186 = %scan3A_11 to %scan3A_13 step %scan3A_14 iter_args(%scan3A_187 = %scan3A_10) -> (i32)  : i32 {
      %mul3A_188 = arith.constant 16 : i32
      %mul3A_189 = arith.muli %scan3A_186, %mul3A_188 : i32
      %add3A_190 = arith.addi %arg1, %mul3A_189 : i32
      %min3A = arith.constant 89 : i32
      %min3A_191 = arith.minsi %add3A_190, %min3A : i32
      %mul3A_192 = arith.constant 112 : i32
      %mul3A_193 = arith.muli %min3A_191, %mul3A_192 : i32
      "tpu.region"() ({
        %run_scoped3A = tpu.sem_alloc : memref<!tpu.dma_semaphore, #tpu.memory_space<semaphore_mem>>
        %dma_start3A_195 = arith.constant 0 : i32
        %dma_start3A_196 = tpu.memref_slice %arg15[%mul3A_193, %dma_start3A_195] : memref<10080x128xf32, #tpu.memory_space<vmem_shared>> -> memref<112x128xf32, #tpu.memory_space<vmem_shared>>
        %dma_start3A_197 = arith.constant 0 : i32
        %dma_start3A_198 = tpu.memref_slice %arg15[%mul3A_193, %dma_start3A_197] : memref<10080x128xf32, #tpu.memory_space<vmem_shared>> -> memref<112x128xf32, #tpu.memory_space<vmem_shared>>
        tpu.enqueue_dma source(%arg12 : memref<112x128xf32, #tpu.memory_space<vmem>>) target(%dma_start3A_198 : memref<112x128xf32, #tpu.memory_space<vmem_shared>>) target_semaphore(%run_scoped3A : memref<!tpu.dma_semaphore, #tpu.memory_space<semaphore_mem>>)
        %dma_wait3A_199 = arith.constant 0 : i32
        %dma_wait3A_200 = tpu.memref_slice %arg15[%mul3A_193, %dma_wait3A_199] : memref<10080x128xf32, #tpu.memory_space<vmem_shared>> -> memref<112x128xf32, #tpu.memory_space<vmem_shared>>
        %dma_wait3A_201 = arith.constant 0 : i32
        %dma_wait3A_202 = tpu.memref_slice %arg15[%mul3A_193, %dma_wait3A_201] : memref<10080x128xf32, #tpu.memory_space<vmem_shared>> -> memref<112x128xf32, #tpu.memory_space<vmem_shared>>
        tpu.wait_dma2 semaphore(%run_scoped3A : memref<!tpu.dma_semaphore, #tpu.memory_space<semaphore_mem>>) src(%arg12 : memref<112x128xf32, #tpu.memory_space<vmem>>) dst(%dma_wait3A_202 : memref<112x128xf32, #tpu.memory_space<vmem_shared>>)
        tpu.yield
      }) : () -> ()
      %scan3A_194 = arith.constant 0 : i32
      scf.yield %scan3A_194 : i32
    }
    %scan3A_16 = arith.constant 6 : i32
    %barrier3A = arith.constant 0 : index
    tpu.barrier barrier_id(%barrier3A)
    %add3A_17 = arith.constant 0 : i32
    %add3A_18 = arith.addi %mul3A_2, %add3A_17 : i32
    %dma_start3A = tpu.memref_slice %arg3[%add3A_18] : memref<322560xi32, #tpu.memory_space<hbm>> -> memref<112xi32, #tpu.memory_space<hbm>>
    %dma_start3A_19 = tpu.memref_slice %arg3[%add3A_18] : memref<322560xi32, #tpu.memory_space<hbm>> -> memref<112xi32, #tpu.memory_space<hbm>>
    tpu.enqueue_dma source(%dma_start3A_19 : memref<112xi32, #tpu.memory_space<hbm>>) target(%arg6 : memref<112xi32, #tpu.memory_space<vmem>>) target_semaphore(%arg16 : memref<!tpu.dma_semaphore, #tpu.memory_space<semaphore_mem>>)
    %dma_start3A_20 = tpu.memref_slice %arg4[%add3A_18] : memref<322560xi32, #tpu.memory_space<hbm>> -> memref<112xi32, #tpu.memory_space<hbm>>
    %dma_start3A_21 = tpu.memref_slice %arg4[%add3A_18] : memref<322560xi32, #tpu.memory_space<hbm>> -> memref<112xi32, #tpu.memory_space<hbm>>
    tpu.enqueue_dma source(%dma_start3A_21 : memref<112xi32, #tpu.memory_space<hbm>>) target(%arg9 : memref<112xi32, #tpu.memory_space<vmem>>) target_semaphore(%arg16 : memref<!tpu.dma_semaphore, #tpu.memory_space<semaphore_mem>>)
    %add3A_22 = arith.constant 112 : i32
    %add3A_23 = arith.addi %mul3A_2, %add3A_22 : i32
    %dma_start3A_24 = tpu.memref_slice %arg3[%add3A_23] : memref<322560xi32, #tpu.memory_space<hbm>> -> memref<112xi32, #tpu.memory_space<hbm>>
    %dma_start3A_25 = tpu.memref_slice %arg3[%add3A_23] : memref<322560xi32, #tpu.memory_space<hbm>> -> memref<112xi32, #tpu.memory_space<hbm>>
    tpu.enqueue_dma source(%dma_start3A_25 : memref<112xi32, #tpu.memory_space<hbm>>) target(%arg7 : memref<112xi32, #tpu.memory_space<vmem>>) target_semaphore(%arg17 : memref<!tpu.dma_semaphore, #tpu.memory_space<semaphore_mem>>)
    %dma_start3A_26 = tpu.memref_slice %arg4[%add3A_23] : memref<322560xi32, #tpu.memory_space<hbm>> -> memref<112xi32, #tpu.memory_space<hbm>>
    %dma_start3A_27 = tpu.memref_slice %arg4[%add3A_23] : memref<322560xi32, #tpu.memory_space<hbm>> -> memref<112xi32, #tpu.memory_space<hbm>>
    tpu.enqueue_dma source(%dma_start3A_27 : memref<112xi32, #tpu.memory_space<hbm>>) target(%arg10 : memref<112xi32, #tpu.memory_space<vmem>>) target_semaphore(%arg17 : memref<!tpu.dma_semaphore, #tpu.memory_space<semaphore_mem>>)
    %dma_wait3A = arith.constant 0 : i32
    %dma_wait3A_28 = tpu.memref_slice %arg3[%dma_wait3A] : memref<322560xi32, #tpu.memory_space<hbm>> -> memref<112xi32, #tpu.memory_space<hbm>>
    %dma_wait3A_29 = arith.constant 0 : i32
    %dma_wait3A_30 = tpu.memref_slice %arg3[%dma_wait3A_29] : memref<322560xi32, #tpu.memory_space<hbm>> -> memref<112xi32, #tpu.memory_space<hbm>>
    tpu.wait_dma2 semaphore(%arg16 : memref<!tpu.dma_semaphore, #tpu.memory_space<semaphore_mem>>) src(%dma_wait3A_30 : memref<112xi32, #tpu.memory_space<hbm>>) dst(%arg6 : memref<112xi32, #tpu.memory_space<vmem>>)
    %dma_wait3A_31 = arith.constant 0 : i32
    %dma_wait3A_32 = tpu.memref_slice %arg4[%dma_wait3A_31] : memref<322560xi32, #tpu.memory_space<hbm>> -> memref<112xi32, #tpu.memory_space<hbm>>
    %dma_wait3A_33 = arith.constant 0 : i32
    %dma_wait3A_34 = tpu.memref_slice %arg4[%dma_wait3A_33] : memref<322560xi32, #tpu.memory_space<hbm>> -> memref<112xi32, #tpu.memory_space<hbm>>
    tpu.wait_dma2 semaphore(%arg16 : memref<!tpu.dma_semaphore, #tpu.memory_space<semaphore_mem>>) src(%dma_wait3A_34 : memref<112xi32, #tpu.memory_space<hbm>>) dst(%arg9 : memref<112xi32, #tpu.memory_space<vmem>>)
    %dma_start3A_35 = arith.constant 0 : i32
    %dma_start3A_36 = arith.constant 0 : i32
    %dma_start3A_37 = tpu.memref_slice %arg2[%dma_start3A_35, %dma_start3A_36] : memref<10080x128xf32, #tpu.memory_space<hbm>> -> memref<10080x128xf32, #tpu.memory_space<hbm>>
    tpu.enqueue_indirect_dma source(%dma_start3A_37 : memref<10080x128xf32, #tpu.memory_space<hbm>>) target(%arg12 : memref<112x128xf32, #tpu.memory_space<vmem>>) offsets(%arg6 : memref<112xi32, #tpu.memory_space<vmem>>) semaphore(%arg19 : memref<!tpu.dma_semaphore, #tpu.memory_space<semaphore_mem>>)
    %dma_wait3A_38 = arith.constant 0 : i32
    %dma_wait3A_39 = arith.constant 0 : i32
    %dma_wait3A_40 = tpu.memref_slice %arg2[%dma_wait3A_38, %dma_wait3A_39] : memref<10080x128xf32, #tpu.memory_space<hbm>> -> memref<10080x128xf32, #tpu.memory_space<hbm>>
    tpu.wait_indirect_dma semaphore(%arg19 : memref<!tpu.dma_semaphore, #tpu.memory_space<semaphore_mem>>) src(%dma_wait3A_40 : memref<10080x128xf32, #tpu.memory_space<hbm>>) dst(%arg12 : memref<112x128xf32, #tpu.memory_space<vmem>>)
    %dma_start3A_41 = arith.constant 0 : i32
    %dma_start3A_42 = arith.constant 0 : i32
    %dma_start3A_43 = tpu.memref_slice %arg15[%dma_start3A_41, %dma_start3A_42] : memref<10080x128xf32, #tpu.memory_space<vmem_shared>> -> memref<10080x128xf32, #tpu.memory_space<vmem_shared>>
    tpu.enqueue_indirect_dma source(%arg12 : memref<112x128xf32, #tpu.memory_space<vmem>>) target(%dma_start3A_43 : memref<10080x128xf32, #tpu.memory_space<vmem_shared>>) offsets(%arg9 : memref<112xi32, #tpu.memory_space<vmem>>) semaphore(%arg22 : memref<!tpu.dma_semaphore, #tpu.memory_space<semaphore_mem>>) {add = true}
    %add3A_44 = arith.constant 224 : i32
    %add3A_45 = arith.addi %mul3A_2, %add3A_44 : i32
    %dma_start3A_46 = tpu.memref_slice %arg3[%add3A_45] : memref<322560xi32, #tpu.memory_space<hbm>> -> memref<112xi32, #tpu.memory_space<hbm>>
    %dma_start3A_47 = tpu.memref_slice %arg3[%add3A_45] : memref<322560xi32, #tpu.memory_space<hbm>> -> memref<112xi32, #tpu.memory_space<hbm>>
    tpu.enqueue_dma source(%dma_start3A_47 : memref<112xi32, #tpu.memory_space<hbm>>) target(%arg8 : memref<112xi32, #tpu.memory_space<vmem>>) target_semaphore(%arg18 : memref<!tpu.dma_semaphore, #tpu.memory_space<semaphore_mem>>)
    %dma_start3A_48 = tpu.memref_slice %arg4[%add3A_45] : memref<322560xi32, #tpu.memory_space<hbm>> -> memref<112xi32, #tpu.memory_space<hbm>>
    %dma_start3A_49 = tpu.memref_slice %arg4[%add3A_45] : memref<322560xi32, #tpu.memory_space<hbm>> -> memref<112xi32, #tpu.memory_space<hbm>>
    tpu.enqueue_dma source(%dma_start3A_49 : memref<112xi32, #tpu.memory_space<hbm>>) target(%arg11 : memref<112xi32, #tpu.memory_space<vmem>>) target_semaphore(%arg18 : memref<!tpu.dma_semaphore, #tpu.memory_space<semaphore_mem>>)
    %dma_wait3A_50 = arith.constant 0 : i32
    %dma_wait3A_51 = tpu.memref_slice %arg3[%dma_wait3A_50] : memref<322560xi32, #tpu.memory_space<hbm>> -> memref<112xi32, #tpu.memory_space<hbm>>
    %dma_wait3A_52 = arith.constant 0 : i32
    %dma_wait3A_53 = tpu.memref_slice %arg3[%dma_wait3A_52] : memref<322560xi32, #tpu.memory_space<hbm>> -> memref<112xi32, #tpu.memory_space<hbm>>
    tpu.wait_dma2 semaphore(%arg17 : memref<!tpu.dma_semaphore, #tpu.memory_space<semaphore_mem>>) src(%dma_wait3A_53 : memref<112xi32, #tpu.memory_space<hbm>>) dst(%arg7 : memref<112xi32, #tpu.memory_space<vmem>>)
    %dma_wait3A_54 = arith.constant 0 : i32
    %dma_wait3A_55 = tpu.memref_slice %arg4[%dma_wait3A_54] : memref<322560xi32, #tpu.memory_space<hbm>> -> memref<112xi32, #tpu.memory_space<hbm>>
    %dma_wait3A_56 = arith.constant 0 : i32
    %dma_wait3A_57 = tpu.memref_slice %arg4[%dma_wait3A_56] : memref<322560xi32, #tpu.memory_space<hbm>> -> memref<112xi32, #tpu.memory_space<hbm>>
    tpu.wait_dma2 semaphore(%arg17 : memref<!tpu.dma_semaphore, #tpu.memory_space<semaphore_mem>>) src(%dma_wait3A_57 : memref<112xi32, #tpu.memory_space<hbm>>) dst(%arg10 : memref<112xi32, #tpu.memory_space<vmem>>)
    %dma_start3A_58 = arith.constant 0 : i32
    %dma_start3A_59 = arith.constant 0 : i32
    %dma_start3A_60 = tpu.memref_slice %arg2[%dma_start3A_58, %dma_start3A_59] : memref<10080x128xf32, #tpu.memory_space<hbm>> -> memref<10080x128xf32, #tpu.memory_space<hbm>>
    tpu.enqueue_indirect_dma source(%dma_start3A_60 : memref<10080x128xf32, #tpu.memory_space<hbm>>) target(%arg13 : memref<112x128xf32, #tpu.memory_space<vmem>>) offsets(%arg7 : memref<112xi32, #tpu.memory_space<vmem>>) semaphore(%arg20 : memref<!tpu.dma_semaphore, #tpu.memory_space<semaphore_mem>>)
    %dma_wait3A_61 = arith.constant 0 : i32
    %dma_wait3A_62 = arith.constant 0 : i32
    %dma_wait3A_63 = tpu.memref_slice %arg2[%dma_wait3A_61, %dma_wait3A_62] : memref<10080x128xf32, #tpu.memory_space<hbm>> -> memref<10080x128xf32, #tpu.memory_space<hbm>>
    tpu.wait_indirect_dma semaphore(%arg20 : memref<!tpu.dma_semaphore, #tpu.memory_space<semaphore_mem>>) src(%dma_wait3A_63 : memref<10080x128xf32, #tpu.memory_space<hbm>>) dst(%arg13 : memref<112x128xf32, #tpu.memory_space<vmem>>)
    %dma_start3A_64 = arith.constant 0 : i32
    %dma_start3A_65 = arith.constant 0 : i32
    %dma_start3A_66 = tpu.memref_slice %arg15[%dma_start3A_64, %dma_start3A_65] : memref<10080x128xf32, #tpu.memory_space<vmem_shared>> -> memref<10080x128xf32, #tpu.memory_space<vmem_shared>>
    tpu.enqueue_indirect_dma source(%arg13 : memref<112x128xf32, #tpu.memory_space<vmem>>) target(%dma_start3A_66 : memref<10080x128xf32, #tpu.memory_space<vmem_shared>>) offsets(%arg10 : memref<112xi32, #tpu.memory_space<vmem>>) semaphore(%arg22 : memref<!tpu.dma_semaphore, #tpu.memory_space<semaphore_mem>>) {add = true}
    %dma_wait3A_67 = arith.constant 0 : i32
    %dma_wait3A_68 = arith.constant 0 : i32
    %dma_wait3A_69 = tpu.memref_slice %arg15[%dma_wait3A_67, %dma_wait3A_68] : memref<10080x128xf32, #tpu.memory_space<vmem_shared>> -> memref<10080x128xf32, #tpu.memory_space<vmem_shared>>
    tpu.wait_indirect_dma semaphore(%arg22 : memref<!tpu.dma_semaphore, #tpu.memory_space<semaphore_mem>>) src(%arg12 : memref<112x128xf32, #tpu.memory_space<vmem>>) dst(%dma_wait3A_69 : memref<10080x128xf32, #tpu.memory_space<vmem_shared>>)
    %add3A_70 = arith.constant 336 : i32
    %add3A_71 = arith.addi %mul3A_2, %add3A_70 : i32
    %dma_start3A_72 = tpu.memref_slice %arg3[%add3A_71] : memref<322560xi32, #tpu.memory_space<hbm>> -> memref<112xi32, #tpu.memory_space<hbm>>
    %dma_start3A_73 = tpu.memref_slice %arg3[%add3A_71] : memref<322560xi32, #tpu.memory_space<hbm>> -> memref<112xi32, #tpu.memory_space<hbm>>
    tpu.enqueue_dma source(%dma_start3A_73 : memref<112xi32, #tpu.memory_space<hbm>>) target(%arg6 : memref<112xi32, #tpu.memory_space<vmem>>) target_semaphore(%arg16 : memref<!tpu.dma_semaphore, #tpu.memory_space<semaphore_mem>>)
    %dma_start3A_74 = tpu.memref_slice %arg4[%add3A_71] : memref<322560xi32, #tpu.memory_space<hbm>> -> memref<112xi32, #tpu.memory_space<hbm>>
    %dma_start3A_75 = tpu.memref_slice %arg4[%add3A_71] : memref<322560xi32, #tpu.memory_space<hbm>> -> memref<112xi32, #tpu.memory_space<hbm>>
    tpu.enqueue_dma source(%dma_start3A_75 : memref<112xi32, #tpu.memory_space<hbm>>) target(%arg9 : memref<112xi32, #tpu.memory_space<vmem>>) target_semaphore(%arg16 : memref<!tpu.dma_semaphore, #tpu.memory_space<semaphore_mem>>)
    %dma_wait3A_76 = arith.constant 0 : i32
    %dma_wait3A_77 = tpu.memref_slice %arg3[%dma_wait3A_76] : memref<322560xi32, #tpu.memory_space<hbm>> -> memref<112xi32, #tpu.memory_space<hbm>>
    %dma_wait3A_78 = arith.constant 0 : i32
    %dma_wait3A_79 = tpu.memref_slice %arg3[%dma_wait3A_78] : memref<322560xi32, #tpu.memory_space<hbm>> -> memref<112xi32, #tpu.memory_space<hbm>>
    tpu.wait_dma2 semaphore(%arg18 : memref<!tpu.dma_semaphore, #tpu.memory_space<semaphore_mem>>) src(%dma_wait3A_79 : memref<112xi32, #tpu.memory_space<hbm>>) dst(%arg8 : memref<112xi32, #tpu.memory_space<vmem>>)
    %dma_wait3A_80 = arith.constant 0 : i32
    %dma_wait3A_81 = tpu.memref_slice %arg4[%dma_wait3A_80] : memref<322560xi32, #tpu.memory_space<hbm>> -> memref<112xi32, #tpu.memory_space<hbm>>
    %dma_wait3A_82 = arith.constant 0 : i32
    %dma_wait3A_83 = tpu.memref_slice %arg4[%dma_wait3A_82] : memref<322560xi32, #tpu.memory_space<hbm>> -> memref<112xi32, #tpu.memory_space<hbm>>
    tpu.wait_dma2 semaphore(%arg18 : memref<!tpu.dma_semaphore, #tpu.memory_space<semaphore_mem>>) src(%dma_wait3A_83 : memref<112xi32, #tpu.memory_space<hbm>>) dst(%arg11 : memref<112xi32, #tpu.memory_space<vmem>>)
    %dma_start3A_84 = arith.constant 0 : i32
    %dma_start3A_85 = arith.constant 0 : i32
    %dma_start3A_86 = tpu.memref_slice %arg2[%dma_start3A_84, %dma_start3A_85] : memref<10080x128xf32, #tpu.memory_space<hbm>> -> memref<10080x128xf32, #tpu.memory_space<hbm>>
    tpu.enqueue_indirect_dma source(%dma_start3A_86 : memref<10080x128xf32, #tpu.memory_space<hbm>>) target(%arg14 : memref<112x128xf32, #tpu.memory_space<vmem>>) offsets(%arg8 : memref<112xi32, #tpu.memory_space<vmem>>) semaphore(%arg21 : memref<!tpu.dma_semaphore, #tpu.memory_space<semaphore_mem>>)
    %dma_wait3A_87 = arith.constant 0 : i32
    %dma_wait3A_88 = arith.constant 0 : i32
    %dma_wait3A_89 = tpu.memref_slice %arg2[%dma_wait3A_87, %dma_wait3A_88] : memref<10080x128xf32, #tpu.memory_space<hbm>> -> memref<10080x128xf32, #tpu.memory_space<hbm>>
    tpu.wait_indirect_dma semaphore(%arg21 : memref<!tpu.dma_semaphore, #tpu.memory_space<semaphore_mem>>) src(%dma_wait3A_89 : memref<10080x128xf32, #tpu.memory_space<hbm>>) dst(%arg14 : memref<112x128xf32, #tpu.memory_space<vmem>>)
    %dma_start3A_90 = arith.constant 0 : i32
    %dma_start3A_91 = arith.constant 0 : i32
    %dma_start3A_92 = tpu.memref_slice %arg15[%dma_start3A_90, %dma_start3A_91] : memref<10080x128xf32, #tpu.memory_space<vmem_shared>> -> memref<10080x128xf32, #tpu.memory_space<vmem_shared>>
    tpu.enqueue_indirect_dma source(%arg14 : memref<112x128xf32, #tpu.memory_space<vmem>>) target(%dma_start3A_92 : memref<10080x128xf32, #tpu.memory_space<vmem_shared>>) offsets(%arg11 : memref<112xi32, #tpu.memory_space<vmem>>) semaphore(%arg22 : memref<!tpu.dma_semaphore, #tpu.memory_space<semaphore_mem>>) {add = true}
    %dma_wait3A_93 = arith.constant 0 : i32
    %dma_wait3A_94 = arith.constant 0 : i32
    %dma_wait3A_95 = tpu.memref_slice %arg15[%dma_wait3A_93, %dma_wait3A_94] : memref<10080x128xf32, #tpu.memory_space<vmem_shared>> -> memref<10080x128xf32, #tpu.memory_space<vmem_shared>>
    tpu.wait_indirect_dma semaphore(%arg22 : memref<!tpu.dma_semaphore, #tpu.memory_space<semaphore_mem>>) src(%arg13 : memref<112x128xf32, #tpu.memory_space<vmem>>) dst(%dma_wait3A_95 : memref<10080x128xf32, #tpu.memory_space<vmem_shared>>)
    %add3A_96 = arith.constant 448 : i32
    %add3A_97 = arith.addi %mul3A_2, %add3A_96 : i32
    %dma_start3A_98 = tpu.memref_slice %arg3[%add3A_97] : memref<322560xi32, #tpu.memory_space<hbm>> -> memref<112xi32, #tpu.memory_space<hbm>>
    %dma_start3A_99 = tpu.memref_slice %arg3[%add3A_97] : memref<322560xi32, #tpu.memory_space<hbm>> -> memref<112xi32, #tpu.memory_space<hbm>>
    tpu.enqueue_dma source(%dma_start3A_99 : memref<112xi32, #tpu.memory_space<hbm>>) target(%arg7 : memref<112xi32, #tpu.memory_space<vmem>>) target_semaphore(%arg17 : memref<!tpu.dma_semaphore, #tpu.memory_space<semaphore_mem>>)
    %dma_start3A_100 = tpu.memref_slice %arg4[%add3A_97] : memref<322560xi32, #tpu.memory_space<hbm>> -> memref<112xi32, #tpu.memory_space<hbm>>
    %dma_start3A_101 = tpu.memref_slice %arg4[%add3A_97] : memref<322560xi32, #tpu.memory_space<hbm>> -> memref<112xi32, #tpu.memory_space<hbm>>
    tpu.enqueue_dma source(%dma_start3A_101 : memref<112xi32, #tpu.memory_space<hbm>>) target(%arg10 : memref<112xi32, #tpu.memory_space<vmem>>) target_semaphore(%arg17 : memref<!tpu.dma_semaphore, #tpu.memory_space<semaphore_mem>>)
    %dma_wait3A_102 = arith.constant 0 : i32
    %dma_wait3A_103 = tpu.memref_slice %arg3[%dma_wait3A_102] : memref<322560xi32, #tpu.memory_space<hbm>> -> memref<112xi32, #tpu.memory_space<hbm>>
    %dma_wait3A_104 = arith.constant 0 : i32
    %dma_wait3A_105 = tpu.memref_slice %arg3[%dma_wait3A_104] : memref<322560xi32, #tpu.memory_space<hbm>> -> memref<112xi32, #tpu.memory_space<hbm>>
    tpu.wait_dma2 semaphore(%arg16 : memref<!tpu.dma_semaphore, #tpu.memory_space<semaphore_mem>>) src(%dma_wait3A_105 : memref<112xi32, #tpu.memory_space<hbm>>) dst(%arg6 : memref<112xi32, #tpu.memory_space<vmem>>)
    %dma_wait3A_106 = arith.constant 0 : i32
    %dma_wait3A_107 = tpu.memref_slice %arg4[%dma_wait3A_106] : memref<322560xi32, #tpu.memory_space<hbm>> -> memref<112xi32, #tpu.memory_space<hbm>>
    %dma_wait3A_108 = arith.constant 0 : i32
    %dma_wait3A_109 = tpu.memref_slice %arg4[%dma_wait3A_108] : memref<322560xi32, #tpu.memory_space<hbm>> -> memref<112xi32, #tpu.memory_space<hbm>>
    tpu.wait_dma2 semaphore(%arg16 : memref<!tpu.dma_semaphore, #tpu.memory_space<semaphore_mem>>) src(%dma_wait3A_109 : memref<112xi32, #tpu.memory_space<hbm>>) dst(%arg9 : memref<112xi32, #tpu.memory_space<vmem>>)
    %dma_start3A_110 = arith.constant 0 : i32
    %dma_start3A_111 = arith.constant 0 : i32
    %dma_start3A_112 = tpu.memref_slice %arg2[%dma_start3A_110, %dma_start3A_111] : memref<10080x128xf32, #tpu.memory_space<hbm>> -> memref<10080x128xf32, #tpu.memory_space<hbm>>
    tpu.enqueue_indirect_dma source(%dma_start3A_112 : memref<10080x128xf32, #tpu.memory_space<hbm>>) target(%arg12 : memref<112x128xf32, #tpu.memory_space<vmem>>) offsets(%arg6 : memref<112xi32, #tpu.memory_space<vmem>>) semaphore(%arg19 : memref<!tpu.dma_semaphore, #tpu.memory_space<semaphore_mem>>)
    %scan3A_113 = arith.constant 0 : i32
    %scan3A_114 = arith.constant 0 : i32
    %scan3A_115 = arith.constant 28 : i32
    %scan3A_116 = arith.addi %scan3A_114, %scan3A_115 : i32
    %scan3A_117 = arith.constant 1 : i32
    %scan3A_118 = scf.for %scan3A_186 = %scan3A_114 to %scan3A_116 step %scan3A_117 iter_args(%scan3A_187 = %scan3A_113) -> (i32)  : i32 {
      %mul3A_188 = arith.constant 3 : i32
      %mul3A_189 = arith.muli %mul3A_188, %scan3A_186 : i32
      %add3A_190 = arith.constant 3 : i32
      %add3A_191 = arith.addi %add3A_190, %mul3A_189 : i32
      %dma_wait3A_192 = arith.constant 0 : i32
      %dma_wait3A_193 = arith.constant 0 : i32
      %dma_wait3A_194 = tpu.memref_slice %arg2[%dma_wait3A_192, %dma_wait3A_193] : memref<10080x128xf32, #tpu.memory_space<hbm>> -> memref<10080x128xf32, #tpu.memory_space<hbm>>
      tpu.wait_indirect_dma semaphore(%arg19 : memref<!tpu.dma_semaphore, #tpu.memory_space<semaphore_mem>>) src(%dma_wait3A_194 : memref<10080x128xf32, #tpu.memory_space<hbm>>) dst(%arg12 : memref<112x128xf32, #tpu.memory_space<vmem>>)
      %dma_start3A_195 = arith.constant 0 : i32
      %dma_start3A_196 = arith.constant 0 : i32
      %dma_start3A_197 = tpu.memref_slice %arg15[%dma_start3A_195, %dma_start3A_196] : memref<10080x128xf32, #tpu.memory_space<vmem_shared>> -> memref<10080x128xf32, #tpu.memory_space<vmem_shared>>
      tpu.enqueue_indirect_dma source(%arg12 : memref<112x128xf32, #tpu.memory_space<vmem>>) target(%dma_start3A_197 : memref<10080x128xf32, #tpu.memory_space<vmem_shared>>) offsets(%arg9 : memref<112xi32, #tpu.memory_space<vmem>>) semaphore(%arg22 : memref<!tpu.dma_semaphore, #tpu.memory_space<semaphore_mem>>) {add = true}
      %dma_wait3A_198 = arith.constant 0 : i32
      %dma_wait3A_199 = arith.constant 0 : i32
      %dma_wait3A_200 = tpu.memref_slice %arg15[%dma_wait3A_198, %dma_wait3A_199] : memref<10080x128xf32, #tpu.memory_space<vmem_shared>> -> memref<10080x128xf32, #tpu.memory_space<vmem_shared>>
      tpu.wait_indirect_dma semaphore(%arg22 : memref<!tpu.dma_semaphore, #tpu.memory_space<semaphore_mem>>) src(%arg14 : memref<112x128xf32, #tpu.memory_space<vmem>>) dst(%dma_wait3A_200 : memref<10080x128xf32, #tpu.memory_space<vmem_shared>>)
      %add3A_201 = arith.constant 2 : i32
      %add3A_202 = arith.addi %add3A_191, %add3A_201 : i32
      %mul3A_203 = arith.constant 112 : i32
      %mul3A_204 = arith.muli %add3A_202, %mul3A_203 : i32
      %add3A_205 = arith.addi %mul3A_2, %mul3A_204 : i32
      %dma_start3A_206 = tpu.memref_slice %arg3[%add3A_205] : memref<322560xi32, #tpu.memory_space<hbm>> -> memref<112xi32, #tpu.memory_space<hbm>>
      %dma_start3A_207 = tpu.memref_slice %arg3[%add3A_205] : memref<322560xi32, #tpu.memory_space<hbm>> -> memref<112xi32, #tpu.memory_space<hbm>>
      tpu.enqueue_dma source(%dma_start3A_207 : memref<112xi32, #tpu.memory_space<hbm>>) target(%arg8 : memref<112xi32, #tpu.memory_space<vmem>>) target_semaphore(%arg18 : memref<!tpu.dma_semaphore, #tpu.memory_space<semaphore_mem>>)
      %dma_start3A_208 = tpu.memref_slice %arg4[%add3A_205] : memref<322560xi32, #tpu.memory_space<hbm>> -> memref<112xi32, #tpu.memory_space<hbm>>
      %dma_start3A_209 = tpu.memref_slice %arg4[%add3A_205] : memref<322560xi32, #tpu.memory_space<hbm>> -> memref<112xi32, #tpu.memory_space<hbm>>
      tpu.enqueue_dma source(%dma_start3A_209 : memref<112xi32, #tpu.memory_space<hbm>>) target(%arg11 : memref<112xi32, #tpu.memory_space<vmem>>) target_semaphore(%arg18 : memref<!tpu.dma_semaphore, #tpu.memory_space<semaphore_mem>>)
      %dma_wait3A_210 = arith.constant 0 : i32
      %dma_wait3A_211 = tpu.memref_slice %arg3[%dma_wait3A_210] : memref<322560xi32, #tpu.memory_space<hbm>> -> memref<112xi32, #tpu.memory_space<hbm>>
      %dma_wait3A_212 = arith.constant 0 : i32
      %dma_wait3A_213 = tpu.memref_slice %arg3[%dma_wait3A_212] : memref<322560xi32, #tpu.memory_space<hbm>> -> memref<112xi32, #tpu.memory_space<hbm>>
      tpu.wait_dma2 semaphore(%arg17 : memref<!tpu.dma_semaphore, #tpu.memory_space<semaphore_mem>>) src(%dma_wait3A_213 : memref<112xi32, #tpu.memory_space<hbm>>) dst(%arg7 : memref<112xi32, #tpu.memory_space<vmem>>)
      %dma_wait3A_214 = arith.constant 0 : i32
      %dma_wait3A_215 = tpu.memref_slice %arg4[%dma_wait3A_214] : memref<322560xi32, #tpu.memory_space<hbm>> -> memref<112xi32, #tpu.memory_space<hbm>>
      %dma_wait3A_216 = arith.constant 0 : i32
      %dma_wait3A_217 = tpu.memref_slice %arg4[%dma_wait3A_216] : memref<322560xi32, #tpu.memory_space<hbm>> -> memref<112xi32, #tpu.memory_space<hbm>>
      tpu.wait_dma2 semaphore(%arg17 : memref<!tpu.dma_semaphore, #tpu.memory_space<semaphore_mem>>) src(%dma_wait3A_217 : memref<112xi32, #tpu.memory_space<hbm>>) dst(%arg10 : memref<112xi32, #tpu.memory_space<vmem>>)
      %dma_start3A_218 = arith.constant 0 : i32
      %dma_start3A_219 = arith.constant 0 : i32
      %dma_start3A_220 = tpu.memref_slice %arg2[%dma_start3A_218, %dma_start3A_219] : memref<10080x128xf32, #tpu.memory_space<hbm>> -> memref<10080x128xf32, #tpu.memory_space<hbm>>
      tpu.enqueue_indirect_dma source(%dma_start3A_220 : memref<10080x128xf32, #tpu.memory_space<hbm>>) target(%arg13 : memref<112x128xf32, #tpu.memory_space<vmem>>) offsets(%arg7 : memref<112xi32, #tpu.memory_space<vmem>>) semaphore(%arg20 : memref<!tpu.dma_semaphore, #tpu.memory_space<semaphore_mem>>)
      %add3A_221 = arith.constant 1 : i32
      %add3A_222 = arith.addi %add3A_191, %add3A_221 : i32
      %dma_wait3A_223 = arith.constant 0 : i32
      %dma_wait3A_224 = arith.constant 0 : i32
      %dma_wait3A_225 = tpu.memref_slice %arg2[%dma_wait3A_223, %dma_wait3A_224] : memref<10080x128xf32, #tpu.memory_space<hbm>> -> memref<10080x128xf32, #tpu.memory_space<hbm>>
      tpu.wait_indirect_dma semaphore(%arg20 : memref<!tpu.dma_semaphore, #tpu.memory_space<semaphore_mem>>) src(%dma_wait3A_225 : memref<10080x128xf32, #tpu.memory_space<hbm>>) dst(%arg13 : memref<112x128xf32, #tpu.memory_space<vmem>>)
      %dma_start3A_226 = arith.constant 0 : i32
      %dma_start3A_227 = arith.constant 0 : i32
      %dma_start3A_228 = tpu.memref_slice %arg15[%dma_start3A_226, %dma_start3A_227] : memref<10080x128xf32, #tpu.memory_space<vmem_shared>> -> memref<10080x128xf32, #tpu.memory_space<vmem_shared>>
      tpu.enqueue_indirect_dma source(%arg13 : memref<112x128xf32, #tpu.memory_space<vmem>>) target(%dma_start3A_228 : memref<10080x128xf32, #tpu.memory_space<vmem_shared>>) offsets(%arg10 : memref<112xi32, #tpu.memory_space<vmem>>) semaphore(%arg22 : memref<!tpu.dma_semaphore, #tpu.memory_space<semaphore_mem>>) {add = true}
      %dma_wait3A_229 = arith.constant 0 : i32
      %dma_wait3A_230 = arith.constant 0 : i32
      %dma_wait3A_231 = tpu.memref_slice %arg15[%dma_wait3A_229, %dma_wait3A_230] : memref<10080x128xf32, #tpu.memory_space<vmem_shared>> -> memref<10080x128xf32, #tpu.memory_space<vmem_shared>>
      tpu.wait_indirect_dma semaphore(%arg22 : memref<!tpu.dma_semaphore, #tpu.memory_space<semaphore_mem>>) src(%arg12 : memref<112x128xf32, #tpu.memory_space<vmem>>) dst(%dma_wait3A_231 : memref<10080x128xf32, #tpu.memory_space<vmem_shared>>)
      %add3A_232 = arith.constant 2 : i32
      %add3A_233 = arith.addi %add3A_222, %add3A_232 : i32
      %mul3A_234 = arith.constant 112 : i32
      %mul3A_235 = arith.muli %add3A_233, %mul3A_234 : i32
      %add3A_236 = arith.addi %mul3A_2, %mul3A_235 : i32
      %dma_start3A_237 = tpu.memref_slice %arg3[%add3A_236] : memref<322560xi32, #tpu.memory_space<hbm>> -> memref<112xi32, #tpu.memory_space<hbm>>
      %dma_start3A_238 = tpu.memref_slice %arg3[%add3A_236] : memref<322560xi32, #tpu.memory_space<hbm>> -> memref<112xi32, #tpu.memory_space<hbm>>
      tpu.enqueue_dma source(%dma_start3A_238 : memref<112xi32, #tpu.memory_space<hbm>>) target(%arg6 : memref<112xi32, #tpu.memory_space<vmem>>) target_semaphore(%arg16 : memref<!tpu.dma_semaphore, #tpu.memory_space<semaphore_mem>>)
      %dma_start3A_239 = tpu.memref_slice %arg4[%add3A_236] : memref<322560xi32, #tpu.memory_space<hbm>> -> memref<112xi32, #tpu.memory_space<hbm>>
      %dma_start3A_240 = tpu.memref_slice %arg4[%add3A_236] : memref<322560xi32, #tpu.memory_space<hbm>> -> memref<112xi32, #tpu.memory_space<hbm>>
      tpu.enqueue_dma source(%dma_start3A_240 : memref<112xi32, #tpu.memory_space<hbm>>) target(%arg9 : memref<112xi32, #tpu.memory_space<vmem>>) target_semaphore(%arg16 : memref<!tpu.dma_semaphore, #tpu.memory_space<semaphore_mem>>)
      %dma_wait3A_241 = arith.constant 0 : i32
      %dma_wait3A_242 = tpu.memref_slice %arg3[%dma_wait3A_241] : memref<322560xi32, #tpu.memory_space<hbm>> -> memref<112xi32, #tpu.memory_space<hbm>>
      %dma_wait3A_243 = arith.constant 0 : i32
      %dma_wait3A_244 = tpu.memref_slice %arg3[%dma_wait3A_243] : memref<322560xi32, #tpu.memory_space<hbm>> -> memref<112xi32, #tpu.memory_space<hbm>>
      tpu.wait_dma2 semaphore(%arg18 : memref<!tpu.dma_semaphore, #tpu.memory_space<semaphore_mem>>) src(%dma_wait3A_244 : memref<112xi32, #tpu.memory_space<hbm>>) dst(%arg8 : memref<112xi32, #tpu.memory_space<vmem>>)
      %dma_wait3A_245 = arith.constant 0 : i32
      %dma_wait3A_246 = tpu.memref_slice %arg4[%dma_wait3A_245] : memref<322560xi32, #tpu.memory_space<hbm>> -> memref<112xi32, #tpu.memory_space<hbm>>
      %dma_wait3A_247 = arith.constant 0 : i32
      %dma_wait3A_248 = tpu.memref_slice %arg4[%dma_wait3A_247] : memref<322560xi32, #tpu.memory_space<hbm>> -> memref<112xi32, #tpu.memory_space<hbm>>
      tpu.wait_dma2 semaphore(%arg18 : memref<!tpu.dma_semaphore, #tpu.memory_space<semaphore_mem>>) src(%dma_wait3A_248 : memref<112xi32, #tpu.memory_space<hbm>>) dst(%arg11 : memref<112xi32, #tpu.memory_space<vmem>>)
      %dma_start3A_249 = arith.constant 0 : i32
      %dma_start3A_250 = arith.constant 0 : i32
      %dma_start3A_251 = tpu.memref_slice %arg2[%dma_start3A_249, %dma_start3A_250] : memref<10080x128xf32, #tpu.memory_space<hbm>> -> memref<10080x128xf32, #tpu.memory_space<hbm>>
      tpu.enqueue_indirect_dma source(%dma_start3A_251 : memref<10080x128xf32, #tpu.memory_space<hbm>>) target(%arg14 : memref<112x128xf32, #tpu.memory_space<vmem>>) offsets(%arg8 : memref<112xi32, #tpu.memory_space<vmem>>) semaphore(%arg21 : memref<!tpu.dma_semaphore, #tpu.memory_space<semaphore_mem>>)
      %add3A_252 = arith.constant 2 : i32
      %add3A_253 = arith.addi %add3A_191, %add3A_252 : i32
      %dma_wait3A_254 = arith.constant 0 : i32
      %dma_wait3A_255 = arith.constant 0 : i32
      %dma_wait3A_256 = tpu.memref_slice %arg2[%dma_wait3A_254, %dma_wait3A_255] : memref<10080x128xf32, #tpu.memory_space<hbm>> -> memref<10080x128xf32, #tpu.memory_space<hbm>>
      tpu.wait_indirect_dma semaphore(%arg21 : memref<!tpu.dma_semaphore, #tpu.memory_space<semaphore_mem>>) src(%dma_wait3A_256 : memref<10080x128xf32, #tpu.memory_space<hbm>>) dst(%arg14 : memref<112x128xf32, #tpu.memory_space<vmem>>)
      %dma_start3A_257 = arith.constant 0 : i32
      %dma_start3A_258 = arith.constant 0 : i32
      %dma_start3A_259 = tpu.memref_slice %arg15[%dma_start3A_257, %dma_start3A_258] : memref<10080x128xf32, #tpu.memory_space<vmem_shared>> -> memref<10080x128xf32, #tpu.memory_space<vmem_shared>>
      tpu.enqueue_indirect_dma source(%arg14 : memref<112x128xf32, #tpu.memory_space<vmem>>) target(%dma_start3A_259 : memref<10080x128xf32, #tpu.memory_space<vmem_shared>>) offsets(%arg11 : memref<112xi32, #tpu.memory_space<vmem>>) semaphore(%arg22 : memref<!tpu.dma_semaphore, #tpu.memory_space<semaphore_mem>>) {add = true}
      %dma_wait3A_260 = arith.constant 0 : i32
      %dma_wait3A_261 = arith.constant 0 : i32
      %dma_wait3A_262 = tpu.memref_slice %arg15[%dma_wait3A_260, %dma_wait3A_261] : memref<10080x128xf32, #tpu.memory_space<vmem_shared>> -> memref<10080x128xf32, #tpu.memory_space<vmem_shared>>
      tpu.wait_indirect_dma semaphore(%arg22 : memref<!tpu.dma_semaphore, #tpu.memory_space<semaphore_mem>>) src(%arg13 : memref<112x128xf32, #tpu.memory_space<vmem>>) dst(%dma_wait3A_262 : memref<10080x128xf32, #tpu.memory_space<vmem_shared>>)
      %add3A_263 = arith.constant 2 : i32
      %add3A_264 = arith.addi %add3A_253, %add3A_263 : i32
      %mul3A_265 = arith.constant 112 : i32
      %mul3A_266 = arith.muli %add3A_264, %mul3A_265 : i32
      %add3A_267 = arith.addi %mul3A_2, %mul3A_266 : i32
      %dma_start3A_268 = tpu.memref_slice %arg3[%add3A_267] : memref<322560xi32, #tpu.memory_space<hbm>> -> memref<112xi32, #tpu.memory_space<hbm>>
      %dma_start3A_269 = tpu.memref_slice %arg3[%add3A_267] : memref<322560xi32, #tpu.memory_space<hbm>> -> memref<112xi32, #tpu.memory_space<hbm>>
      tpu.enqueue_dma source(%dma_start3A_269 : memref<112xi32, #tpu.memory_space<hbm>>) target(%arg7 : memref<112xi32, #tpu.memory_space<vmem>>) target_semaphore(%arg17 : memref<!tpu.dma_semaphore, #tpu.memory_space<semaphore_mem>>)
      %dma_start3A_270 = tpu.memref_slice %arg4[%add3A_267] : memref<322560xi32, #tpu.memory_space<hbm>> -> memref<112xi32, #tpu.memory_space<hbm>>
      %dma_start3A_271 = tpu.memref_slice %arg4[%add3A_267] : memref<322560xi32, #tpu.memory_space<hbm>> -> memref<112xi32, #tpu.memory_space<hbm>>
      tpu.enqueue_dma source(%dma_start3A_271 : memref<112xi32, #tpu.memory_space<hbm>>) target(%arg10 : memref<112xi32, #tpu.memory_space<vmem>>) target_semaphore(%arg17 : memref<!tpu.dma_semaphore, #tpu.memory_space<semaphore_mem>>)
      %dma_wait3A_272 = arith.constant 0 : i32
      %dma_wait3A_273 = tpu.memref_slice %arg3[%dma_wait3A_272] : memref<322560xi32, #tpu.memory_space<hbm>> -> memref<112xi32, #tpu.memory_space<hbm>>
      %dma_wait3A_274 = arith.constant 0 : i32
      %dma_wait3A_275 = tpu.memref_slice %arg3[%dma_wait3A_274] : memref<322560xi32, #tpu.memory_space<hbm>> -> memref<112xi32, #tpu.memory_space<hbm>>
      tpu.wait_dma2 semaphore(%arg16 : memref<!tpu.dma_semaphore, #tpu.memory_space<semaphore_mem>>) src(%dma_wait3A_275 : memref<112xi32, #tpu.memory_space<hbm>>) dst(%arg6 : memref<112xi32, #tpu.memory_space<vmem>>)
      %dma_wait3A_276 = arith.constant 0 : i32
      %dma_wait3A_277 = tpu.memref_slice %arg4[%dma_wait3A_276] : memref<322560xi32, #tpu.memory_space<hbm>> -> memref<112xi32, #tpu.memory_space<hbm>>
      %dma_wait3A_278 = arith.constant 0 : i32
      %dma_wait3A_279 = tpu.memref_slice %arg4[%dma_wait3A_278] : memref<322560xi32, #tpu.memory_space<hbm>> -> memref<112xi32, #tpu.memory_space<hbm>>
      tpu.wait_dma2 semaphore(%arg16 : memref<!tpu.dma_semaphore, #tpu.memory_space<semaphore_mem>>) src(%dma_wait3A_279 : memref<112xi32, #tpu.memory_space<hbm>>) dst(%arg9 : memref<112xi32, #tpu.memory_space<vmem>>)
      %dma_start3A_280 = arith.constant 0 : i32
      %dma_start3A_281 = arith.constant 0 : i32
      %dma_start3A_282 = tpu.memref_slice %arg2[%dma_start3A_280, %dma_start3A_281] : memref<10080x128xf32, #tpu.memory_space<hbm>> -> memref<10080x128xf32, #tpu.memory_space<hbm>>
      tpu.enqueue_indirect_dma source(%dma_start3A_282 : memref<10080x128xf32, #tpu.memory_space<hbm>>) target(%arg12 : memref<112x128xf32, #tpu.memory_space<vmem>>) offsets(%arg6 : memref<112xi32, #tpu.memory_space<vmem>>) semaphore(%arg19 : memref<!tpu.dma_semaphore, #tpu.memory_space<semaphore_mem>>)
      %scan3A_283 = arith.constant 0 : i32
      scf.yield %scan3A_283 : i32
    }
    %scan3A_119 = arith.constant 28 : i32
    %dma_wait3A_120 = arith.constant 0 : i32
    %dma_wait3A_121 = arith.constant 0 : i32
    %dma_wait3A_122 = tpu.memref_slice %arg2[%dma_wait3A_120, %dma_wait3A_121] : memref<10080x128xf32, #tpu.memory_space<hbm>> -> memref<10080x128xf32, #tpu.memory_space<hbm>>
    tpu.wait_indirect_dma semaphore(%arg19 : memref<!tpu.dma_semaphore, #tpu.memory_space<semaphore_mem>>) src(%dma_wait3A_122 : memref<10080x128xf32, #tpu.memory_space<hbm>>) dst(%arg12 : memref<112x128xf32, #tpu.memory_space<vmem>>)
    %dma_start3A_123 = arith.constant 0 : i32
    %dma_start3A_124 = arith.constant 0 : i32
    %dma_start3A_125 = tpu.memref_slice %arg15[%dma_start3A_123, %dma_start3A_124] : memref<10080x128xf32, #tpu.memory_space<vmem_shared>> -> memref<10080x128xf32, #tpu.memory_space<vmem_shared>>
    tpu.enqueue_indirect_dma source(%arg12 : memref<112x128xf32, #tpu.memory_space<vmem>>) target(%dma_start3A_125 : memref<10080x128xf32, #tpu.memory_space<vmem_shared>>) offsets(%arg9 : memref<112xi32, #tpu.memory_space<vmem>>) semaphore(%arg22 : memref<!tpu.dma_semaphore, #tpu.memory_space<semaphore_mem>>) {add = true}
    %dma_wait3A_126 = arith.constant 0 : i32
    %dma_wait3A_127 = arith.constant 0 : i32
    %dma_wait3A_128 = tpu.memref_slice %arg15[%dma_wait3A_126, %dma_wait3A_127] : memref<10080x128xf32, #tpu.memory_space<vmem_shared>> -> memref<10080x128xf32, #tpu.memory_space<vmem_shared>>
    tpu.wait_indirect_dma semaphore(%arg22 : memref<!tpu.dma_semaphore, #tpu.memory_space<semaphore_mem>>) src(%arg14 : memref<112x128xf32, #tpu.memory_space<vmem>>) dst(%dma_wait3A_128 : memref<10080x128xf32, #tpu.memory_space<vmem_shared>>)
    %add3A_129 = arith.constant 9968 : i32
    %add3A_130 = arith.addi %mul3A_2, %add3A_129 : i32
    %dma_start3A_131 = tpu.memref_slice %arg3[%add3A_130] : memref<322560xi32, #tpu.memory_space<hbm>> -> memref<112xi32, #tpu.memory_space<hbm>>
    %dma_start3A_132 = tpu.memref_slice %arg3[%add3A_130] : memref<322560xi32, #tpu.memory_space<hbm>> -> memref<112xi32, #tpu.memory_space<hbm>>
    tpu.enqueue_dma source(%dma_start3A_132 : memref<112xi32, #tpu.memory_space<hbm>>) target(%arg8 : memref<112xi32, #tpu.memory_space<vmem>>) target_semaphore(%arg18 : memref<!tpu.dma_semaphore, #tpu.memory_space<semaphore_mem>>)
    %dma_start3A_133 = tpu.memref_slice %arg4[%add3A_130] : memref<322560xi32, #tpu.memory_space<hbm>> -> memref<112xi32, #tpu.memory_space<hbm>>
    %dma_start3A_134 = tpu.memref_slice %arg4[%add3A_130] : memref<322560xi32, #tpu.memory_space<hbm>> -> memref<112xi32, #tpu.memory_space<hbm>>
    tpu.enqueue_dma source(%dma_start3A_134 : memref<112xi32, #tpu.memory_space<hbm>>) target(%arg11 : memref<112xi32, #tpu.memory_space<vmem>>) target_semaphore(%arg18 : memref<!tpu.dma_semaphore, #tpu.memory_space<semaphore_mem>>)
    %dma_wait3A_135 = arith.constant 0 : i32
    %dma_wait3A_136 = tpu.memref_slice %arg3[%dma_wait3A_135] : memref<322560xi32, #tpu.memory_space<hbm>> -> memref<112xi32, #tpu.memory_space<hbm>>
    %dma_wait3A_137 = arith.constant 0 : i32
    %dma_wait3A_138 = tpu.memref_slice %arg3[%dma_wait3A_137] : memref<322560xi32, #tpu.memory_space<hbm>> -> memref<112xi32, #tpu.memory_space<hbm>>
    tpu.wait_dma2 semaphore(%arg17 : memref<!tpu.dma_semaphore, #tpu.memory_space<semaphore_mem>>) src(%dma_wait3A_138 : memref<112xi32, #tpu.memory_space<hbm>>) dst(%arg7 : memref<112xi32, #tpu.memory_space<vmem>>)
    %dma_wait3A_139 = arith.constant 0 : i32
    %dma_wait3A_140 = tpu.memref_slice %arg4[%dma_wait3A_139] : memref<322560xi32, #tpu.memory_space<hbm>> -> memref<112xi32, #tpu.memory_space<hbm>>
    %dma_wait3A_141 = arith.constant 0 : i32
    %dma_wait3A_142 = tpu.memref_slice %arg4[%dma_wait3A_141] : memref<322560xi32, #tpu.memory_space<hbm>> -> memref<112xi32, #tpu.memory_space<hbm>>
    tpu.wait_dma2 semaphore(%arg17 : memref<!tpu.dma_semaphore, #tpu.memory_space<semaphore_mem>>) src(%dma_wait3A_142 : memref<112xi32, #tpu.memory_space<hbm>>) dst(%arg10 : memref<112xi32, #tpu.memory_space<vmem>>)
    %dma_start3A_143 = arith.constant 0 : i32
    %dma_start3A_144 = arith.constant 0 : i32
    %dma_start3A_145 = tpu.memref_slice %arg2[%dma_start3A_143, %dma_start3A_144] : memref<10080x128xf32, #tpu.memory_space<hbm>> -> memref<10080x128xf32, #tpu.memory_space<hbm>>
    tpu.enqueue_indirect_dma source(%dma_start3A_145 : memref<10080x128xf32, #tpu.memory_space<hbm>>) target(%arg13 : memref<112x128xf32, #tpu.memory_space<vmem>>) offsets(%arg7 : memref<112xi32, #tpu.memory_space<vmem>>) semaphore(%arg20 : memref<!tpu.dma_semaphore, #tpu.memory_space<semaphore_mem>>)
    %dma_wait3A_146 = arith.constant 0 : i32
    %dma_wait3A_147 = arith.constant 0 : i32
    %dma_wait3A_148 = tpu.memref_slice %arg2[%dma_wait3A_146, %dma_wait3A_147] : memref<10080x128xf32, #tpu.memory_space<hbm>> -> memref<10080x128xf32, #tpu.memory_space<hbm>>
    tpu.wait_indirect_dma semaphore(%arg20 : memref<!tpu.dma_semaphore, #tpu.memory_space<semaphore_mem>>) src(%dma_wait3A_148 : memref<10080x128xf32, #tpu.memory_space<hbm>>) dst(%arg13 : memref<112x128xf32, #tpu.memory_space<vmem>>)
    %dma_start3A_149 = arith.constant 0 : i32
    %dma_start3A_150 = arith.constant 0 : i32
    %dma_start3A_151 = tpu.memref_slice %arg15[%dma_start3A_149, %dma_start3A_150] : memref<10080x128xf32, #tpu.memory_space<vmem_shared>> -> memref<10080x128xf32, #tpu.memory_space<vmem_shared>>
    tpu.enqueue_indirect_dma source(%arg13 : memref<112x128xf32, #tpu.memory_space<vmem>>) target(%dma_start3A_151 : memref<10080x128xf32, #tpu.memory_space<vmem_shared>>) offsets(%arg10 : memref<112xi32, #tpu.memory_space<vmem>>) semaphore(%arg22 : memref<!tpu.dma_semaphore, #tpu.memory_space<semaphore_mem>>) {add = true}
    %dma_wait3A_152 = arith.constant 0 : i32
    %dma_wait3A_153 = arith.constant 0 : i32
    %dma_wait3A_154 = tpu.memref_slice %arg15[%dma_wait3A_152, %dma_wait3A_153] : memref<10080x128xf32, #tpu.memory_space<vmem_shared>> -> memref<10080x128xf32, #tpu.memory_space<vmem_shared>>
    tpu.wait_indirect_dma semaphore(%arg22 : memref<!tpu.dma_semaphore, #tpu.memory_space<semaphore_mem>>) src(%arg12 : memref<112x128xf32, #tpu.memory_space<vmem>>) dst(%dma_wait3A_154 : memref<10080x128xf32, #tpu.memory_space<vmem_shared>>)
    %dma_wait3A_155 = arith.constant 0 : i32
    %dma_wait3A_156 = tpu.memref_slice %arg3[%dma_wait3A_155] : memref<322560xi32, #tpu.memory_space<hbm>> -> memref<112xi32, #tpu.memory_space<hbm>>
    %dma_wait3A_157 = arith.constant 0 : i32
    %dma_wait3A_158 = tpu.memref_slice %arg3[%dma_wait3A_157] : memref<322560xi32, #tpu.memory_space<hbm>> -> memref<112xi32, #tpu.memory_space<hbm>>
    tpu.wait_dma2 semaphore(%arg18 : memref<!tpu.dma_semaphore, #tpu.memory_space<semaphore_mem>>) src(%dma_wait3A_158 : memref<112xi32, #tpu.memory_space<hbm>>) dst(%arg8 : memref<112xi32, #tpu.memory_space<vmem>>)
    %dma_wait3A_159 = arith.constant 0 : i32
    %dma_wait3A_160 = tpu.memref_slice %arg4[%dma_wait3A_159] : memref<322560xi32, #tpu.memory_space<hbm>> -> memref<112xi32, #tpu.memory_space<hbm>>
    %dma_wait3A_161 = arith.constant 0 : i32
    %dma_wait3A_162 = tpu.memref_slice %arg4[%dma_wait3A_161] : memref<322560xi32, #tpu.memory_space<hbm>> -> memref<112xi32, #tpu.memory_space<hbm>>
    tpu.wait_dma2 semaphore(%arg18 : memref<!tpu.dma_semaphore, #tpu.memory_space<semaphore_mem>>) src(%dma_wait3A_162 : memref<112xi32, #tpu.memory_space<hbm>>) dst(%arg11 : memref<112xi32, #tpu.memory_space<vmem>>)
    %dma_start3A_163 = arith.constant 0 : i32
    %dma_start3A_164 = arith.constant 0 : i32
    %dma_start3A_165 = tpu.memref_slice %arg2[%dma_start3A_163, %dma_start3A_164] : memref<10080x128xf32, #tpu.memory_space<hbm>> -> memref<10080x128xf32, #tpu.memory_space<hbm>>
    tpu.enqueue_indirect_dma source(%dma_start3A_165 : memref<10080x128xf32, #tpu.memory_space<hbm>>) target(%arg14 : memref<112x128xf32, #tpu.memory_space<vmem>>) offsets(%arg8 : memref<112xi32, #tpu.memory_space<vmem>>) semaphore(%arg21 : memref<!tpu.dma_semaphore, #tpu.memory_space<semaphore_mem>>)
    %dma_wait3A_166 = arith.constant 0 : i32
    %dma_wait3A_167 = arith.constant 0 : i32
    %dma_wait3A_168 = tpu.memref_slice %arg2[%dma_wait3A_166, %dma_wait3A_167] : memref<10080x128xf32, #tpu.memory_space<hbm>> -> memref<10080x128xf32, #tpu.memory_space<hbm>>
    tpu.wait_indirect_dma semaphore(%arg21 : memref<!tpu.dma_semaphore, #tpu.memory_space<semaphore_mem>>) src(%dma_wait3A_168 : memref<10080x128xf32, #tpu.memory_space<hbm>>) dst(%arg14 : memref<112x128xf32, #tpu.memory_space<vmem>>)
    %dma_start3A_169 = arith.constant 0 : i32
    %dma_start3A_170 = arith.constant 0 : i32
    %dma_start3A_171 = tpu.memref_slice %arg15[%dma_start3A_169, %dma_start3A_170] : memref<10080x128xf32, #tpu.memory_space<vmem_shared>> -> memref<10080x128xf32, #tpu.memory_space<vmem_shared>>
    tpu.enqueue_indirect_dma source(%arg14 : memref<112x128xf32, #tpu.memory_space<vmem>>) target(%dma_start3A_171 : memref<10080x128xf32, #tpu.memory_space<vmem_shared>>) offsets(%arg11 : memref<112xi32, #tpu.memory_space<vmem>>) semaphore(%arg22 : memref<!tpu.dma_semaphore, #tpu.memory_space<semaphore_mem>>) {add = true}
    %dma_wait3A_172 = arith.constant 0 : i32
    %dma_wait3A_173 = arith.constant 0 : i32
    %dma_wait3A_174 = tpu.memref_slice %arg15[%dma_wait3A_172, %dma_wait3A_173] : memref<10080x128xf32, #tpu.memory_space<vmem_shared>> -> memref<10080x128xf32, #tpu.memory_space<vmem_shared>>
    tpu.wait_indirect_dma semaphore(%arg22 : memref<!tpu.dma_semaphore, #tpu.memory_space<semaphore_mem>>) src(%arg13 : memref<112x128xf32, #tpu.memory_space<vmem>>) dst(%dma_wait3A_174 : memref<10080x128xf32, #tpu.memory_space<vmem_shared>>)
    %dma_wait3A_175 = arith.constant 0 : i32
    %dma_wait3A_176 = arith.constant 0 : i32
    %dma_wait3A_177 = tpu.memref_slice %arg15[%dma_wait3A_175, %dma_wait3A_176] : memref<10080x128xf32, #tpu.memory_space<vmem_shared>> -> memref<10080x128xf32, #tpu.memory_space<vmem_shared>>
    tpu.wait_indirect_dma semaphore(%arg22 : memref<!tpu.dma_semaphore, #tpu.memory_space<semaphore_mem>>) src(%arg14 : memref<112x128xf32, #tpu.memory_space<vmem>>) dst(%dma_wait3A_177 : memref<10080x128xf32, #tpu.memory_space<vmem_shared>>)
    %barrier3A_178 = arith.constant 0 : index
    tpu.barrier barrier_id(%barrier3A_178)
    %scan3A_179 = arith.constant 0 : i32
    %scan3A_180 = arith.constant 0 : i32
    %scan3A_181 = arith.constant 6 : i32
    %scan3A_182 = arith.addi %scan3A_180, %scan3A_181 : i32
    %scan3A_183 = arith.constant 1 : i32
    %scan3A_184 = scf.for %scan3A_186 = %scan3A_180 to %scan3A_182 step %scan3A_183 iter_args(%scan3A_187 = %scan3A_179) -> (i32)  : i32 {
      %mul3A_188 = arith.constant 16 : i32
      %mul3A_189 = arith.muli %scan3A_186, %mul3A_188 : i32
      %add3A_190 = arith.addi %arg1, %mul3A_189 : i32
      %min3A = arith.constant 89 : i32
      %min3A_191 = arith.minsi %add3A_190, %min3A : i32
      %mul3A_192 = arith.constant 112 : i32
      %mul3A_193 = arith.muli %min3A_191, %mul3A_192 : i32
      "tpu.region"() ({
        %run_scoped3A = tpu.sem_alloc : memref<!tpu.dma_semaphore, #tpu.memory_space<semaphore_mem>>
        %dma_start3A_197 = arith.constant 0 : i32
        %dma_start3A_198 = tpu.memref_slice %arg15[%mul3A_193, %dma_start3A_197] : memref<10080x128xf32, #tpu.memory_space<vmem_shared>> -> memref<112x128xf32, #tpu.memory_space<vmem_shared>>
        %dma_start3A_199 = arith.constant 0 : i32
        %dma_start3A_200 = tpu.memref_slice %arg15[%mul3A_193, %dma_start3A_199] : memref<10080x128xf32, #tpu.memory_space<vmem_shared>> -> memref<112x128xf32, #tpu.memory_space<vmem_shared>>
        tpu.enqueue_dma source(%dma_start3A_200 : memref<112x128xf32, #tpu.memory_space<vmem_shared>>) target(%arg12 : memref<112x128xf32, #tpu.memory_space<vmem>>) target_semaphore(%run_scoped3A : memref<!tpu.dma_semaphore, #tpu.memory_space<semaphore_mem>>)
        %dma_wait3A_201 = arith.constant 0 : i32
        %dma_wait3A_202 = tpu.memref_slice %arg15[%mul3A_193, %dma_wait3A_201] : memref<10080x128xf32, #tpu.memory_space<vmem_shared>> -> memref<112x128xf32, #tpu.memory_space<vmem_shared>>
        %dma_wait3A_203 = arith.constant 0 : i32
        %dma_wait3A_204 = tpu.memref_slice %arg15[%mul3A_193, %dma_wait3A_203] : memref<10080x128xf32, #tpu.memory_space<vmem_shared>> -> memref<112x128xf32, #tpu.memory_space<vmem_shared>>
        tpu.wait_dma2 semaphore(%run_scoped3A : memref<!tpu.dma_semaphore, #tpu.memory_space<semaphore_mem>>) src(%dma_wait3A_204 : memref<112x128xf32, #tpu.memory_space<vmem_shared>>) dst(%arg12 : memref<112x128xf32, #tpu.memory_space<vmem>>)
        tpu.yield
      }) : () -> ()
      %mul3A_194 = arith.constant 112 : i32
      %mul3A_195 = arith.muli %min3A_191, %mul3A_194 : i32
      "tpu.region"() ({
        %run_scoped3A = tpu.sem_alloc : memref<!tpu.dma_semaphore, #tpu.memory_space<semaphore_mem>>
        %dma_start3A_197 = arith.constant 0 : i32
        %dma_start3A_198 = tpu.memref_slice %arg5[%arg0, %mul3A_195, %dma_start3A_197] : memref<2x10080x128xf32, #tpu.memory_space<hbm>> -> memref<1x112x128xf32, #tpu.memory_space<hbm>>
        %dma_start3A_199 = tpu.memref_squeeze %dma_start3A_198 : memref<1x112x128xf32, #tpu.memory_space<hbm>> -> memref<112x128xf32, #tpu.memory_space<hbm>>
        %dma_start3A_200 = arith.constant 0 : i32
        %dma_start3A_201 = tpu.memref_slice %arg5[%arg0, %mul3A_195, %dma_start3A_200] : memref<2x10080x128xf32, #tpu.memory_space<hbm>> -> memref<1x112x128xf32, #tpu.memory_space<hbm>>
        %dma_start3A_202 = tpu.memref_squeeze %dma_start3A_201 : memref<1x112x128xf32, #tpu.memory_space<hbm>> -> memref<112x128xf32, #tpu.memory_space<hbm>>
        tpu.enqueue_dma source(%arg12 : memref<112x128xf32, #tpu.memory_space<vmem>>) target(%dma_start3A_202 : memref<112x128xf32, #tpu.memory_space<hbm>>) target_semaphore(%run_scoped3A : memref<!tpu.dma_semaphore, #tpu.memory_space<semaphore_mem>>)
        %dma_wait3A_203 = arith.constant 0 : i32
        %dma_wait3A_204 = tpu.memref_slice %arg5[%arg0, %mul3A_195, %dma_wait3A_203] : memref<2x10080x128xf32, #tpu.memory_space<hbm>> -> memref<1x112x128xf32, #tpu.memory_space<hbm>>
        %dma_wait3A_205 = tpu.memref_squeeze %dma_wait3A_204 : memref<1x112x128xf32, #tpu.memory_space<hbm>> -> memref<112x128xf32, #tpu.memory_space<hbm>>
        %dma_wait3A_206 = arith.constant 0 : i32
        %dma_wait3A_207 = tpu.memref_slice %arg5[%arg0, %mul3A_195, %dma_wait3A_206] : memref<2x10080x128xf32, #tpu.memory_space<hbm>> -> memref<1x112x128xf32, #tpu.memory_space<hbm>>
        %dma_wait3A_208 = tpu.memref_squeeze %dma_wait3A_207 : memref<1x112x128xf32, #tpu.memory_space<hbm>> -> memref<112x128xf32, #tpu.memory_space<hbm>>
        tpu.wait_dma2 semaphore(%run_scoped3A : memref<!tpu.dma_semaphore, #tpu.memory_space<semaphore_mem>>) src(%arg12 : memref<112x128xf32, #tpu.memory_space<vmem>>) dst(%dma_wait3A_208 : memref<112x128xf32, #tpu.memory_space<hbm>>)
        tpu.yield
      }) : () -> ()
      %scan3A_196 = arith.constant 0 : i32
      scf.yield %scan3A_196 : i32
    }
    %scan3A_185 = arith.constant 6 : i32
    return
  }
}

#map = affine_map<(d0, d1) -> (0, 0)>
#map1 = affine_map<(d0, d1) -> (0)>
#map2 = affine_map<(d0, d1) -> (0, 0, 0)>
module attributes {stable_mosaic.version = 14 : i64} {
  func.func @body(%arg0: i32, %arg1: i32, %arg2: memref<10080x128xf32, #tpu.memory_space<hbm>>, %arg3: memref<322560xi32, #tpu.memory_space<hbm>>, %arg4: memref<322560xi32, #tpu.memory_space<hbm>>, %arg5: memref<2x10080x128xf32, #tpu.memory_space<hbm>>, %arg6: memref<20160xf32, #tpu.memory_space<hbm>>, %arg7: memref<20160xf32, #tpu.memory_space<hbm>>, %arg8: memref<112xi32, #tpu.memory_space<vmem>>, %arg9: memref<112xi32, #tpu.memory_space<vmem>>, %arg10: memref<112xi32, #tpu.memory_space<vmem>>, %arg11: memref<112xi32, #tpu.memory_space<vmem>>, %arg12: memref<112xi32, #tpu.memory_space<vmem>>, %arg13: memref<112xi32, #tpu.memory_space<vmem>>, %arg14: memref<112x128xf32, #tpu.memory_space<vmem>>, %arg15: memref<112x128xf32, #tpu.memory_space<vmem>>, %arg16: memref<112x128xf32, #tpu.memory_space<vmem>>, %arg17: memref<10080x128xf32, #tpu.memory_space<vmem_shared>>, %arg18: memref<!tpu.dma_semaphore, #tpu.memory_space<semaphore_mem>>, %arg19: memref<!tpu.dma_semaphore, #tpu.memory_space<semaphore_mem>>, %arg20: memref<!tpu.dma_semaphore, #tpu.memory_space<semaphore_mem>>, %arg21: memref<!tpu.dma_semaphore, #tpu.memory_space<semaphore_mem>>, %arg22: memref<!tpu.dma_semaphore, #tpu.memory_space<semaphore_mem>>, %arg23: memref<!tpu.dma_semaphore, #tpu.memory_space<semaphore_mem>>, %arg24: memref<!tpu.dma_semaphore, #tpu.memory_space<semaphore_mem>>, %arg25: memref<!tpu.dma_semaphore, #tpu.memory_space<semaphore_mem>>, %arg26: memref<112xf32, #tpu.memory_space<vmem>>, %arg27: memref<112xf32, #tpu.memory_space<vmem>>, %arg28: memref<10080xf32, #tpu.memory_space<vmem_shared>>, %arg29: memref<10080xf32, #tpu.memory_space<vmem_shared>>) attributes {dimension_semantics = [#tpu.dimension_semantics<core_parallel>, #tpu.dimension_semantics<subcore_parallel>], iteration_bounds = array<i64: 2, 16>, scalar_prefetch = 0 : i64, scratch_operands = 22 : i64, tpu.core_type = #tpu.core_type<sc_vector_subcore>, window_params = [{transform_indices = #map}, {transform_indices = #map1}, {transform_indices = #map1}, {transform_indices = #map2}, {transform_indices = #map1}, {transform_indices = #map1}]} {
    %mul3A = arith.constant 16 : i32
    %mul3A_0 = arith.muli %arg0, %mul3A : i32
    %add3A = arith.addi %mul3A_0, %arg1 : i32
    %mul3A_1 = arith.constant 10080 : i32
    %mul3A_2 = arith.muli %add3A, %mul3A_1 : i32
    %broadcast_in_dim3A = arith.constant 0.000000e+00 : f32
    %broadcast_in_dim3A_3 = vector.broadcast %broadcast_in_dim3A : f32 to vector<16xf32>
    %scan3A = arith.constant 0 : i32
    %scan3A_4 = arith.constant 0 : i32
    %scan3A_5 = arith.constant 112 : i32
    %scan3A_6 = arith.addi %scan3A_4, %scan3A_5 : i32
    %scan3A_7 = arith.constant 1 : i32
    %scan3A_8 = scf.for %scan3A_305 = %scan3A_4 to %scan3A_6 step %scan3A_7 iter_args(%scan3A_306 = %scan3A) -> (i32)  : i32 {
      %swap3A_307 = arith.index_cast %scan3A_305 : i32 to index
      %swap3A_308 = arith.constant 0 : index
      %swap3A_309 = tpu.vector_load %arg14[%swap3A_307, %swap3A_308] {strides = array<i32>} : memref<112x128xf32, #tpu.memory_space<vmem>>, vector<1x16xf32>,
      %swap3A_310 = vector.shape_cast %swap3A_309 : vector<1x16xf32> to vector<16xf32>
      %swap3A_311 = vector.shape_cast %broadcast_in_dim3A_3 : vector<16xf32> to vector<1x16xf32>
      tpu.vector_store %arg14[%swap3A_307, %swap3A_308], %swap3A_311 {strides = array<i32>} : memref<112x128xf32, #tpu.memory_space<vmem>>, vector<1x16xf32>,
      %swap3A_312 = arith.index_cast %scan3A_305 : i32 to index
      %swap3A_313 = arith.constant 16 : index
      %swap3A_314 = tpu.vector_load %arg14[%swap3A_312, %swap3A_313] {strides = array<i32>} : memref<112x128xf32, #tpu.memory_space<vmem>>, vector<1x16xf32>,
      %swap3A_315 = vector.shape_cast %swap3A_314 : vector<1x16xf32> to vector<16xf32>
      %swap3A_316 = vector.shape_cast %broadcast_in_dim3A_3 : vector<16xf32> to vector<1x16xf32>
      tpu.vector_store %arg14[%swap3A_312, %swap3A_313], %swap3A_316 {strides = array<i32>} : memref<112x128xf32, #tpu.memory_space<vmem>>, vector<1x16xf32>,
      %swap3A_317 = arith.index_cast %scan3A_305 : i32 to index
      %swap3A_318 = arith.constant 32 : index
      %swap3A_319 = tpu.vector_load %arg14[%swap3A_317, %swap3A_318] {strides = array<i32>} : memref<112x128xf32, #tpu.memory_space<vmem>>, vector<1x16xf32>,
      %swap3A_320 = vector.shape_cast %swap3A_319 : vector<1x16xf32> to vector<16xf32>
      %swap3A_321 = vector.shape_cast %broadcast_in_dim3A_3 : vector<16xf32> to vector<1x16xf32>
      tpu.vector_store %arg14[%swap3A_317, %swap3A_318], %swap3A_321 {strides = array<i32>} : memref<112x128xf32, #tpu.memory_space<vmem>>, vector<1x16xf32>,
      %swap3A_322 = arith.index_cast %scan3A_305 : i32 to index
      %swap3A_323 = arith.constant 48 : index
      %swap3A_324 = tpu.vector_load %arg14[%swap3A_322, %swap3A_323] {strides = array<i32>} : memref<112x128xf32, #tpu.memory_space<vmem>>, vector<1x16xf32>,
      %swap3A_325 = vector.shape_cast %swap3A_324 : vector<1x16xf32> to vector<16xf32>
      %swap3A_326 = vector.shape_cast %broadcast_in_dim3A_3 : vector<16xf32> to vector<1x16xf32>
      tpu.vector_store %arg14[%swap3A_322, %swap3A_323], %swap3A_326 {strides = array<i32>} : memref<112x128xf32, #tpu.memory_space<vmem>>, vector<1x16xf32>,
      %swap3A_327 = arith.index_cast %scan3A_305 : i32 to index
      %swap3A_328 = arith.constant 64 : index
      %swap3A_329 = tpu.vector_load %arg14[%swap3A_327, %swap3A_328] {strides = array<i32>} : memref<112x128xf32, #tpu.memory_space<vmem>>, vector<1x16xf32>,
      %swap3A_330 = vector.shape_cast %swap3A_329 : vector<1x16xf32> to vector<16xf32>
      %swap3A_331 = vector.shape_cast %broadcast_in_dim3A_3 : vector<16xf32> to vector<1x16xf32>
      tpu.vector_store %arg14[%swap3A_327, %swap3A_328], %swap3A_331 {strides = array<i32>} : memref<112x128xf32, #tpu.memory_space<vmem>>, vector<1x16xf32>,
      %swap3A_332 = arith.index_cast %scan3A_305 : i32 to index
      %swap3A_333 = arith.constant 80 : index
      %swap3A_334 = tpu.vector_load %arg14[%swap3A_332, %swap3A_333] {strides = array<i32>} : memref<112x128xf32, #tpu.memory_space<vmem>>, vector<1x16xf32>,
      %swap3A_335 = vector.shape_cast %swap3A_334 : vector<1x16xf32> to vector<16xf32>
      %swap3A_336 = vector.shape_cast %broadcast_in_dim3A_3 : vector<16xf32> to vector<1x16xf32>
      tpu.vector_store %arg14[%swap3A_332, %swap3A_333], %swap3A_336 {strides = array<i32>} : memref<112x128xf32, #tpu.memory_space<vmem>>, vector<1x16xf32>,
      %swap3A_337 = arith.index_cast %scan3A_305 : i32 to index
      %swap3A_338 = arith.constant 96 : index
      %swap3A_339 = tpu.vector_load %arg14[%swap3A_337, %swap3A_338] {strides = array<i32>} : memref<112x128xf32, #tpu.memory_space<vmem>>, vector<1x16xf32>,
      %swap3A_340 = vector.shape_cast %swap3A_339 : vector<1x16xf32> to vector<16xf32>
      %swap3A_341 = vector.shape_cast %broadcast_in_dim3A_3 : vector<16xf32> to vector<1x16xf32>
      tpu.vector_store %arg14[%swap3A_337, %swap3A_338], %swap3A_341 {strides = array<i32>} : memref<112x128xf32, #tpu.memory_space<vmem>>, vector<1x16xf32>,
      %swap3A_342 = arith.index_cast %scan3A_305 : i32 to index
      %swap3A_343 = arith.constant 112 : index
      %swap3A_344 = tpu.vector_load %arg14[%swap3A_342, %swap3A_343] {strides = array<i32>} : memref<112x128xf32, #tpu.memory_space<vmem>>, vector<1x16xf32>,
      %swap3A_345 = vector.shape_cast %swap3A_344 : vector<1x16xf32> to vector<16xf32>
      %swap3A_346 = vector.shape_cast %broadcast_in_dim3A_3 : vector<16xf32> to vector<1x16xf32>
      tpu.vector_store %arg14[%swap3A_342, %swap3A_343], %swap3A_346 {strides = array<i32>} : memref<112x128xf32, #tpu.memory_space<vmem>>, vector<1x16xf32>,
      %scan3A_347 = arith.constant 0 : i32
      scf.yield %scan3A_347 : i32
    }
    %scan3A_9 = arith.constant 112 : i32
    %scan3A_10 = arith.constant 0 : i32
    %scan3A_11 = arith.constant 0 : i32
    %scan3A_12 = arith.constant 6 : i32
    %scan3A_13 = arith.addi %scan3A_11, %scan3A_12 : i32
    %scan3A_14 = arith.constant 1 : i32
    %scan3A_15 = scf.for %scan3A_305 = %scan3A_11 to %scan3A_13 step %scan3A_14 iter_args(%scan3A_306 = %scan3A_10) -> (i32)  : i32 {
      %mul3A_307 = arith.constant 16 : i32
      %mul3A_308 = arith.muli %scan3A_305, %mul3A_307 : i32
      %add3A_309 = arith.addi %arg1, %mul3A_308 : i32
      %min3A = arith.constant 89 : i32
      %min3A_310 = arith.minsi %add3A_309, %min3A : i32
      %mul3A_311 = arith.constant 112 : i32
      %mul3A_312 = arith.muli %min3A_310, %mul3A_311 : i32
      "tpu.region"() ({
        %run_scoped3A = tpu.sem_alloc : memref<!tpu.dma_semaphore, #tpu.memory_space<semaphore_mem>>
        %dma_start3A_314 = arith.constant 0 : i32
        %dma_start3A_315 = tpu.memref_slice %arg17[%mul3A_312, %dma_start3A_314] : memref<10080x128xf32, #tpu.memory_space<vmem_shared>> -> memref<112x128xf32, #tpu.memory_space<vmem_shared>>
        %dma_start3A_316 = arith.constant 0 : i32
        %dma_start3A_317 = tpu.memref_slice %arg17[%mul3A_312, %dma_start3A_316] : memref<10080x128xf32, #tpu.memory_space<vmem_shared>> -> memref<112x128xf32, #tpu.memory_space<vmem_shared>>
        tpu.enqueue_dma source(%arg14 : memref<112x128xf32, #tpu.memory_space<vmem>>) target(%dma_start3A_317 : memref<112x128xf32, #tpu.memory_space<vmem_shared>>) target_semaphore(%run_scoped3A : memref<!tpu.dma_semaphore, #tpu.memory_space<semaphore_mem>>)
        %dma_wait3A_318 = arith.constant 0 : i32
        %dma_wait3A_319 = tpu.memref_slice %arg17[%mul3A_312, %dma_wait3A_318] : memref<10080x128xf32, #tpu.memory_space<vmem_shared>> -> memref<112x128xf32, #tpu.memory_space<vmem_shared>>
        %dma_wait3A_320 = arith.constant 0 : i32
        %dma_wait3A_321 = tpu.memref_slice %arg17[%mul3A_312, %dma_wait3A_320] : memref<10080x128xf32, #tpu.memory_space<vmem_shared>> -> memref<112x128xf32, #tpu.memory_space<vmem_shared>>
        tpu.wait_dma2 semaphore(%run_scoped3A : memref<!tpu.dma_semaphore, #tpu.memory_space<semaphore_mem>>) src(%arg14 : memref<112x128xf32, #tpu.memory_space<vmem>>) dst(%dma_wait3A_321 : memref<112x128xf32, #tpu.memory_space<vmem_shared>>)
        tpu.yield
      }) : () -> ()
      %scan3A_313 = arith.constant 0 : i32
      scf.yield %scan3A_313 : i32
    }
    %scan3A_16 = arith.constant 6 : i32
    %broadcast_in_dim3A_17 = arith.constant 1.000000e+00 : f32
    %broadcast_in_dim3A_18 = vector.broadcast %broadcast_in_dim3A_17 : f32 to vector<16xf32>
    %swap3A = arith.constant 0 : index
    %swap3A_19 = tpu.vector_load %arg26[%swap3A] {strides = array<i32>} : memref<112xf32, #tpu.memory_space<vmem>>, vector<16xf32>,
    %swap3A_20 = vector.shape_cast %swap3A_19 : vector<16xf32> to vector<16xf32>
    %swap3A_21 = vector.shape_cast %broadcast_in_dim3A_18 : vector<16xf32> to vector<16xf32>
    tpu.vector_store %arg26[%swap3A], %swap3A_21 {strides = array<i32>} : memref<112xf32, #tpu.memory_space<vmem>>, vector<16xf32>,
    %swap3A_22 = arith.constant 0 : index
    %swap3A_23 = tpu.vector_load %arg27[%swap3A_22] {strides = array<i32>} : memref<112xf32, #tpu.memory_space<vmem>>, vector<16xf32>,
    %swap3A_24 = vector.shape_cast %swap3A_23 : vector<16xf32> to vector<16xf32>
    %swap3A_25 = vector.shape_cast %broadcast_in_dim3A_3 : vector<16xf32> to vector<16xf32>
    tpu.vector_store %arg27[%swap3A_22], %swap3A_25 {strides = array<i32>} : memref<112xf32, #tpu.memory_space<vmem>>, vector<16xf32>,
    %swap3A_26 = arith.constant 16 : index
    %swap3A_27 = tpu.vector_load %arg26[%swap3A_26] {strides = array<i32>} : memref<112xf32, #tpu.memory_space<vmem>>, vector<16xf32>,
    %swap3A_28 = vector.shape_cast %swap3A_27 : vector<16xf32> to vector<16xf32>
    %swap3A_29 = vector.shape_cast %broadcast_in_dim3A_18 : vector<16xf32> to vector<16xf32>
    tpu.vector_store %arg26[%swap3A_26], %swap3A_29 {strides = array<i32>} : memref<112xf32, #tpu.memory_space<vmem>>, vector<16xf32>,
    %swap3A_30 = arith.constant 16 : index
    %swap3A_31 = tpu.vector_load %arg27[%swap3A_30] {strides = array<i32>} : memref<112xf32, #tpu.memory_space<vmem>>, vector<16xf32>,
    %swap3A_32 = vector.shape_cast %swap3A_31 : vector<16xf32> to vector<16xf32>
    %swap3A_33 = vector.shape_cast %broadcast_in_dim3A_3 : vector<16xf32> to vector<16xf32>
    tpu.vector_store %arg27[%swap3A_30], %swap3A_33 {strides = array<i32>} : memref<112xf32, #tpu.memory_space<vmem>>, vector<16xf32>,
    %swap3A_34 = arith.constant 32 : index
    %swap3A_35 = tpu.vector_load %arg26[%swap3A_34] {strides = array<i32>} : memref<112xf32, #tpu.memory_space<vmem>>, vector<16xf32>,
    %swap3A_36 = vector.shape_cast %swap3A_35 : vector<16xf32> to vector<16xf32>
    %swap3A_37 = vector.shape_cast %broadcast_in_dim3A_18 : vector<16xf32> to vector<16xf32>
    tpu.vector_store %arg26[%swap3A_34], %swap3A_37 {strides = array<i32>} : memref<112xf32, #tpu.memory_space<vmem>>, vector<16xf32>,
    %swap3A_38 = arith.constant 32 : index
    %swap3A_39 = tpu.vector_load %arg27[%swap3A_38] {strides = array<i32>} : memref<112xf32, #tpu.memory_space<vmem>>, vector<16xf32>,
    %swap3A_40 = vector.shape_cast %swap3A_39 : vector<16xf32> to vector<16xf32>
    %swap3A_41 = vector.shape_cast %broadcast_in_dim3A_3 : vector<16xf32> to vector<16xf32>
    tpu.vector_store %arg27[%swap3A_38], %swap3A_41 {strides = array<i32>} : memref<112xf32, #tpu.memory_space<vmem>>, vector<16xf32>,
    %swap3A_42 = arith.constant 48 : index
    %swap3A_43 = tpu.vector_load %arg26[%swap3A_42] {strides = array<i32>} : memref<112xf32, #tpu.memory_space<vmem>>, vector<16xf32>,
    %swap3A_44 = vector.shape_cast %swap3A_43 : vector<16xf32> to vector<16xf32>
    %swap3A_45 = vector.shape_cast %broadcast_in_dim3A_18 : vector<16xf32> to vector<16xf32>
    tpu.vector_store %arg26[%swap3A_42], %swap3A_45 {strides = array<i32>} : memref<112xf32, #tpu.memory_space<vmem>>, vector<16xf32>,
    %swap3A_46 = arith.constant 48 : index
    %swap3A_47 = tpu.vector_load %arg27[%swap3A_46] {strides = array<i32>} : memref<112xf32, #tpu.memory_space<vmem>>, vector<16xf32>,
    %swap3A_48 = vector.shape_cast %swap3A_47 : vector<16xf32> to vector<16xf32>
    %swap3A_49 = vector.shape_cast %broadcast_in_dim3A_3 : vector<16xf32> to vector<16xf32>
    tpu.vector_store %arg27[%swap3A_46], %swap3A_49 {strides = array<i32>} : memref<112xf32, #tpu.memory_space<vmem>>, vector<16xf32>,
    %swap3A_50 = arith.constant 64 : index
    %swap3A_51 = tpu.vector_load %arg26[%swap3A_50] {strides = array<i32>} : memref<112xf32, #tpu.memory_space<vmem>>, vector<16xf32>,
    %swap3A_52 = vector.shape_cast %swap3A_51 : vector<16xf32> to vector<16xf32>
    %swap3A_53 = vector.shape_cast %broadcast_in_dim3A_18 : vector<16xf32> to vector<16xf32>
    tpu.vector_store %arg26[%swap3A_50], %swap3A_53 {strides = array<i32>} : memref<112xf32, #tpu.memory_space<vmem>>, vector<16xf32>,
    %swap3A_54 = arith.constant 64 : index
    %swap3A_55 = tpu.vector_load %arg27[%swap3A_54] {strides = array<i32>} : memref<112xf32, #tpu.memory_space<vmem>>, vector<16xf32>,
    %swap3A_56 = vector.shape_cast %swap3A_55 : vector<16xf32> to vector<16xf32>
    %swap3A_57 = vector.shape_cast %broadcast_in_dim3A_3 : vector<16xf32> to vector<16xf32>
    tpu.vector_store %arg27[%swap3A_54], %swap3A_57 {strides = array<i32>} : memref<112xf32, #tpu.memory_space<vmem>>, vector<16xf32>,
    %swap3A_58 = arith.constant 80 : index
    %swap3A_59 = tpu.vector_load %arg26[%swap3A_58] {strides = array<i32>} : memref<112xf32, #tpu.memory_space<vmem>>, vector<16xf32>,
    %swap3A_60 = vector.shape_cast %swap3A_59 : vector<16xf32> to vector<16xf32>
    %swap3A_61 = vector.shape_cast %broadcast_in_dim3A_18 : vector<16xf32> to vector<16xf32>
    tpu.vector_store %arg26[%swap3A_58], %swap3A_61 {strides = array<i32>} : memref<112xf32, #tpu.memory_space<vmem>>, vector<16xf32>,
    %swap3A_62 = arith.constant 80 : index
    %swap3A_63 = tpu.vector_load %arg27[%swap3A_62] {strides = array<i32>} : memref<112xf32, #tpu.memory_space<vmem>>, vector<16xf32>,
    %swap3A_64 = vector.shape_cast %swap3A_63 : vector<16xf32> to vector<16xf32>
    %swap3A_65 = vector.shape_cast %broadcast_in_dim3A_3 : vector<16xf32> to vector<16xf32>
    tpu.vector_store %arg27[%swap3A_62], %swap3A_65 {strides = array<i32>} : memref<112xf32, #tpu.memory_space<vmem>>, vector<16xf32>,
    %swap3A_66 = arith.constant 96 : index
    %swap3A_67 = tpu.vector_load %arg26[%swap3A_66] {strides = array<i32>} : memref<112xf32, #tpu.memory_space<vmem>>, vector<16xf32>,
    %swap3A_68 = vector.shape_cast %swap3A_67 : vector<16xf32> to vector<16xf32>
    %swap3A_69 = vector.shape_cast %broadcast_in_dim3A_18 : vector<16xf32> to vector<16xf32>
    tpu.vector_store %arg26[%swap3A_66], %swap3A_69 {strides = array<i32>} : memref<112xf32, #tpu.memory_space<vmem>>, vector<16xf32>,
    %swap3A_70 = arith.constant 96 : index
    %swap3A_71 = tpu.vector_load %arg27[%swap3A_70] {strides = array<i32>} : memref<112xf32, #tpu.memory_space<vmem>>, vector<16xf32>,
    %swap3A_72 = vector.shape_cast %swap3A_71 : vector<16xf32> to vector<16xf32>
    %swap3A_73 = vector.shape_cast %broadcast_in_dim3A_3 : vector<16xf32> to vector<16xf32>
    tpu.vector_store %arg27[%swap3A_70], %swap3A_73 {strides = array<i32>} : memref<112xf32, #tpu.memory_space<vmem>>, vector<16xf32>,
    %scan3A_74 = arith.constant 0 : i32
    %scan3A_75 = arith.constant 0 : i32
    %scan3A_76 = arith.constant 6 : i32
    %scan3A_77 = arith.addi %scan3A_75, %scan3A_76 : i32
    %scan3A_78 = arith.constant 1 : i32
    %scan3A_79 = scf.for %scan3A_305 = %scan3A_75 to %scan3A_77 step %scan3A_78 iter_args(%scan3A_306 = %scan3A_74) -> (i32)  : i32 {
      %mul3A_307 = arith.constant 16 : i32
      %mul3A_308 = arith.muli %scan3A_305, %mul3A_307 : i32
      %add3A_309 = arith.addi %arg1, %mul3A_308 : i32
      %min3A = arith.constant 89 : i32
      %min3A_310 = arith.minsi %add3A_309, %min3A : i32
      %mul3A_311 = arith.constant 112 : i32
      %mul3A_312 = arith.muli %min3A_310, %mul3A_311 : i32
      "tpu.region"() ({
        %run_scoped3A = tpu.sem_alloc : memref<!tpu.dma_semaphore, #tpu.memory_space<semaphore_mem>>
        %dma_start3A_316 = tpu.memref_slice %arg28[%mul3A_312] : memref<10080xf32, #tpu.memory_space<vmem_shared>> -> memref<112xf32, #tpu.memory_space<vmem_shared>>
        %dma_start3A_317 = tpu.memref_slice %arg28[%mul3A_312] : memref<10080xf32, #tpu.memory_space<vmem_shared>> -> memref<112xf32, #tpu.memory_space<vmem_shared>>
        tpu.enqueue_dma source(%arg27 : memref<112xf32, #tpu.memory_space<vmem>>) target(%dma_start3A_317 : memref<112xf32, #tpu.memory_space<vmem_shared>>) target_semaphore(%run_scoped3A : memref<!tpu.dma_semaphore, #tpu.memory_space<semaphore_mem>>)
        %dma_wait3A_318 = tpu.memref_slice %arg28[%mul3A_312] : memref<10080xf32, #tpu.memory_space<vmem_shared>> -> memref<112xf32, #tpu.memory_space<vmem_shared>>
        %dma_wait3A_319 = tpu.memref_slice %arg28[%mul3A_312] : memref<10080xf32, #tpu.memory_space<vmem_shared>> -> memref<112xf32, #tpu.memory_space<vmem_shared>>
        tpu.wait_dma2 semaphore(%run_scoped3A : memref<!tpu.dma_semaphore, #tpu.memory_space<semaphore_mem>>) src(%arg27 : memref<112xf32, #tpu.memory_space<vmem>>) dst(%dma_wait3A_319 : memref<112xf32, #tpu.memory_space<vmem_shared>>)
        tpu.yield
      }) : () -> ()
      %mul3A_313 = arith.constant 112 : i32
      %mul3A_314 = arith.muli %min3A_310, %mul3A_313 : i32
      "tpu.region"() ({
        %run_scoped3A = tpu.sem_alloc : memref<!tpu.dma_semaphore, #tpu.memory_space<semaphore_mem>>
        %dma_start3A_316 = tpu.memref_slice %arg29[%mul3A_314] : memref<10080xf32, #tpu.memory_space<vmem_shared>> -> memref<112xf32, #tpu.memory_space<vmem_shared>>
        %dma_start3A_317 = tpu.memref_slice %arg29[%mul3A_314] : memref<10080xf32, #tpu.memory_space<vmem_shared>> -> memref<112xf32, #tpu.memory_space<vmem_shared>>
        tpu.enqueue_dma source(%arg27 : memref<112xf32, #tpu.memory_space<vmem>>) target(%dma_start3A_317 : memref<112xf32, #tpu.memory_space<vmem_shared>>) target_semaphore(%run_scoped3A : memref<!tpu.dma_semaphore, #tpu.memory_space<semaphore_mem>>)
        %dma_wait3A_318 = tpu.memref_slice %arg29[%mul3A_314] : memref<10080xf32, #tpu.memory_space<vmem_shared>> -> memref<112xf32, #tpu.memory_space<vmem_shared>>
        %dma_wait3A_319 = tpu.memref_slice %arg29[%mul3A_314] : memref<10080xf32, #tpu.memory_space<vmem_shared>> -> memref<112xf32, #tpu.memory_space<vmem_shared>>
        tpu.wait_dma2 semaphore(%run_scoped3A : memref<!tpu.dma_semaphore, #tpu.memory_space<semaphore_mem>>) src(%arg27 : memref<112xf32, #tpu.memory_space<vmem>>) dst(%dma_wait3A_319 : memref<112xf32, #tpu.memory_space<vmem_shared>>)
        tpu.yield
      }) : () -> ()
      %scan3A_315 = arith.constant 0 : i32
      scf.yield %scan3A_315 : i32
    }
    %scan3A_80 = arith.constant 6 : i32
    %barrier3A = arith.constant 0 : index
    tpu.barrier barrier_id(%barrier3A)
    %add3A_81 = arith.constant 0 : i32
    %add3A_82 = arith.addi %mul3A_2, %add3A_81 : i32
    %dma_start3A = tpu.memref_slice %arg3[%add3A_82] : memref<322560xi32, #tpu.memory_space<hbm>> -> memref<112xi32, #tpu.memory_space<hbm>>
    %dma_start3A_83 = tpu.memref_slice %arg3[%add3A_82] : memref<322560xi32, #tpu.memory_space<hbm>> -> memref<112xi32, #tpu.memory_space<hbm>>
    tpu.enqueue_dma source(%dma_start3A_83 : memref<112xi32, #tpu.memory_space<hbm>>) target(%arg8 : memref<112xi32, #tpu.memory_space<vmem>>) target_semaphore(%arg18 : memref<!tpu.dma_semaphore, #tpu.memory_space<semaphore_mem>>)
    %dma_start3A_84 = tpu.memref_slice %arg4[%add3A_82] : memref<322560xi32, #tpu.memory_space<hbm>> -> memref<112xi32, #tpu.memory_space<hbm>>
    %dma_start3A_85 = tpu.memref_slice %arg4[%add3A_82] : memref<322560xi32, #tpu.memory_space<hbm>> -> memref<112xi32, #tpu.memory_space<hbm>>
    tpu.enqueue_dma source(%dma_start3A_85 : memref<112xi32, #tpu.memory_space<hbm>>) target(%arg11 : memref<112xi32, #tpu.memory_space<vmem>>) target_semaphore(%arg18 : memref<!tpu.dma_semaphore, #tpu.memory_space<semaphore_mem>>)
    %add3A_86 = arith.constant 112 : i32
    %add3A_87 = arith.addi %mul3A_2, %add3A_86 : i32
    %dma_start3A_88 = tpu.memref_slice %arg3[%add3A_87] : memref<322560xi32, #tpu.memory_space<hbm>> -> memref<112xi32, #tpu.memory_space<hbm>>
    %dma_start3A_89 = tpu.memref_slice %arg3[%add3A_87] : memref<322560xi32, #tpu.memory_space<hbm>> -> memref<112xi32, #tpu.memory_space<hbm>>
    tpu.enqueue_dma source(%dma_start3A_89 : memref<112xi32, #tpu.memory_space<hbm>>) target(%arg9 : memref<112xi32, #tpu.memory_space<vmem>>) target_semaphore(%arg19 : memref<!tpu.dma_semaphore, #tpu.memory_space<semaphore_mem>>)
    %dma_start3A_90 = tpu.memref_slice %arg4[%add3A_87] : memref<322560xi32, #tpu.memory_space<hbm>> -> memref<112xi32, #tpu.memory_space<hbm>>
    %dma_start3A_91 = tpu.memref_slice %arg4[%add3A_87] : memref<322560xi32, #tpu.memory_space<hbm>> -> memref<112xi32, #tpu.memory_space<hbm>>
    tpu.enqueue_dma source(%dma_start3A_91 : memref<112xi32, #tpu.memory_space<hbm>>) target(%arg12 : memref<112xi32, #tpu.memory_space<vmem>>) target_semaphore(%arg19 : memref<!tpu.dma_semaphore, #tpu.memory_space<semaphore_mem>>)
    %dma_wait3A = arith.constant 0 : i32
    %dma_wait3A_92 = tpu.memref_slice %arg3[%dma_wait3A] : memref<322560xi32, #tpu.memory_space<hbm>> -> memref<112xi32, #tpu.memory_space<hbm>>
    %dma_wait3A_93 = arith.constant 0 : i32
    %dma_wait3A_94 = tpu.memref_slice %arg3[%dma_wait3A_93] : memref<322560xi32, #tpu.memory_space<hbm>> -> memref<112xi32, #tpu.memory_space<hbm>>
    tpu.wait_dma2 semaphore(%arg18 : memref<!tpu.dma_semaphore, #tpu.memory_space<semaphore_mem>>) src(%dma_wait3A_94 : memref<112xi32, #tpu.memory_space<hbm>>) dst(%arg8 : memref<112xi32, #tpu.memory_space<vmem>>)
    %dma_wait3A_95 = arith.constant 0 : i32
    %dma_wait3A_96 = tpu.memref_slice %arg4[%dma_wait3A_95] : memref<322560xi32, #tpu.memory_space<hbm>> -> memref<112xi32, #tpu.memory_space<hbm>>
    %dma_wait3A_97 = arith.constant 0 : i32
    %dma_wait3A_98 = tpu.memref_slice %arg4[%dma_wait3A_97] : memref<322560xi32, #tpu.memory_space<hbm>> -> memref<112xi32, #tpu.memory_space<hbm>>
    tpu.wait_dma2 semaphore(%arg18 : memref<!tpu.dma_semaphore, #tpu.memory_space<semaphore_mem>>) src(%dma_wait3A_98 : memref<112xi32, #tpu.memory_space<hbm>>) dst(%arg11 : memref<112xi32, #tpu.memory_space<vmem>>)
    %dma_start3A_99 = arith.constant 0 : i32
    %dma_start3A_100 = arith.constant 0 : i32
    %dma_start3A_101 = tpu.memref_slice %arg2[%dma_start3A_99, %dma_start3A_100] : memref<10080x128xf32, #tpu.memory_space<hbm>> -> memref<10080x128xf32, #tpu.memory_space<hbm>>
    tpu.enqueue_indirect_dma source(%dma_start3A_101 : memref<10080x128xf32, #tpu.memory_space<hbm>>) target(%arg14 : memref<112x128xf32, #tpu.memory_space<vmem>>) offsets(%arg8 : memref<112xi32, #tpu.memory_space<vmem>>) semaphore(%arg21 : memref<!tpu.dma_semaphore, #tpu.memory_space<semaphore_mem>>)
    %dma_wait3A_102 = arith.constant 0 : i32
    %dma_wait3A_103 = arith.constant 0 : i32
    %dma_wait3A_104 = tpu.memref_slice %arg2[%dma_wait3A_102, %dma_wait3A_103] : memref<10080x128xf32, #tpu.memory_space<hbm>> -> memref<10080x128xf32, #tpu.memory_space<hbm>>
    tpu.wait_indirect_dma semaphore(%arg21 : memref<!tpu.dma_semaphore, #tpu.memory_space<semaphore_mem>>) src(%dma_wait3A_104 : memref<10080x128xf32, #tpu.memory_space<hbm>>) dst(%arg14 : memref<112x128xf32, #tpu.memory_space<vmem>>)
    %dma_start3A_105 = arith.constant 0 : i32
    %dma_start3A_106 = arith.constant 0 : i32
    %dma_start3A_107 = tpu.memref_slice %arg17[%dma_start3A_105, %dma_start3A_106] : memref<10080x128xf32, #tpu.memory_space<vmem_shared>> -> memref<10080x128xf32, #tpu.memory_space<vmem_shared>>
    tpu.enqueue_indirect_dma source(%arg14 : memref<112x128xf32, #tpu.memory_space<vmem>>) target(%dma_start3A_107 : memref<10080x128xf32, #tpu.memory_space<vmem_shared>>) offsets(%arg11 : memref<112xi32, #tpu.memory_space<vmem>>) semaphore(%arg24 : memref<!tpu.dma_semaphore, #tpu.memory_space<semaphore_mem>>) {add = true}
    %dma_start3A_108 = arith.constant 0 : i32
    %dma_start3A_109 = tpu.memref_slice %arg28[%dma_start3A_108] : memref<10080xf32, #tpu.memory_space<vmem_shared>> -> memref<10080xf32, #tpu.memory_space<vmem_shared>>
    tpu.enqueue_indirect_dma source(%arg26 : memref<112xf32, #tpu.memory_space<vmem>>) target(%dma_start3A_109 : memref<10080xf32, #tpu.memory_space<vmem_shared>>) offsets(%arg11 : memref<112xi32, #tpu.memory_space<vmem>>) semaphore(%arg25 : memref<!tpu.dma_semaphore, #tpu.memory_space<semaphore_mem>>) {add = true}
    %dma_start3A_110 = arith.constant 0 : i32
    %dma_start3A_111 = tpu.memref_slice %arg29[%dma_start3A_110] : memref<10080xf32, #tpu.memory_space<vmem_shared>> -> memref<10080xf32, #tpu.memory_space<vmem_shared>>
    tpu.enqueue_indirect_dma source(%arg26 : memref<112xf32, #tpu.memory_space<vmem>>) target(%dma_start3A_111 : memref<10080xf32, #tpu.memory_space<vmem_shared>>) offsets(%arg8 : memref<112xi32, #tpu.memory_space<vmem>>) semaphore(%arg25 : memref<!tpu.dma_semaphore, #tpu.memory_space<semaphore_mem>>) {add = true}
    %add3A_112 = arith.constant 224 : i32
    %add3A_113 = arith.addi %mul3A_2, %add3A_112 : i32
    %dma_start3A_114 = tpu.memref_slice %arg3[%add3A_113] : memref<322560xi32, #tpu.memory_space<hbm>> -> memref<112xi32, #tpu.memory_space<hbm>>
    %dma_start3A_115 = tpu.memref_slice %arg3[%add3A_113] : memref<322560xi32, #tpu.memory_space<hbm>> -> memref<112xi32, #tpu.memory_space<hbm>>
    tpu.enqueue_dma source(%dma_start3A_115 : memref<112xi32, #tpu.memory_space<hbm>>) target(%arg10 : memref<112xi32, #tpu.memory_space<vmem>>) target_semaphore(%arg20 : memref<!tpu.dma_semaphore, #tpu.memory_space<semaphore_mem>>)
    %dma_start3A_116 = tpu.memref_slice %arg4[%add3A_113] : memref<322560xi32, #tpu.memory_space<hbm>> -> memref<112xi32, #tpu.memory_space<hbm>>
    %dma_start3A_117 = tpu.memref_slice %arg4[%add3A_113] : memref<322560xi32, #tpu.memory_space<hbm>> -> memref<112xi32, #tpu.memory_space<hbm>>
    tpu.enqueue_dma source(%dma_start3A_117 : memref<112xi32, #tpu.memory_space<hbm>>) target(%arg13 : memref<112xi32, #tpu.memory_space<vmem>>) target_semaphore(%arg20 : memref<!tpu.dma_semaphore, #tpu.memory_space<semaphore_mem>>)
    %dma_wait3A_118 = arith.constant 0 : i32
    %dma_wait3A_119 = tpu.memref_slice %arg3[%dma_wait3A_118] : memref<322560xi32, #tpu.memory_space<hbm>> -> memref<112xi32, #tpu.memory_space<hbm>>
    %dma_wait3A_120 = arith.constant 0 : i32
    %dma_wait3A_121 = tpu.memref_slice %arg3[%dma_wait3A_120] : memref<322560xi32, #tpu.memory_space<hbm>> -> memref<112xi32, #tpu.memory_space<hbm>>
    tpu.wait_dma2 semaphore(%arg19 : memref<!tpu.dma_semaphore, #tpu.memory_space<semaphore_mem>>) src(%dma_wait3A_121 : memref<112xi32, #tpu.memory_space<hbm>>) dst(%arg9 : memref<112xi32, #tpu.memory_space<vmem>>)
    %dma_wait3A_122 = arith.constant 0 : i32
    %dma_wait3A_123 = tpu.memref_slice %arg4[%dma_wait3A_122] : memref<322560xi32, #tpu.memory_space<hbm>> -> memref<112xi32, #tpu.memory_space<hbm>>
    %dma_wait3A_124 = arith.constant 0 : i32
    %dma_wait3A_125 = tpu.memref_slice %arg4[%dma_wait3A_124] : memref<322560xi32, #tpu.memory_space<hbm>> -> memref<112xi32, #tpu.memory_space<hbm>>
    tpu.wait_dma2 semaphore(%arg19 : memref<!tpu.dma_semaphore, #tpu.memory_space<semaphore_mem>>) src(%dma_wait3A_125 : memref<112xi32, #tpu.memory_space<hbm>>) dst(%arg12 : memref<112xi32, #tpu.memory_space<vmem>>)
    %dma_start3A_126 = arith.constant 0 : i32
    %dma_start3A_127 = arith.constant 0 : i32
    %dma_start3A_128 = tpu.memref_slice %arg2[%dma_start3A_126, %dma_start3A_127] : memref<10080x128xf32, #tpu.memory_space<hbm>> -> memref<10080x128xf32, #tpu.memory_space<hbm>>
    tpu.enqueue_indirect_dma source(%dma_start3A_128 : memref<10080x128xf32, #tpu.memory_space<hbm>>) target(%arg15 : memref<112x128xf32, #tpu.memory_space<vmem>>) offsets(%arg9 : memref<112xi32, #tpu.memory_space<vmem>>) semaphore(%arg22 : memref<!tpu.dma_semaphore, #tpu.memory_space<semaphore_mem>>)
    %dma_wait3A_129 = arith.constant 0 : i32
    %dma_wait3A_130 = arith.constant 0 : i32
    %dma_wait3A_131 = tpu.memref_slice %arg2[%dma_wait3A_129, %dma_wait3A_130] : memref<10080x128xf32, #tpu.memory_space<hbm>> -> memref<10080x128xf32, #tpu.memory_space<hbm>>
    tpu.wait_indirect_dma semaphore(%arg22 : memref<!tpu.dma_semaphore, #tpu.memory_space<semaphore_mem>>) src(%dma_wait3A_131 : memref<10080x128xf32, #tpu.memory_space<hbm>>) dst(%arg15 : memref<112x128xf32, #tpu.memory_space<vmem>>)
    %dma_start3A_132 = arith.constant 0 : i32
    %dma_start3A_133 = arith.constant 0 : i32
    %dma_start3A_134 = tpu.memref_slice %arg17[%dma_start3A_132, %dma_start3A_133] : memref<10080x128xf32, #tpu.memory_space<vmem_shared>> -> memref<10080x128xf32, #tpu.memory_space<vmem_shared>>
    tpu.enqueue_indirect_dma source(%arg15 : memref<112x128xf32, #tpu.memory_space<vmem>>) target(%dma_start3A_134 : memref<10080x128xf32, #tpu.memory_space<vmem_shared>>) offsets(%arg12 : memref<112xi32, #tpu.memory_space<vmem>>) semaphore(%arg24 : memref<!tpu.dma_semaphore, #tpu.memory_space<semaphore_mem>>) {add = true}
    %dma_start3A_135 = arith.constant 0 : i32
    %dma_start3A_136 = tpu.memref_slice %arg28[%dma_start3A_135] : memref<10080xf32, #tpu.memory_space<vmem_shared>> -> memref<10080xf32, #tpu.memory_space<vmem_shared>>
    tpu.enqueue_indirect_dma source(%arg26 : memref<112xf32, #tpu.memory_space<vmem>>) target(%dma_start3A_136 : memref<10080xf32, #tpu.memory_space<vmem_shared>>) offsets(%arg12 : memref<112xi32, #tpu.memory_space<vmem>>) semaphore(%arg25 : memref<!tpu.dma_semaphore, #tpu.memory_space<semaphore_mem>>) {add = true}
    %dma_start3A_137 = arith.constant 0 : i32
    %dma_start3A_138 = tpu.memref_slice %arg29[%dma_start3A_137] : memref<10080xf32, #tpu.memory_space<vmem_shared>> -> memref<10080xf32, #tpu.memory_space<vmem_shared>>
    tpu.enqueue_indirect_dma source(%arg26 : memref<112xf32, #tpu.memory_space<vmem>>) target(%dma_start3A_138 : memref<10080xf32, #tpu.memory_space<vmem_shared>>) offsets(%arg9 : memref<112xi32, #tpu.memory_space<vmem>>) semaphore(%arg25 : memref<!tpu.dma_semaphore, #tpu.memory_space<semaphore_mem>>) {add = true}
    %dma_wait3A_139 = arith.constant 0 : i32
    %dma_wait3A_140 = arith.constant 0 : i32
    %dma_wait3A_141 = tpu.memref_slice %arg17[%dma_wait3A_139, %dma_wait3A_140] : memref<10080x128xf32, #tpu.memory_space<vmem_shared>> -> memref<10080x128xf32, #tpu.memory_space<vmem_shared>>
    tpu.wait_indirect_dma semaphore(%arg24 : memref<!tpu.dma_semaphore, #tpu.memory_space<semaphore_mem>>) src(%arg14 : memref<112x128xf32, #tpu.memory_space<vmem>>) dst(%dma_wait3A_141 : memref<10080x128xf32, #tpu.memory_space<vmem_shared>>)
    %dma_wait3A_142 = arith.constant 0 : i32
    %dma_wait3A_143 = tpu.memref_slice %arg28[%dma_wait3A_142] : memref<10080xf32, #tpu.memory_space<vmem_shared>> -> memref<10080xf32, #tpu.memory_space<vmem_shared>>
    tpu.wait_indirect_dma semaphore(%arg25 : memref<!tpu.dma_semaphore, #tpu.memory_space<semaphore_mem>>) src(%arg26 : memref<112xf32, #tpu.memory_space<vmem>>) dst(%dma_wait3A_143 : memref<10080xf32, #tpu.memory_space<vmem_shared>>)
    %dma_wait3A_144 = arith.constant 0 : i32
    %dma_wait3A_145 = tpu.memref_slice %arg29[%dma_wait3A_144] : memref<10080xf32, #tpu.memory_space<vmem_shared>> -> memref<10080xf32, #tpu.memory_space<vmem_shared>>
    tpu.wait_indirect_dma semaphore(%arg25 : memref<!tpu.dma_semaphore, #tpu.memory_space<semaphore_mem>>) src(%arg26 : memref<112xf32, #tpu.memory_space<vmem>>) dst(%dma_wait3A_145 : memref<10080xf32, #tpu.memory_space<vmem_shared>>)
    %add3A_146 = arith.constant 336 : i32
    %add3A_147 = arith.addi %mul3A_2, %add3A_146 : i32
    %dma_start3A_148 = tpu.memref_slice %arg3[%add3A_147] : memref<322560xi32, #tpu.memory_space<hbm>> -> memref<112xi32, #tpu.memory_space<hbm>>
    %dma_start3A_149 = tpu.memref_slice %arg3[%add3A_147] : memref<322560xi32, #tpu.memory_space<hbm>> -> memref<112xi32, #tpu.memory_space<hbm>>
    tpu.enqueue_dma source(%dma_start3A_149 : memref<112xi32, #tpu.memory_space<hbm>>) target(%arg8 : memref<112xi32, #tpu.memory_space<vmem>>) target_semaphore(%arg18 : memref<!tpu.dma_semaphore, #tpu.memory_space<semaphore_mem>>)
    %dma_start3A_150 = tpu.memref_slice %arg4[%add3A_147] : memref<322560xi32, #tpu.memory_space<hbm>> -> memref<112xi32, #tpu.memory_space<hbm>>
    %dma_start3A_151 = tpu.memref_slice %arg4[%add3A_147] : memref<322560xi32, #tpu.memory_space<hbm>> -> memref<112xi32, #tpu.memory_space<hbm>>
    tpu.enqueue_dma source(%dma_start3A_151 : memref<112xi32, #tpu.memory_space<hbm>>) target(%arg11 : memref<112xi32, #tpu.memory_space<vmem>>) target_semaphore(%arg18 : memref<!tpu.dma_semaphore, #tpu.memory_space<semaphore_mem>>)
    %dma_wait3A_152 = arith.constant 0 : i32
    %dma_wait3A_153 = tpu.memref_slice %arg3[%dma_wait3A_152] : memref<322560xi32, #tpu.memory_space<hbm>> -> memref<112xi32, #tpu.memory_space<hbm>>
    %dma_wait3A_154 = arith.constant 0 : i32
    %dma_wait3A_155 = tpu.memref_slice %arg3[%dma_wait3A_154] : memref<322560xi32, #tpu.memory_space<hbm>> -> memref<112xi32, #tpu.memory_space<hbm>>
    tpu.wait_dma2 semaphore(%arg20 : memref<!tpu.dma_semaphore, #tpu.memory_space<semaphore_mem>>) src(%dma_wait3A_155 : memref<112xi32, #tpu.memory_space<hbm>>) dst(%arg10 : memref<112xi32, #tpu.memory_space<vmem>>)
    %dma_wait3A_156 = arith.constant 0 : i32
    %dma_wait3A_157 = tpu.memref_slice %arg4[%dma_wait3A_156] : memref<322560xi32, #tpu.memory_space<hbm>> -> memref<112xi32, #tpu.memory_space<hbm>>
    %dma_wait3A_158 = arith.constant 0 : i32
    %dma_wait3A_159 = tpu.memref_slice %arg4[%dma_wait3A_158] : memref<322560xi32, #tpu.memory_space<hbm>> -> memref<112xi32, #tpu.memory_space<hbm>>
    tpu.wait_dma2 semaphore(%arg20 : memref<!tpu.dma_semaphore, #tpu.memory_space<semaphore_mem>>) src(%dma_wait3A_159 : memref<112xi32, #tpu.memory_space<hbm>>) dst(%arg13 : memref<112xi32, #tpu.memory_space<vmem>>)
    %dma_start3A_160 = arith.constant 0 : i32
    %dma_start3A_161 = arith.constant 0 : i32
    %dma_start3A_162 = tpu.memref_slice %arg2[%dma_start3A_160, %dma_start3A_161] : memref<10080x128xf32, #tpu.memory_space<hbm>> -> memref<10080x128xf32, #tpu.memory_space<hbm>>
    tpu.enqueue_indirect_dma source(%dma_start3A_162 : memref<10080x128xf32, #tpu.memory_space<hbm>>) target(%arg16 : memref<112x128xf32, #tpu.memory_space<vmem>>) offsets(%arg10 : memref<112xi32, #tpu.memory_space<vmem>>) semaphore(%arg23 : memref<!tpu.dma_semaphore, #tpu.memory_space<semaphore_mem>>)
    %dma_wait3A_163 = arith.constant 0 : i32
    %dma_wait3A_164 = arith.constant 0 : i32
    %dma_wait3A_165 = tpu.memref_slice %arg2[%dma_wait3A_163, %dma_wait3A_164] : memref<10080x128xf32, #tpu.memory_space<hbm>> -> memref<10080x128xf32, #tpu.memory_space<hbm>>
    tpu.wait_indirect_dma semaphore(%arg23 : memref<!tpu.dma_semaphore, #tpu.memory_space<semaphore_mem>>) src(%dma_wait3A_165 : memref<10080x128xf32, #tpu.memory_space<hbm>>) dst(%arg16 : memref<112x128xf32, #tpu.memory_space<vmem>>)
    %dma_start3A_166 = arith.constant 0 : i32
    %dma_start3A_167 = arith.constant 0 : i32
    %dma_start3A_168 = tpu.memref_slice %arg17[%dma_start3A_166, %dma_start3A_167] : memref<10080x128xf32, #tpu.memory_space<vmem_shared>> -> memref<10080x128xf32, #tpu.memory_space<vmem_shared>>
    tpu.enqueue_indirect_dma source(%arg16 : memref<112x128xf32, #tpu.memory_space<vmem>>) target(%dma_start3A_168 : memref<10080x128xf32, #tpu.memory_space<vmem_shared>>) offsets(%arg13 : memref<112xi32, #tpu.memory_space<vmem>>) semaphore(%arg24 : memref<!tpu.dma_semaphore, #tpu.memory_space<semaphore_mem>>) {add = true}
    %dma_start3A_169 = arith.constant 0 : i32
    %dma_start3A_170 = tpu.memref_slice %arg28[%dma_start3A_169] : memref<10080xf32, #tpu.memory_space<vmem_shared>> -> memref<10080xf32, #tpu.memory_space<vmem_shared>>
    tpu.enqueue_indirect_dma source(%arg26 : memref<112xf32, #tpu.memory_space<vmem>>) target(%dma_start3A_170 : memref<10080xf32, #tpu.memory_space<vmem_shared>>) offsets(%arg13 : memref<112xi32, #tpu.memory_space<vmem>>) semaphore(%arg25 : memref<!tpu.dma_semaphore, #tpu.memory_space<semaphore_mem>>) {add = true}
    %dma_start3A_171 = arith.constant 0 : i32
    %dma_start3A_172 = tpu.memref_slice %arg29[%dma_start3A_171] : memref<10080xf32, #tpu.memory_space<vmem_shared>> -> memref<10080xf32, #tpu.memory_space<vmem_shared>>
    tpu.enqueue_indirect_dma source(%arg26 : memref<112xf32, #tpu.memory_space<vmem>>) target(%dma_start3A_172 : memref<10080xf32, #tpu.memory_space<vmem_shared>>) offsets(%arg10 : memref<112xi32, #tpu.memory_space<vmem>>) semaphore(%arg25 : memref<!tpu.dma_semaphore, #tpu.memory_space<semaphore_mem>>) {add = true}
    %dma_wait3A_173 = arith.constant 0 : i32
    %dma_wait3A_174 = arith.constant 0 : i32
    %dma_wait3A_175 = tpu.memref_slice %arg17[%dma_wait3A_173, %dma_wait3A_174] : memref<10080x128xf32, #tpu.memory_space<vmem_shared>> -> memref<10080x128xf32, #tpu.memory_space<vmem_shared>>
    tpu.wait_indirect_dma semaphore(%arg24 : memref<!tpu.dma_semaphore, #tpu.memory_space<semaphore_mem>>) src(%arg15 : memref<112x128xf32, #tpu.memory_space<vmem>>) dst(%dma_wait3A_175 : memref<10080x128xf32, #tpu.memory_space<vmem_shared>>)
    %dma_wait3A_176 = arith.constant 0 : i32
    %dma_wait3A_177 = tpu.memref_slice %arg28[%dma_wait3A_176] : memref<10080xf32, #tpu.memory_space<vmem_shared>> -> memref<10080xf32, #tpu.memory_space<vmem_shared>>
    tpu.wait_indirect_dma semaphore(%arg25 : memref<!tpu.dma_semaphore, #tpu.memory_space<semaphore_mem>>) src(%arg26 : memref<112xf32, #tpu.memory_space<vmem>>) dst(%dma_wait3A_177 : memref<10080xf32, #tpu.memory_space<vmem_shared>>)
    %dma_wait3A_178 = arith.constant 0 : i32
    %dma_wait3A_179 = tpu.memref_slice %arg29[%dma_wait3A_178] : memref<10080xf32, #tpu.memory_space<vmem_shared>> -> memref<10080xf32, #tpu.memory_space<vmem_shared>>
    tpu.wait_indirect_dma semaphore(%arg25 : memref<!tpu.dma_semaphore, #tpu.memory_space<semaphore_mem>>) src(%arg26 : memref<112xf32, #tpu.memory_space<vmem>>) dst(%dma_wait3A_179 : memref<10080xf32, #tpu.memory_space<vmem_shared>>)
    %add3A_180 = arith.constant 448 : i32
    %add3A_181 = arith.addi %mul3A_2, %add3A_180 : i32
    %dma_start3A_182 = tpu.memref_slice %arg3[%add3A_181] : memref<322560xi32, #tpu.memory_space<hbm>> -> memref<112xi32, #tpu.memory_space<hbm>>
    %dma_start3A_183 = tpu.memref_slice %arg3[%add3A_181] : memref<322560xi32, #tpu.memory_space<hbm>> -> memref<112xi32, #tpu.memory_space<hbm>>
    tpu.enqueue_dma source(%dma_start3A_183 : memref<112xi32, #tpu.memory_space<hbm>>) target(%arg9 : memref<112xi32, #tpu.memory_space<vmem>>) target_semaphore(%arg19 : memref<!tpu.dma_semaphore, #tpu.memory_space<semaphore_mem>>)
    %dma_start3A_184 = tpu.memref_slice %arg4[%add3A_181] : memref<322560xi32, #tpu.memory_space<hbm>> -> memref<112xi32, #tpu.memory_space<hbm>>
    %dma_start3A_185 = tpu.memref_slice %arg4[%add3A_181] : memref<322560xi32, #tpu.memory_space<hbm>> -> memref<112xi32, #tpu.memory_space<hbm>>
    tpu.enqueue_dma source(%dma_start3A_185 : memref<112xi32, #tpu.memory_space<hbm>>) target(%arg12 : memref<112xi32, #tpu.memory_space<vmem>>) target_semaphore(%arg19 : memref<!tpu.dma_semaphore, #tpu.memory_space<semaphore_mem>>)
    %dma_wait3A_186 = arith.constant 0 : i32
    %dma_wait3A_187 = tpu.memref_slice %arg3[%dma_wait3A_186] : memref<322560xi32, #tpu.memory_space<hbm>> -> memref<112xi32, #tpu.memory_space<hbm>>
    %dma_wait3A_188 = arith.constant 0 : i32
    %dma_wait3A_189 = tpu.memref_slice %arg3[%dma_wait3A_188] : memref<322560xi32, #tpu.memory_space<hbm>> -> memref<112xi32, #tpu.memory_space<hbm>>
    tpu.wait_dma2 semaphore(%arg18 : memref<!tpu.dma_semaphore, #tpu.memory_space<semaphore_mem>>) src(%dma_wait3A_189 : memref<112xi32, #tpu.memory_space<hbm>>) dst(%arg8 : memref<112xi32, #tpu.memory_space<vmem>>)
    %dma_wait3A_190 = arith.constant 0 : i32
    %dma_wait3A_191 = tpu.memref_slice %arg4[%dma_wait3A_190] : memref<322560xi32, #tpu.memory_space<hbm>> -> memref<112xi32, #tpu.memory_space<hbm>>
    %dma_wait3A_192 = arith.constant 0 : i32
    %dma_wait3A_193 = tpu.memref_slice %arg4[%dma_wait3A_192] : memref<322560xi32, #tpu.memory_space<hbm>> -> memref<112xi32, #tpu.memory_space<hbm>>
    tpu.wait_dma2 semaphore(%arg18 : memref<!tpu.dma_semaphore, #tpu.memory_space<semaphore_mem>>) src(%dma_wait3A_193 : memref<112xi32, #tpu.memory_space<hbm>>) dst(%arg11 : memref<112xi32, #tpu.memory_space<vmem>>)
    %dma_start3A_194 = arith.constant 0 : i32
    %dma_start3A_195 = arith.constant 0 : i32
    %dma_start3A_196 = tpu.memref_slice %arg2[%dma_start3A_194, %dma_start3A_195] : memref<10080x128xf32, #tpu.memory_space<hbm>> -> memref<10080x128xf32, #tpu.memory_space<hbm>>
    tpu.enqueue_indirect_dma source(%dma_start3A_196 : memref<10080x128xf32, #tpu.memory_space<hbm>>) target(%arg14 : memref<112x128xf32, #tpu.memory_space<vmem>>) offsets(%arg8 : memref<112xi32, #tpu.memory_space<vmem>>) semaphore(%arg21 : memref<!tpu.dma_semaphore, #tpu.memory_space<semaphore_mem>>)
    %scan3A_197 = arith.constant 0 : i32
    %scan3A_198 = arith.constant 0 : i32
    %scan3A_199 = arith.constant 28 : i32
    %scan3A_200 = arith.addi %scan3A_198, %scan3A_199 : i32
    %scan3A_201 = arith.constant 1 : i32
    %scan3A_202 = scf.for %scan3A_305 = %scan3A_198 to %scan3A_200 step %scan3A_201 iter_args(%scan3A_306 = %scan3A_197) -> (i32)  : i32 {
      %mul3A_307 = arith.constant 3 : i32
      %mul3A_308 = arith.muli %mul3A_307, %scan3A_305 : i32
      %add3A_309 = arith.constant 3 : i32
      %add3A_310 = arith.addi %add3A_309, %mul3A_308 : i32
      %dma_wait3A_311 = arith.constant 0 : i32
      %dma_wait3A_312 = arith.constant 0 : i32
      %dma_wait3A_313 = tpu.memref_slice %arg2[%dma_wait3A_311, %dma_wait3A_312] : memref<10080x128xf32, #tpu.memory_space<hbm>> -> memref<10080x128xf32, #tpu.memory_space<hbm>>
      tpu.wait_indirect_dma semaphore(%arg21 : memref<!tpu.dma_semaphore, #tpu.memory_space<semaphore_mem>>) src(%dma_wait3A_313 : memref<10080x128xf32, #tpu.memory_space<hbm>>) dst(%arg14 : memref<112x128xf32, #tpu.memory_space<vmem>>)
      %dma_start3A_314 = arith.constant 0 : i32
      %dma_start3A_315 = arith.constant 0 : i32
      %dma_start3A_316 = tpu.memref_slice %arg17[%dma_start3A_314, %dma_start3A_315] : memref<10080x128xf32, #tpu.memory_space<vmem_shared>> -> memref<10080x128xf32, #tpu.memory_space<vmem_shared>>
      tpu.enqueue_indirect_dma source(%arg14 : memref<112x128xf32, #tpu.memory_space<vmem>>) target(%dma_start3A_316 : memref<10080x128xf32, #tpu.memory_space<vmem_shared>>) offsets(%arg11 : memref<112xi32, #tpu.memory_space<vmem>>) semaphore(%arg24 : memref<!tpu.dma_semaphore, #tpu.memory_space<semaphore_mem>>) {add = true}
      %dma_start3A_317 = arith.constant 0 : i32
      %dma_start3A_318 = tpu.memref_slice %arg28[%dma_start3A_317] : memref<10080xf32, #tpu.memory_space<vmem_shared>> -> memref<10080xf32, #tpu.memory_space<vmem_shared>>
      tpu.enqueue_indirect_dma source(%arg26 : memref<112xf32, #tpu.memory_space<vmem>>) target(%dma_start3A_318 : memref<10080xf32, #tpu.memory_space<vmem_shared>>) offsets(%arg11 : memref<112xi32, #tpu.memory_space<vmem>>) semaphore(%arg25 : memref<!tpu.dma_semaphore, #tpu.memory_space<semaphore_mem>>) {add = true}
      %dma_start3A_319 = arith.constant 0 : i32
      %dma_start3A_320 = tpu.memref_slice %arg29[%dma_start3A_319] : memref<10080xf32, #tpu.memory_space<vmem_shared>> -> memref<10080xf32, #tpu.memory_space<vmem_shared>>
      tpu.enqueue_indirect_dma source(%arg26 : memref<112xf32, #tpu.memory_space<vmem>>) target(%dma_start3A_320 : memref<10080xf32, #tpu.memory_space<vmem_shared>>) offsets(%arg8 : memref<112xi32, #tpu.memory_space<vmem>>) semaphore(%arg25 : memref<!tpu.dma_semaphore, #tpu.memory_space<semaphore_mem>>) {add = true}
      %dma_wait3A_321 = arith.constant 0 : i32
      %dma_wait3A_322 = arith.constant 0 : i32
      %dma_wait3A_323 = tpu.memref_slice %arg17[%dma_wait3A_321, %dma_wait3A_322] : memref<10080x128xf32, #tpu.memory_space<vmem_shared>> -> memref<10080x128xf32, #tpu.memory_space<vmem_shared>>
      tpu.wait_indirect_dma semaphore(%arg24 : memref<!tpu.dma_semaphore, #tpu.memory_space<semaphore_mem>>) src(%arg16 : memref<112x128xf32, #tpu.memory_space<vmem>>) dst(%dma_wait3A_323 : memref<10080x128xf32, #tpu.memory_space<vmem_shared>>)
      %dma_wait3A_324 = arith.constant 0 : i32
      %dma_wait3A_325 = tpu.memref_slice %arg28[%dma_wait3A_324] : memref<10080xf32, #tpu.memory_space<vmem_shared>> -> memref<10080xf32, #tpu.memory_space<vmem_shared>>
      tpu.wait_indirect_dma semaphore(%arg25 : memref<!tpu.dma_semaphore, #tpu.memory_space<semaphore_mem>>) src(%arg26 : memref<112xf32, #tpu.memory_space<vmem>>) dst(%dma_wait3A_325 : memref<10080xf32, #tpu.memory_space<vmem_shared>>)
      %dma_wait3A_326 = arith.constant 0 : i32
      %dma_wait3A_327 = tpu.memref_slice %arg29[%dma_wait3A_326] : memref<10080xf32, #tpu.memory_space<vmem_shared>> -> memref<10080xf32, #tpu.memory_space<vmem_shared>>
      tpu.wait_indirect_dma semaphore(%arg25 : memref<!tpu.dma_semaphore, #tpu.memory_space<semaphore_mem>>) src(%arg26 : memref<112xf32, #tpu.memory_space<vmem>>) dst(%dma_wait3A_327 : memref<10080xf32, #tpu.memory_space<vmem_shared>>)
      %add3A_328 = arith.constant 2 : i32
      %add3A_329 = arith.addi %add3A_310, %add3A_328 : i32
      %mul3A_330 = arith.constant 112 : i32
      %mul3A_331 = arith.muli %add3A_329, %mul3A_330 : i32
      %add3A_332 = arith.addi %mul3A_2, %mul3A_331 : i32
      %dma_start3A_333 = tpu.memref_slice %arg3[%add3A_332] : memref<322560xi32, #tpu.memory_space<hbm>> -> memref<112xi32, #tpu.memory_space<hbm>>
      %dma_start3A_334 = tpu.memref_slice %arg3[%add3A_332] : memref<322560xi32, #tpu.memory_space<hbm>> -> memref<112xi32, #tpu.memory_space<hbm>>
      tpu.enqueue_dma source(%dma_start3A_334 : memref<112xi32, #tpu.memory_space<hbm>>) target(%arg10 : memref<112xi32, #tpu.memory_space<vmem>>) target_semaphore(%arg20 : memref<!tpu.dma_semaphore, #tpu.memory_space<semaphore_mem>>)
      %dma_start3A_335 = tpu.memref_slice %arg4[%add3A_332] : memref<322560xi32, #tpu.memory_space<hbm>> -> memref<112xi32, #tpu.memory_space<hbm>>
      %dma_start3A_336 = tpu.memref_slice %arg4[%add3A_332] : memref<322560xi32, #tpu.memory_space<hbm>> -> memref<112xi32, #tpu.memory_space<hbm>>
      tpu.enqueue_dma source(%dma_start3A_336 : memref<112xi32, #tpu.memory_space<hbm>>) target(%arg13 : memref<112xi32, #tpu.memory_space<vmem>>) target_semaphore(%arg20 : memref<!tpu.dma_semaphore, #tpu.memory_space<semaphore_mem>>)
      %dma_wait3A_337 = arith.constant 0 : i32
      %dma_wait3A_338 = tpu.memref_slice %arg3[%dma_wait3A_337] : memref<322560xi32, #tpu.memory_space<hbm>> -> memref<112xi32, #tpu.memory_space<hbm>>
      %dma_wait3A_339 = arith.constant 0 : i32
      %dma_wait3A_340 = tpu.memref_slice %arg3[%dma_wait3A_339] : memref<322560xi32, #tpu.memory_space<hbm>> -> memref<112xi32, #tpu.memory_space<hbm>>
      tpu.wait_dma2 semaphore(%arg19 : memref<!tpu.dma_semaphore, #tpu.memory_space<semaphore_mem>>) src(%dma_wait3A_340 : memref<112xi32, #tpu.memory_space<hbm>>) dst(%arg9 : memref<112xi32, #tpu.memory_space<vmem>>)
      %dma_wait3A_341 = arith.constant 0 : i32
      %dma_wait3A_342 = tpu.memref_slice %arg4[%dma_wait3A_341] : memref<322560xi32, #tpu.memory_space<hbm>> -> memref<112xi32, #tpu.memory_space<hbm>>
      %dma_wait3A_343 = arith.constant 0 : i32
      %dma_wait3A_344 = tpu.memref_slice %arg4[%dma_wait3A_343] : memref<322560xi32, #tpu.memory_space<hbm>> -> memref<112xi32, #tpu.memory_space<hbm>>
      tpu.wait_dma2 semaphore(%arg19 : memref<!tpu.dma_semaphore, #tpu.memory_space<semaphore_mem>>) src(%dma_wait3A_344 : memref<112xi32, #tpu.memory_space<hbm>>) dst(%arg12 : memref<112xi32, #tpu.memory_space<vmem>>)
      %dma_start3A_345 = arith.constant 0 : i32
      %dma_start3A_346 = arith.constant 0 : i32
      %dma_start3A_347 = tpu.memref_slice %arg2[%dma_start3A_345, %dma_start3A_346] : memref<10080x128xf32, #tpu.memory_space<hbm>> -> memref<10080x128xf32, #tpu.memory_space<hbm>>
      tpu.enqueue_indirect_dma source(%dma_start3A_347 : memref<10080x128xf32, #tpu.memory_space<hbm>>) target(%arg15 : memref<112x128xf32, #tpu.memory_space<vmem>>) offsets(%arg9 : memref<112xi32, #tpu.memory_space<vmem>>) semaphore(%arg22 : memref<!tpu.dma_semaphore, #tpu.memory_space<semaphore_mem>>)
      %add3A_348 = arith.constant 1 : i32
      %add3A_349 = arith.addi %add3A_310, %add3A_348 : i32
      %dma_wait3A_350 = arith.constant 0 : i32
      %dma_wait3A_351 = arith.constant 0 : i32
      %dma_wait3A_352 = tpu.memref_slice %arg2[%dma_wait3A_350, %dma_wait3A_351] : memref<10080x128xf32, #tpu.memory_space<hbm>> -> memref<10080x128xf32, #tpu.memory_space<hbm>>
      tpu.wait_indirect_dma semaphore(%arg22 : memref<!tpu.dma_semaphore, #tpu.memory_space<semaphore_mem>>) src(%dma_wait3A_352 : memref<10080x128xf32, #tpu.memory_space<hbm>>) dst(%arg15 : memref<112x128xf32, #tpu.memory_space<vmem>>)
      %dma_start3A_353 = arith.constant 0 : i32
      %dma_start3A_354 = arith.constant 0 : i32
      %dma_start3A_355 = tpu.memref_slice %arg17[%dma_start3A_353, %dma_start3A_354] : memref<10080x128xf32, #tpu.memory_space<vmem_shared>> -> memref<10080x128xf32, #tpu.memory_space<vmem_shared>>
      tpu.enqueue_indirect_dma source(%arg15 : memref<112x128xf32, #tpu.memory_space<vmem>>) target(%dma_start3A_355 : memref<10080x128xf32, #tpu.memory_space<vmem_shared>>) offsets(%arg12 : memref<112xi32, #tpu.memory_space<vmem>>) semaphore(%arg24 : memref<!tpu.dma_semaphore, #tpu.memory_space<semaphore_mem>>) {add = true}
      %dma_start3A_356 = arith.constant 0 : i32
      %dma_start3A_357 = tpu.memref_slice %arg28[%dma_start3A_356] : memref<10080xf32, #tpu.memory_space<vmem_shared>> -> memref<10080xf32, #tpu.memory_space<vmem_shared>>
      tpu.enqueue_indirect_dma source(%arg26 : memref<112xf32, #tpu.memory_space<vmem>>) target(%dma_start3A_357 : memref<10080xf32, #tpu.memory_space<vmem_shared>>) offsets(%arg12 : memref<112xi32, #tpu.memory_space<vmem>>) semaphore(%arg25 : memref<!tpu.dma_semaphore, #tpu.memory_space<semaphore_mem>>) {add = true}
      %dma_start3A_358 = arith.constant 0 : i32
      %dma_start3A_359 = tpu.memref_slice %arg29[%dma_start3A_358] : memref<10080xf32, #tpu.memory_space<vmem_shared>> -> memref<10080xf32, #tpu.memory_space<vmem_shared>>
      tpu.enqueue_indirect_dma source(%arg26 : memref<112xf32, #tpu.memory_space<vmem>>) target(%dma_start3A_359 : memref<10080xf32, #tpu.memory_space<vmem_shared>>) offsets(%arg9 : memref<112xi32, #tpu.memory_space<vmem>>) semaphore(%arg25 : memref<!tpu.dma_semaphore, #tpu.memory_space<semaphore_mem>>) {add = true}
      %dma_wait3A_360 = arith.constant 0 : i32
      %dma_wait3A_361 = arith.constant 0 : i32
      %dma_wait3A_362 = tpu.memref_slice %arg17[%dma_wait3A_360, %dma_wait3A_361] : memref<10080x128xf32, #tpu.memory_space<vmem_shared>> -> memref<10080x128xf32, #tpu.memory_space<vmem_shared>>
      tpu.wait_indirect_dma semaphore(%arg24 : memref<!tpu.dma_semaphore, #tpu.memory_space<semaphore_mem>>) src(%arg14 : memref<112x128xf32, #tpu.memory_space<vmem>>) dst(%dma_wait3A_362 : memref<10080x128xf32, #tpu.memory_space<vmem_shared>>)
      %dma_wait3A_363 = arith.constant 0 : i32
      %dma_wait3A_364 = tpu.memref_slice %arg28[%dma_wait3A_363] : memref<10080xf32, #tpu.memory_space<vmem_shared>> -> memref<10080xf32, #tpu.memory_space<vmem_shared>>
      tpu.wait_indirect_dma semaphore(%arg25 : memref<!tpu.dma_semaphore, #tpu.memory_space<semaphore_mem>>) src(%arg26 : memref<112xf32, #tpu.memory_space<vmem>>) dst(%dma_wait3A_364 : memref<10080xf32, #tpu.memory_space<vmem_shared>>)
      %dma_wait3A_365 = arith.constant 0 : i32
      %dma_wait3A_366 = tpu.memref_slice %arg29[%dma_wait3A_365] : memref<10080xf32, #tpu.memory_space<vmem_shared>> -> memref<10080xf32, #tpu.memory_space<vmem_shared>>
      tpu.wait_indirect_dma semaphore(%arg25 : memref<!tpu.dma_semaphore, #tpu.memory_space<semaphore_mem>>) src(%arg26 : memref<112xf32, #tpu.memory_space<vmem>>) dst(%dma_wait3A_366 : memref<10080xf32, #tpu.memory_space<vmem_shared>>)
      %add3A_367 = arith.constant 2 : i32
      %add3A_368 = arith.addi %add3A_349, %add3A_367 : i32
      %mul3A_369 = arith.constant 112 : i32
      %mul3A_370 = arith.muli %add3A_368, %mul3A_369 : i32
      %add3A_371 = arith.addi %mul3A_2, %mul3A_370 : i32
      %dma_start3A_372 = tpu.memref_slice %arg3[%add3A_371] : memref<322560xi32, #tpu.memory_space<hbm>> -> memref<112xi32, #tpu.memory_space<hbm>>
      %dma_start3A_373 = tpu.memref_slice %arg3[%add3A_371] : memref<322560xi32, #tpu.memory_space<hbm>> -> memref<112xi32, #tpu.memory_space<hbm>>
      tpu.enqueue_dma source(%dma_start3A_373 : memref<112xi32, #tpu.memory_space<hbm>>) target(%arg8 : memref<112xi32, #tpu.memory_space<vmem>>) target_semaphore(%arg18 : memref<!tpu.dma_semaphore, #tpu.memory_space<semaphore_mem>>)
      %dma_start3A_374 = tpu.memref_slice %arg4[%add3A_371] : memref<322560xi32, #tpu.memory_space<hbm>> -> memref<112xi32, #tpu.memory_space<hbm>>
      %dma_start3A_375 = tpu.memref_slice %arg4[%add3A_371] : memref<322560xi32, #tpu.memory_space<hbm>> -> memref<112xi32, #tpu.memory_space<hbm>>
      tpu.enqueue_dma source(%dma_start3A_375 : memref<112xi32, #tpu.memory_space<hbm>>) target(%arg11 : memref<112xi32, #tpu.memory_space<vmem>>) target_semaphore(%arg18 : memref<!tpu.dma_semaphore, #tpu.memory_space<semaphore_mem>>)
      %dma_wait3A_376 = arith.constant 0 : i32
      %dma_wait3A_377 = tpu.memref_slice %arg3[%dma_wait3A_376] : memref<322560xi32, #tpu.memory_space<hbm>> -> memref<112xi32, #tpu.memory_space<hbm>>
      %dma_wait3A_378 = arith.constant 0 : i32
      %dma_wait3A_379 = tpu.memref_slice %arg3[%dma_wait3A_378] : memref<322560xi32, #tpu.memory_space<hbm>> -> memref<112xi32, #tpu.memory_space<hbm>>
      tpu.wait_dma2 semaphore(%arg20 : memref<!tpu.dma_semaphore, #tpu.memory_space<semaphore_mem>>) src(%dma_wait3A_379 : memref<112xi32, #tpu.memory_space<hbm>>) dst(%arg10 : memref<112xi32, #tpu.memory_space<vmem>>)
      %dma_wait3A_380 = arith.constant 0 : i32
      %dma_wait3A_381 = tpu.memref_slice %arg4[%dma_wait3A_380] : memref<322560xi32, #tpu.memory_space<hbm>> -> memref<112xi32, #tpu.memory_space<hbm>>
      %dma_wait3A_382 = arith.constant 0 : i32
      %dma_wait3A_383 = tpu.memref_slice %arg4[%dma_wait3A_382] : memref<322560xi32, #tpu.memory_space<hbm>> -> memref<112xi32, #tpu.memory_space<hbm>>
      tpu.wait_dma2 semaphore(%arg20 : memref<!tpu.dma_semaphore, #tpu.memory_space<semaphore_mem>>) src(%dma_wait3A_383 : memref<112xi32, #tpu.memory_space<hbm>>) dst(%arg13 : memref<112xi32, #tpu.memory_space<vmem>>)
      %dma_start3A_384 = arith.constant 0 : i32
      %dma_start3A_385 = arith.constant 0 : i32
      %dma_start3A_386 = tpu.memref_slice %arg2[%dma_start3A_384, %dma_start3A_385] : memref<10080x128xf32, #tpu.memory_space<hbm>> -> memref<10080x128xf32, #tpu.memory_space<hbm>>
      tpu.enqueue_indirect_dma source(%dma_start3A_386 : memref<10080x128xf32, #tpu.memory_space<hbm>>) target(%arg16 : memref<112x128xf32, #tpu.memory_space<vmem>>) offsets(%arg10 : memref<112xi32, #tpu.memory_space<vmem>>) semaphore(%arg23 : memref<!tpu.dma_semaphore, #tpu.memory_space<semaphore_mem>>)
      %add3A_387 = arith.constant 2 : i32
      %add3A_388 = arith.addi %add3A_310, %add3A_387 : i32
      %dma_wait3A_389 = arith.constant 0 : i32
      %dma_wait3A_390 = arith.constant 0 : i32
      %dma_wait3A_391 = tpu.memref_slice %arg2[%dma_wait3A_389, %dma_wait3A_390] : memref<10080x128xf32, #tpu.memory_space<hbm>> -> memref<10080x128xf32, #tpu.memory_space<hbm>>
      tpu.wait_indirect_dma semaphore(%arg23 : memref<!tpu.dma_semaphore, #tpu.memory_space<semaphore_mem>>) src(%dma_wait3A_391 : memref<10080x128xf32, #tpu.memory_space<hbm>>) dst(%arg16 : memref<112x128xf32, #tpu.memory_space<vmem>>)
      %dma_start3A_392 = arith.constant 0 : i32
      %dma_start3A_393 = arith.constant 0 : i32
      %dma_start3A_394 = tpu.memref_slice %arg17[%dma_start3A_392, %dma_start3A_393] : memref<10080x128xf32, #tpu.memory_space<vmem_shared>> -> memref<10080x128xf32, #tpu.memory_space<vmem_shared>>
      tpu.enqueue_indirect_dma source(%arg16 : memref<112x128xf32, #tpu.memory_space<vmem>>) target(%dma_start3A_394 : memref<10080x128xf32, #tpu.memory_space<vmem_shared>>) offsets(%arg13 : memref<112xi32, #tpu.memory_space<vmem>>) semaphore(%arg24 : memref<!tpu.dma_semaphore, #tpu.memory_space<semaphore_mem>>) {add = true}
      %dma_start3A_395 = arith.constant 0 : i32
      %dma_start3A_396 = tpu.memref_slice %arg28[%dma_start3A_395] : memref<10080xf32, #tpu.memory_space<vmem_shared>> -> memref<10080xf32, #tpu.memory_space<vmem_shared>>
      tpu.enqueue_indirect_dma source(%arg26 : memref<112xf32, #tpu.memory_space<vmem>>) target(%dma_start3A_396 : memref<10080xf32, #tpu.memory_space<vmem_shared>>) offsets(%arg13 : memref<112xi32, #tpu.memory_space<vmem>>) semaphore(%arg25 : memref<!tpu.dma_semaphore, #tpu.memory_space<semaphore_mem>>) {add = true}
      %dma_start3A_397 = arith.constant 0 : i32
      %dma_start3A_398 = tpu.memref_slice %arg29[%dma_start3A_397] : memref<10080xf32, #tpu.memory_space<vmem_shared>> -> memref<10080xf32, #tpu.memory_space<vmem_shared>>
      tpu.enqueue_indirect_dma source(%arg26 : memref<112xf32, #tpu.memory_space<vmem>>) target(%dma_start3A_398 : memref<10080xf32, #tpu.memory_space<vmem_shared>>) offsets(%arg10 : memref<112xi32, #tpu.memory_space<vmem>>) semaphore(%arg25 : memref<!tpu.dma_semaphore, #tpu.memory_space<semaphore_mem>>) {add = true}
      %dma_wait3A_399 = arith.constant 0 : i32
      %dma_wait3A_400 = arith.constant 0 : i32
      %dma_wait3A_401 = tpu.memref_slice %arg17[%dma_wait3A_399, %dma_wait3A_400] : memref<10080x128xf32, #tpu.memory_space<vmem_shared>> -> memref<10080x128xf32, #tpu.memory_space<vmem_shared>>
      tpu.wait_indirect_dma semaphore(%arg24 : memref<!tpu.dma_semaphore, #tpu.memory_space<semaphore_mem>>) src(%arg15 : memref<112x128xf32, #tpu.memory_space<vmem>>) dst(%dma_wait3A_401 : memref<10080x128xf32, #tpu.memory_space<vmem_shared>>)
      %dma_wait3A_402 = arith.constant 0 : i32
      %dma_wait3A_403 = tpu.memref_slice %arg28[%dma_wait3A_402] : memref<10080xf32, #tpu.memory_space<vmem_shared>> -> memref<10080xf32, #tpu.memory_space<vmem_shared>>
      tpu.wait_indirect_dma semaphore(%arg25 : memref<!tpu.dma_semaphore, #tpu.memory_space<semaphore_mem>>) src(%arg26 : memref<112xf32, #tpu.memory_space<vmem>>) dst(%dma_wait3A_403 : memref<10080xf32, #tpu.memory_space<vmem_shared>>)
      %dma_wait3A_404 = arith.constant 0 : i32
      %dma_wait3A_405 = tpu.memref_slice %arg29[%dma_wait3A_404] : memref<10080xf32, #tpu.memory_space<vmem_shared>> -> memref<10080xf32, #tpu.memory_space<vmem_shared>>
      tpu.wait_indirect_dma semaphore(%arg25 : memref<!tpu.dma_semaphore, #tpu.memory_space<semaphore_mem>>) src(%arg26 : memref<112xf32, #tpu.memory_space<vmem>>) dst(%dma_wait3A_405 : memref<10080xf32, #tpu.memory_space<vmem_shared>>)
      %add3A_406 = arith.constant 2 : i32
      %add3A_407 = arith.addi %add3A_388, %add3A_406 : i32
      %mul3A_408 = arith.constant 112 : i32
      %mul3A_409 = arith.muli %add3A_407, %mul3A_408 : i32
      %add3A_410 = arith.addi %mul3A_2, %mul3A_409 : i32
      %dma_start3A_411 = tpu.memref_slice %arg3[%add3A_410] : memref<322560xi32, #tpu.memory_space<hbm>> -> memref<112xi32, #tpu.memory_space<hbm>>
      %dma_start3A_412 = tpu.memref_slice %arg3[%add3A_410] : memref<322560xi32, #tpu.memory_space<hbm>> -> memref<112xi32, #tpu.memory_space<hbm>>
      tpu.enqueue_dma source(%dma_start3A_412 : memref<112xi32, #tpu.memory_space<hbm>>) target(%arg9 : memref<112xi32, #tpu.memory_space<vmem>>) target_semaphore(%arg19 : memref<!tpu.dma_semaphore, #tpu.memory_space<semaphore_mem>>)
      %dma_start3A_413 = tpu.memref_slice %arg4[%add3A_410] : memref<322560xi32, #tpu.memory_space<hbm>> -> memref<112xi32, #tpu.memory_space<hbm>>
      %dma_start3A_414 = tpu.memref_slice %arg4[%add3A_410] : memref<322560xi32, #tpu.memory_space<hbm>> -> memref<112xi32, #tpu.memory_space<hbm>>
      tpu.enqueue_dma source(%dma_start3A_414 : memref<112xi32, #tpu.memory_space<hbm>>) target(%arg12 : memref<112xi32, #tpu.memory_space<vmem>>) target_semaphore(%arg19 : memref<!tpu.dma_semaphore, #tpu.memory_space<semaphore_mem>>)
      %dma_wait3A_415 = arith.constant 0 : i32
      %dma_wait3A_416 = tpu.memref_slice %arg3[%dma_wait3A_415] : memref<322560xi32, #tpu.memory_space<hbm>> -> memref<112xi32, #tpu.memory_space<hbm>>
      %dma_wait3A_417 = arith.constant 0 : i32
      %dma_wait3A_418 = tpu.memref_slice %arg3[%dma_wait3A_417] : memref<322560xi32, #tpu.memory_space<hbm>> -> memref<112xi32, #tpu.memory_space<hbm>>
      tpu.wait_dma2 semaphore(%arg18 : memref<!tpu.dma_semaphore, #tpu.memory_space<semaphore_mem>>) src(%dma_wait3A_418 : memref<112xi32, #tpu.memory_space<hbm>>) dst(%arg8 : memref<112xi32, #tpu.memory_space<vmem>>)
      %dma_wait3A_419 = arith.constant 0 : i32
      %dma_wait3A_420 = tpu.memref_slice %arg4[%dma_wait3A_419] : memref<322560xi32, #tpu.memory_space<hbm>> -> memref<112xi32, #tpu.memory_space<hbm>>
      %dma_wait3A_421 = arith.constant 0 : i32
      %dma_wait3A_422 = tpu.memref_slice %arg4[%dma_wait3A_421] : memref<322560xi32, #tpu.memory_space<hbm>> -> memref<112xi32, #tpu.memory_space<hbm>>
      tpu.wait_dma2 semaphore(%arg18 : memref<!tpu.dma_semaphore, #tpu.memory_space<semaphore_mem>>) src(%dma_wait3A_422 : memref<112xi32, #tpu.memory_space<hbm>>) dst(%arg11 : memref<112xi32, #tpu.memory_space<vmem>>)
      %dma_start3A_423 = arith.constant 0 : i32
      %dma_start3A_424 = arith.constant 0 : i32
      %dma_start3A_425 = tpu.memref_slice %arg2[%dma_start3A_423, %dma_start3A_424] : memref<10080x128xf32, #tpu.memory_space<hbm>> -> memref<10080x128xf32, #tpu.memory_space<hbm>>
      tpu.enqueue_indirect_dma source(%dma_start3A_425 : memref<10080x128xf32, #tpu.memory_space<hbm>>) target(%arg14 : memref<112x128xf32, #tpu.memory_space<vmem>>) offsets(%arg8 : memref<112xi32, #tpu.memory_space<vmem>>) semaphore(%arg21 : memref<!tpu.dma_semaphore, #tpu.memory_space<semaphore_mem>>)
      %scan3A_426 = arith.constant 0 : i32
      scf.yield %scan3A_426 : i32
    }
    %scan3A_203 = arith.constant 28 : i32
    %dma_wait3A_204 = arith.constant 0 : i32
    %dma_wait3A_205 = arith.constant 0 : i32
    %dma_wait3A_206 = tpu.memref_slice %arg2[%dma_wait3A_204, %dma_wait3A_205] : memref<10080x128xf32, #tpu.memory_space<hbm>> -> memref<10080x128xf32, #tpu.memory_space<hbm>>
    tpu.wait_indirect_dma semaphore(%arg21 : memref<!tpu.dma_semaphore, #tpu.memory_space<semaphore_mem>>) src(%dma_wait3A_206 : memref<10080x128xf32, #tpu.memory_space<hbm>>) dst(%arg14 : memref<112x128xf32, #tpu.memory_space<vmem>>)
    %dma_start3A_207 = arith.constant 0 : i32
    %dma_start3A_208 = arith.constant 0 : i32
    %dma_start3A_209 = tpu.memref_slice %arg17[%dma_start3A_207, %dma_start3A_208] : memref<10080x128xf32, #tpu.memory_space<vmem_shared>> -> memref<10080x128xf32, #tpu.memory_space<vmem_shared>>
    tpu.enqueue_indirect_dma source(%arg14 : memref<112x128xf32, #tpu.memory_space<vmem>>) target(%dma_start3A_209 : memref<10080x128xf32, #tpu.memory_space<vmem_shared>>) offsets(%arg11 : memref<112xi32, #tpu.memory_space<vmem>>) semaphore(%arg24 : memref<!tpu.dma_semaphore, #tpu.memory_space<semaphore_mem>>) {add = true}
    %dma_start3A_210 = arith.constant 0 : i32
    %dma_start3A_211 = tpu.memref_slice %arg28[%dma_start3A_210] : memref<10080xf32, #tpu.memory_space<vmem_shared>> -> memref<10080xf32, #tpu.memory_space<vmem_shared>>
    tpu.enqueue_indirect_dma source(%arg26 : memref<112xf32, #tpu.memory_space<vmem>>) target(%dma_start3A_211 : memref<10080xf32, #tpu.memory_space<vmem_shared>>) offsets(%arg11 : memref<112xi32, #tpu.memory_space<vmem>>) semaphore(%arg25 : memref<!tpu.dma_semaphore, #tpu.memory_space<semaphore_mem>>) {add = true}
    %dma_start3A_212 = arith.constant 0 : i32
    %dma_start3A_213 = tpu.memref_slice %arg29[%dma_start3A_212] : memref<10080xf32, #tpu.memory_space<vmem_shared>> -> memref<10080xf32, #tpu.memory_space<vmem_shared>>
    tpu.enqueue_indirect_dma source(%arg26 : memref<112xf32, #tpu.memory_space<vmem>>) target(%dma_start3A_213 : memref<10080xf32, #tpu.memory_space<vmem_shared>>) offsets(%arg8 : memref<112xi32, #tpu.memory_space<vmem>>) semaphore(%arg25 : memref<!tpu.dma_semaphore, #tpu.memory_space<semaphore_mem>>) {add = true}
    %dma_wait3A_214 = arith.constant 0 : i32
    %dma_wait3A_215 = arith.constant 0 : i32
    %dma_wait3A_216 = tpu.memref_slice %arg17[%dma_wait3A_214, %dma_wait3A_215] : memref<10080x128xf32, #tpu.memory_space<vmem_shared>> -> memref<10080x128xf32, #tpu.memory_space<vmem_shared>>
    tpu.wait_indirect_dma semaphore(%arg24 : memref<!tpu.dma_semaphore, #tpu.memory_space<semaphore_mem>>) src(%arg16 : memref<112x128xf32, #tpu.memory_space<vmem>>) dst(%dma_wait3A_216 : memref<10080x128xf32, #tpu.memory_space<vmem_shared>>)
    %dma_wait3A_217 = arith.constant 0 : i32
    %dma_wait3A_218 = tpu.memref_slice %arg28[%dma_wait3A_217] : memref<10080xf32, #tpu.memory_space<vmem_shared>> -> memref<10080xf32, #tpu.memory_space<vmem_shared>>
    tpu.wait_indirect_dma semaphore(%arg25 : memref<!tpu.dma_semaphore, #tpu.memory_space<semaphore_mem>>) src(%arg26 : memref<112xf32, #tpu.memory_space<vmem>>) dst(%dma_wait3A_218 : memref<10080xf32, #tpu.memory_space<vmem_shared>>)
    %dma_wait3A_219 = arith.constant 0 : i32
    %dma_wait3A_220 = tpu.memref_slice %arg29[%dma_wait3A_219] : memref<10080xf32, #tpu.memory_space<vmem_shared>> -> memref<10080xf32, #tpu.memory_space<vmem_shared>>
    tpu.wait_indirect_dma semaphore(%arg25 : memref<!tpu.dma_semaphore, #tpu.memory_space<semaphore_mem>>) src(%arg26 : memref<112xf32, #tpu.memory_space<vmem>>) dst(%dma_wait3A_220 : memref<10080xf32, #tpu.memory_space<vmem_shared>>)
    %add3A_221 = arith.constant 9968 : i32
    %add3A_222 = arith.addi %mul3A_2, %add3A_221 : i32
    %dma_start3A_223 = tpu.memref_slice %arg3[%add3A_222] : memref<322560xi32, #tpu.memory_space<hbm>> -> memref<112xi32, #tpu.memory_space<hbm>>
    %dma_start3A_224 = tpu.memref_slice %arg3[%add3A_222] : memref<322560xi32, #tpu.memory_space<hbm>> -> memref<112xi32, #tpu.memory_space<hbm>>
    tpu.enqueue_dma source(%dma_start3A_224 : memref<112xi32, #tpu.memory_space<hbm>>) target(%arg10 : memref<112xi32, #tpu.memory_space<vmem>>) target_semaphore(%arg20 : memref<!tpu.dma_semaphore, #tpu.memory_space<semaphore_mem>>)
    %dma_start3A_225 = tpu.memref_slice %arg4[%add3A_222] : memref<322560xi32, #tpu.memory_space<hbm>> -> memref<112xi32, #tpu.memory_space<hbm>>
    %dma_start3A_226 = tpu.memref_slice %arg4[%add3A_222] : memref<322560xi32, #tpu.memory_space<hbm>> -> memref<112xi32, #tpu.memory_space<hbm>>
    tpu.enqueue_dma source(%dma_start3A_226 : memref<112xi32, #tpu.memory_space<hbm>>) target(%arg13 : memref<112xi32, #tpu.memory_space<vmem>>) target_semaphore(%arg20 : memref<!tpu.dma_semaphore, #tpu.memory_space<semaphore_mem>>)
    %dma_wait3A_227 = arith.constant 0 : i32
    %dma_wait3A_228 = tpu.memref_slice %arg3[%dma_wait3A_227] : memref<322560xi32, #tpu.memory_space<hbm>> -> memref<112xi32, #tpu.memory_space<hbm>>
    %dma_wait3A_229 = arith.constant 0 : i32
    %dma_wait3A_230 = tpu.memref_slice %arg3[%dma_wait3A_229] : memref<322560xi32, #tpu.memory_space<hbm>> -> memref<112xi32, #tpu.memory_space<hbm>>
    tpu.wait_dma2 semaphore(%arg19 : memref<!tpu.dma_semaphore, #tpu.memory_space<semaphore_mem>>) src(%dma_wait3A_230 : memref<112xi32, #tpu.memory_space<hbm>>) dst(%arg9 : memref<112xi32, #tpu.memory_space<vmem>>)
    %dma_wait3A_231 = arith.constant 0 : i32
    %dma_wait3A_232 = tpu.memref_slice %arg4[%dma_wait3A_231] : memref<322560xi32, #tpu.memory_space<hbm>> -> memref<112xi32, #tpu.memory_space<hbm>>
    %dma_wait3A_233 = arith.constant 0 : i32
    %dma_wait3A_234 = tpu.memref_slice %arg4[%dma_wait3A_233] : memref<322560xi32, #tpu.memory_space<hbm>> -> memref<112xi32, #tpu.memory_space<hbm>>
    tpu.wait_dma2 semaphore(%arg19 : memref<!tpu.dma_semaphore, #tpu.memory_space<semaphore_mem>>) src(%dma_wait3A_234 : memref<112xi32, #tpu.memory_space<hbm>>) dst(%arg12 : memref<112xi32, #tpu.memory_space<vmem>>)
    %dma_start3A_235 = arith.constant 0 : i32
    %dma_start3A_236 = arith.constant 0 : i32
    %dma_start3A_237 = tpu.memref_slice %arg2[%dma_start3A_235, %dma_start3A_236] : memref<10080x128xf32, #tpu.memory_space<hbm>> -> memref<10080x128xf32, #tpu.memory_space<hbm>>
    tpu.enqueue_indirect_dma source(%dma_start3A_237 : memref<10080x128xf32, #tpu.memory_space<hbm>>) target(%arg15 : memref<112x128xf32, #tpu.memory_space<vmem>>) offsets(%arg9 : memref<112xi32, #tpu.memory_space<vmem>>) semaphore(%arg22 : memref<!tpu.dma_semaphore, #tpu.memory_space<semaphore_mem>>)
    %dma_wait3A_238 = arith.constant 0 : i32
    %dma_wait3A_239 = arith.constant 0 : i32
    %dma_wait3A_240 = tpu.memref_slice %arg2[%dma_wait3A_238, %dma_wait3A_239] : memref<10080x128xf32, #tpu.memory_space<hbm>> -> memref<10080x128xf32, #tpu.memory_space<hbm>>
    tpu.wait_indirect_dma semaphore(%arg22 : memref<!tpu.dma_semaphore, #tpu.memory_space<semaphore_mem>>) src(%dma_wait3A_240 : memref<10080x128xf32, #tpu.memory_space<hbm>>) dst(%arg15 : memref<112x128xf32, #tpu.memory_space<vmem>>)
    %dma_start3A_241 = arith.constant 0 : i32
    %dma_start3A_242 = arith.constant 0 : i32
    %dma_start3A_243 = tpu.memref_slice %arg17[%dma_start3A_241, %dma_start3A_242] : memref<10080x128xf32, #tpu.memory_space<vmem_shared>> -> memref<10080x128xf32, #tpu.memory_space<vmem_shared>>
    tpu.enqueue_indirect_dma source(%arg15 : memref<112x128xf32, #tpu.memory_space<vmem>>) target(%dma_start3A_243 : memref<10080x128xf32, #tpu.memory_space<vmem_shared>>) offsets(%arg12 : memref<112xi32, #tpu.memory_space<vmem>>) semaphore(%arg24 : memref<!tpu.dma_semaphore, #tpu.memory_space<semaphore_mem>>) {add = true}
    %dma_start3A_244 = arith.constant 0 : i32
    %dma_start3A_245 = tpu.memref_slice %arg28[%dma_start3A_244] : memref<10080xf32, #tpu.memory_space<vmem_shared>> -> memref<10080xf32, #tpu.memory_space<vmem_shared>>
    tpu.enqueue_indirect_dma source(%arg26 : memref<112xf32, #tpu.memory_space<vmem>>) target(%dma_start3A_245 : memref<10080xf32, #tpu.memory_space<vmem_shared>>) offsets(%arg12 : memref<112xi32, #tpu.memory_space<vmem>>) semaphore(%arg25 : memref<!tpu.dma_semaphore, #tpu.memory_space<semaphore_mem>>) {add = true}
    %dma_start3A_246 = arith.constant 0 : i32
    %dma_start3A_247 = tpu.memref_slice %arg29[%dma_start3A_246] : memref<10080xf32, #tpu.memory_space<vmem_shared>> -> memref<10080xf32, #tpu.memory_space<vmem_shared>>
    tpu.enqueue_indirect_dma source(%arg26 : memref<112xf32, #tpu.memory_space<vmem>>) target(%dma_start3A_247 : memref<10080xf32, #tpu.memory_space<vmem_shared>>) offsets(%arg9 : memref<112xi32, #tpu.memory_space<vmem>>) semaphore(%arg25 : memref<!tpu.dma_semaphore, #tpu.memory_space<semaphore_mem>>) {add = true}
    %dma_wait3A_248 = arith.constant 0 : i32
    %dma_wait3A_249 = arith.constant 0 : i32
    %dma_wait3A_250 = tpu.memref_slice %arg17[%dma_wait3A_248, %dma_wait3A_249] : memref<10080x128xf32, #tpu.memory_space<vmem_shared>> -> memref<10080x128xf32, #tpu.memory_space<vmem_shared>>
    tpu.wait_indirect_dma semaphore(%arg24 : memref<!tpu.dma_semaphore, #tpu.memory_space<semaphore_mem>>) src(%arg14 : memref<112x128xf32, #tpu.memory_space<vmem>>) dst(%dma_wait3A_250 : memref<10080x128xf32, #tpu.memory_space<vmem_shared>>)
    %dma_wait3A_251 = arith.constant 0 : i32
    %dma_wait3A_252 = tpu.memref_slice %arg28[%dma_wait3A_251] : memref<10080xf32, #tpu.memory_space<vmem_shared>> -> memref<10080xf32, #tpu.memory_space<vmem_shared>>
    tpu.wait_indirect_dma semaphore(%arg25 : memref<!tpu.dma_semaphore, #tpu.memory_space<semaphore_mem>>) src(%arg26 : memref<112xf32, #tpu.memory_space<vmem>>) dst(%dma_wait3A_252 : memref<10080xf32, #tpu.memory_space<vmem_shared>>)
    %dma_wait3A_253 = arith.constant 0 : i32
    %dma_wait3A_254 = tpu.memref_slice %arg29[%dma_wait3A_253] : memref<10080xf32, #tpu.memory_space<vmem_shared>> -> memref<10080xf32, #tpu.memory_space<vmem_shared>>
    tpu.wait_indirect_dma semaphore(%arg25 : memref<!tpu.dma_semaphore, #tpu.memory_space<semaphore_mem>>) src(%arg26 : memref<112xf32, #tpu.memory_space<vmem>>) dst(%dma_wait3A_254 : memref<10080xf32, #tpu.memory_space<vmem_shared>>)
    %dma_wait3A_255 = arith.constant 0 : i32
    %dma_wait3A_256 = tpu.memref_slice %arg3[%dma_wait3A_255] : memref<322560xi32, #tpu.memory_space<hbm>> -> memref<112xi32, #tpu.memory_space<hbm>>
    %dma_wait3A_257 = arith.constant 0 : i32
    %dma_wait3A_258 = tpu.memref_slice %arg3[%dma_wait3A_257] : memref<322560xi32, #tpu.memory_space<hbm>> -> memref<112xi32, #tpu.memory_space<hbm>>
    tpu.wait_dma2 semaphore(%arg20 : memref<!tpu.dma_semaphore, #tpu.memory_space<semaphore_mem>>) src(%dma_wait3A_258 : memref<112xi32, #tpu.memory_space<hbm>>) dst(%arg10 : memref<112xi32, #tpu.memory_space<vmem>>)
    %dma_wait3A_259 = arith.constant 0 : i32
    %dma_wait3A_260 = tpu.memref_slice %arg4[%dma_wait3A_259] : memref<322560xi32, #tpu.memory_space<hbm>> -> memref<112xi32, #tpu.memory_space<hbm>>
    %dma_wait3A_261 = arith.constant 0 : i32
    %dma_wait3A_262 = tpu.memref_slice %arg4[%dma_wait3A_261] : memref<322560xi32, #tpu.memory_space<hbm>> -> memref<112xi32, #tpu.memory_space<hbm>>
    tpu.wait_dma2 semaphore(%arg20 : memref<!tpu.dma_semaphore, #tpu.memory_space<semaphore_mem>>) src(%dma_wait3A_262 : memref<112xi32, #tpu.memory_space<hbm>>) dst(%arg13 : memref<112xi32, #tpu.memory_space<vmem>>)
    %dma_start3A_263 = arith.constant 0 : i32
    %dma_start3A_264 = arith.constant 0 : i32
    %dma_start3A_265 = tpu.memref_slice %arg2[%dma_start3A_263, %dma_start3A_264] : memref<10080x128xf32, #tpu.memory_space<hbm>> -> memref<10080x128xf32, #tpu.memory_space<hbm>>
    tpu.enqueue_indirect_dma source(%dma_start3A_265 : memref<10080x128xf32, #tpu.memory_space<hbm>>) target(%arg16 : memref<112x128xf32, #tpu.memory_space<vmem>>) offsets(%arg10 : memref<112xi32, #tpu.memory_space<vmem>>) semaphore(%arg23 : memref<!tpu.dma_semaphore, #tpu.memory_space<semaphore_mem>>)
    %dma_wait3A_266 = arith.constant 0 : i32
    %dma_wait3A_267 = arith.constant 0 : i32
    %dma_wait3A_268 = tpu.memref_slice %arg2[%dma_wait3A_266, %dma_wait3A_267] : memref<10080x128xf32, #tpu.memory_space<hbm>> -> memref<10080x128xf32, #tpu.memory_space<hbm>>
    tpu.wait_indirect_dma semaphore(%arg23 : memref<!tpu.dma_semaphore, #tpu.memory_space<semaphore_mem>>) src(%dma_wait3A_268 : memref<10080x128xf32, #tpu.memory_space<hbm>>) dst(%arg16 : memref<112x128xf32, #tpu.memory_space<vmem>>)
    %dma_start3A_269 = arith.constant 0 : i32
    %dma_start3A_270 = arith.constant 0 : i32
    %dma_start3A_271 = tpu.memref_slice %arg17[%dma_start3A_269, %dma_start3A_270] : memref<10080x128xf32, #tpu.memory_space<vmem_shared>> -> memref<10080x128xf32, #tpu.memory_space<vmem_shared>>
    tpu.enqueue_indirect_dma source(%arg16 : memref<112x128xf32, #tpu.memory_space<vmem>>) target(%dma_start3A_271 : memref<10080x128xf32, #tpu.memory_space<vmem_shared>>) offsets(%arg13 : memref<112xi32, #tpu.memory_space<vmem>>) semaphore(%arg24 : memref<!tpu.dma_semaphore, #tpu.memory_space<semaphore_mem>>) {add = true}
    %dma_start3A_272 = arith.constant 0 : i32
    %dma_start3A_273 = tpu.memref_slice %arg28[%dma_start3A_272] : memref<10080xf32, #tpu.memory_space<vmem_shared>> -> memref<10080xf32, #tpu.memory_space<vmem_shared>>
    tpu.enqueue_indirect_dma source(%arg26 : memref<112xf32, #tpu.memory_space<vmem>>) target(%dma_start3A_273 : memref<10080xf32, #tpu.memory_space<vmem_shared>>) offsets(%arg13 : memref<112xi32, #tpu.memory_space<vmem>>) semaphore(%arg25 : memref<!tpu.dma_semaphore, #tpu.memory_space<semaphore_mem>>) {add = true}
    %dma_start3A_274 = arith.constant 0 : i32
    %dma_start3A_275 = tpu.memref_slice %arg29[%dma_start3A_274] : memref<10080xf32, #tpu.memory_space<vmem_shared>> -> memref<10080xf32, #tpu.memory_space<vmem_shared>>
    tpu.enqueue_indirect_dma source(%arg26 : memref<112xf32, #tpu.memory_space<vmem>>) target(%dma_start3A_275 : memref<10080xf32, #tpu.memory_space<vmem_shared>>) offsets(%arg10 : memref<112xi32, #tpu.memory_space<vmem>>) semaphore(%arg25 : memref<!tpu.dma_semaphore, #tpu.memory_space<semaphore_mem>>) {add = true}
    %dma_wait3A_276 = arith.constant 0 : i32
    %dma_wait3A_277 = arith.constant 0 : i32
    %dma_wait3A_278 = tpu.memref_slice %arg17[%dma_wait3A_276, %dma_wait3A_277] : memref<10080x128xf32, #tpu.memory_space<vmem_shared>> -> memref<10080x128xf32, #tpu.memory_space<vmem_shared>>
    tpu.wait_indirect_dma semaphore(%arg24 : memref<!tpu.dma_semaphore, #tpu.memory_space<semaphore_mem>>) src(%arg15 : memref<112x128xf32, #tpu.memory_space<vmem>>) dst(%dma_wait3A_278 : memref<10080x128xf32, #tpu.memory_space<vmem_shared>>)
    %dma_wait3A_279 = arith.constant 0 : i32
    %dma_wait3A_280 = tpu.memref_slice %arg28[%dma_wait3A_279] : memref<10080xf32, #tpu.memory_space<vmem_shared>> -> memref<10080xf32, #tpu.memory_space<vmem_shared>>
    tpu.wait_indirect_dma semaphore(%arg25 : memref<!tpu.dma_semaphore, #tpu.memory_space<semaphore_mem>>) src(%arg26 : memref<112xf32, #tpu.memory_space<vmem>>) dst(%dma_wait3A_280 : memref<10080xf32, #tpu.memory_space<vmem_shared>>)
    %dma_wait3A_281 = arith.constant 0 : i32
    %dma_wait3A_282 = tpu.memref_slice %arg29[%dma_wait3A_281] : memref<10080xf32, #tpu.memory_space<vmem_shared>> -> memref<10080xf32, #tpu.memory_space<vmem_shared>>
    tpu.wait_indirect_dma semaphore(%arg25 : memref<!tpu.dma_semaphore, #tpu.memory_space<semaphore_mem>>) src(%arg26 : memref<112xf32, #tpu.memory_space<vmem>>) dst(%dma_wait3A_282 : memref<10080xf32, #tpu.memory_space<vmem_shared>>)
    %dma_wait3A_283 = arith.constant 0 : i32
    %dma_wait3A_284 = arith.constant 0 : i32
    %dma_wait3A_285 = tpu.memref_slice %arg17[%dma_wait3A_283, %dma_wait3A_284] : memref<10080x128xf32, #tpu.memory_space<vmem_shared>> -> memref<10080x128xf32, #tpu.memory_space<vmem_shared>>
    tpu.wait_indirect_dma semaphore(%arg24 : memref<!tpu.dma_semaphore, #tpu.memory_space<semaphore_mem>>) src(%arg16 : memref<112x128xf32, #tpu.memory_space<vmem>>) dst(%dma_wait3A_285 : memref<10080x128xf32, #tpu.memory_space<vmem_shared>>)
    %dma_wait3A_286 = arith.constant 0 : i32
    %dma_wait3A_287 = tpu.memref_slice %arg28[%dma_wait3A_286] : memref<10080xf32, #tpu.memory_space<vmem_shared>> -> memref<10080xf32, #tpu.memory_space<vmem_shared>>
    tpu.wait_indirect_dma semaphore(%arg25 : memref<!tpu.dma_semaphore, #tpu.memory_space<semaphore_mem>>) src(%arg26 : memref<112xf32, #tpu.memory_space<vmem>>) dst(%dma_wait3A_287 : memref<10080xf32, #tpu.memory_space<vmem_shared>>)
    %dma_wait3A_288 = arith.constant 0 : i32
    %dma_wait3A_289 = tpu.memref_slice %arg29[%dma_wait3A_288] : memref<10080xf32, #tpu.memory_space<vmem_shared>> -> memref<10080xf32, #tpu.memory_space<vmem_shared>>
    tpu.wait_indirect_dma semaphore(%arg25 : memref<!tpu.dma_semaphore, #tpu.memory_space<semaphore_mem>>) src(%arg26 : memref<112xf32, #tpu.memory_space<vmem>>) dst(%dma_wait3A_289 : memref<10080xf32, #tpu.memory_space<vmem_shared>>)
    %barrier3A_290 = arith.constant 0 : index
    tpu.barrier barrier_id(%barrier3A_290)
    %scan3A_291 = arith.constant 0 : i32
    %scan3A_292 = arith.constant 0 : i32
    %scan3A_293 = arith.constant 6 : i32
    %scan3A_294 = arith.addi %scan3A_292, %scan3A_293 : i32
    %scan3A_295 = arith.constant 1 : i32
    %scan3A_296 = scf.for %scan3A_305 = %scan3A_292 to %scan3A_294 step %scan3A_295 iter_args(%scan3A_306 = %scan3A_291) -> (i32)  : i32 {
      %mul3A_307 = arith.constant 16 : i32
      %mul3A_308 = arith.muli %scan3A_305, %mul3A_307 : i32
      %add3A_309 = arith.addi %arg1, %mul3A_308 : i32
      %min3A = arith.constant 89 : i32
      %min3A_310 = arith.minsi %add3A_309, %min3A : i32
      %mul3A_311 = arith.constant 112 : i32
      %mul3A_312 = arith.muli %min3A_310, %mul3A_311 : i32
      "tpu.region"() ({
        %run_scoped3A = tpu.sem_alloc : memref<!tpu.dma_semaphore, #tpu.memory_space<semaphore_mem>>
        %dma_start3A_316 = arith.constant 0 : i32
        %dma_start3A_317 = tpu.memref_slice %arg17[%mul3A_312, %dma_start3A_316] : memref<10080x128xf32, #tpu.memory_space<vmem_shared>> -> memref<112x128xf32, #tpu.memory_space<vmem_shared>>
        %dma_start3A_318 = arith.constant 0 : i32
        %dma_start3A_319 = tpu.memref_slice %arg17[%mul3A_312, %dma_start3A_318] : memref<10080x128xf32, #tpu.memory_space<vmem_shared>> -> memref<112x128xf32, #tpu.memory_space<vmem_shared>>
        tpu.enqueue_dma source(%dma_start3A_319 : memref<112x128xf32, #tpu.memory_space<vmem_shared>>) target(%arg14 : memref<112x128xf32, #tpu.memory_space<vmem>>) target_semaphore(%run_scoped3A : memref<!tpu.dma_semaphore, #tpu.memory_space<semaphore_mem>>)
        %dma_wait3A_320 = arith.constant 0 : i32
        %dma_wait3A_321 = tpu.memref_slice %arg17[%mul3A_312, %dma_wait3A_320] : memref<10080x128xf32, #tpu.memory_space<vmem_shared>> -> memref<112x128xf32, #tpu.memory_space<vmem_shared>>
        %dma_wait3A_322 = arith.constant 0 : i32
        %dma_wait3A_323 = tpu.memref_slice %arg17[%mul3A_312, %dma_wait3A_322] : memref<10080x128xf32, #tpu.memory_space<vmem_shared>> -> memref<112x128xf32, #tpu.memory_space<vmem_shared>>
        tpu.wait_dma2 semaphore(%run_scoped3A : memref<!tpu.dma_semaphore, #tpu.memory_space<semaphore_mem>>) src(%dma_wait3A_323 : memref<112x128xf32, #tpu.memory_space<vmem_shared>>) dst(%arg14 : memref<112x128xf32, #tpu.memory_space<vmem>>)
        tpu.yield
      }) : () -> ()
      %mul3A_313 = arith.constant 112 : i32
      %mul3A_314 = arith.muli %min3A_310, %mul3A_313 : i32
      "tpu.region"() ({
        %run_scoped3A = tpu.sem_alloc : memref<!tpu.dma_semaphore, #tpu.memory_space<semaphore_mem>>
        %dma_start3A_316 = arith.constant 0 : i32
        %dma_start3A_317 = tpu.memref_slice %arg5[%arg0, %mul3A_314, %dma_start3A_316] : memref<2x10080x128xf32, #tpu.memory_space<hbm>> -> memref<1x112x128xf32, #tpu.memory_space<hbm>>
        %dma_start3A_318 = tpu.memref_squeeze %dma_start3A_317 : memref<1x112x128xf32, #tpu.memory_space<hbm>> -> memref<112x128xf32, #tpu.memory_space<hbm>>
        %dma_start3A_319 = arith.constant 0 : i32
        %dma_start3A_320 = tpu.memref_slice %arg5[%arg0, %mul3A_314, %dma_start3A_319] : memref<2x10080x128xf32, #tpu.memory_space<hbm>> -> memref<1x112x128xf32, #tpu.memory_space<hbm>>
        %dma_start3A_321 = tpu.memref_squeeze %dma_start3A_320 : memref<1x112x128xf32, #tpu.memory_space<hbm>> -> memref<112x128xf32, #tpu.memory_space<hbm>>
        tpu.enqueue_dma source(%arg14 : memref<112x128xf32, #tpu.memory_space<vmem>>) target(%dma_start3A_321 : memref<112x128xf32, #tpu.memory_space<hbm>>) target_semaphore(%run_scoped3A : memref<!tpu.dma_semaphore, #tpu.memory_space<semaphore_mem>>)
        %dma_wait3A_322 = arith.constant 0 : i32
        %dma_wait3A_323 = tpu.memref_slice %arg5[%arg0, %mul3A_314, %dma_wait3A_322] : memref<2x10080x128xf32, #tpu.memory_space<hbm>> -> memref<1x112x128xf32, #tpu.memory_space<hbm>>
        %dma_wait3A_324 = tpu.memref_squeeze %dma_wait3A_323 : memref<1x112x128xf32, #tpu.memory_space<hbm>> -> memref<112x128xf32, #tpu.memory_space<hbm>>
        %dma_wait3A_325 = arith.constant 0 : i32
        %dma_wait3A_326 = tpu.memref_slice %arg5[%arg0, %mul3A_314, %dma_wait3A_325] : memref<2x10080x128xf32, #tpu.memory_space<hbm>> -> memref<1x112x128xf32, #tpu.memory_space<hbm>>
        %dma_wait3A_327 = tpu.memref_squeeze %dma_wait3A_326 : memref<1x112x128xf32, #tpu.memory_space<hbm>> -> memref<112x128xf32, #tpu.memory_space<hbm>>
        tpu.wait_dma2 semaphore(%run_scoped3A : memref<!tpu.dma_semaphore, #tpu.memory_space<semaphore_mem>>) src(%arg14 : memref<112x128xf32, #tpu.memory_space<vmem>>) dst(%dma_wait3A_327 : memref<112x128xf32, #tpu.memory_space<hbm>>)
        tpu.yield
      }) : () -> ()
      %scan3A_315 = arith.constant 0 : i32
      scf.yield %scan3A_315 : i32
    }
    %scan3A_297 = arith.constant 6 : i32
    %scan3A_298 = arith.constant 0 : i32
    %scan3A_299 = arith.constant 0 : i32
    %scan3A_300 = arith.constant 6 : i32
    %scan3A_301 = arith.addi %scan3A_299, %scan3A_300 : i32
    %scan3A_302 = arith.constant 1 : i32
    %scan3A_303 = scf.for %scan3A_305 = %scan3A_299 to %scan3A_301 step %scan3A_302 iter_args(%scan3A_306 = %scan3A_298) -> (i32)  : i32 {
      %mul3A_307 = arith.constant 16 : i32
      %mul3A_308 = arith.muli %scan3A_305, %mul3A_307 : i32
      %add3A_309 = arith.addi %arg1, %mul3A_308 : i32
      %min3A = arith.constant 89 : i32
      %min3A_310 = arith.minsi %add3A_309, %min3A : i32
      %mul3A_311 = arith.constant 112 : i32
      %mul3A_312 = arith.muli %min3A_310, %mul3A_311 : i32
      "tpu.region"() ({
        %run_scoped3A = tpu.sem_alloc : memref<!tpu.dma_semaphore, #tpu.memory_space<semaphore_mem>>
        %dma_start3A_326 = tpu.memref_slice %arg28[%mul3A_312] : memref<10080xf32, #tpu.memory_space<vmem_shared>> -> memref<112xf32, #tpu.memory_space<vmem_shared>>
        %dma_start3A_327 = tpu.memref_slice %arg28[%mul3A_312] : memref<10080xf32, #tpu.memory_space<vmem_shared>> -> memref<112xf32, #tpu.memory_space<vmem_shared>>
        tpu.enqueue_dma source(%dma_start3A_327 : memref<112xf32, #tpu.memory_space<vmem_shared>>) target(%arg27 : memref<112xf32, #tpu.memory_space<vmem>>) target_semaphore(%run_scoped3A : memref<!tpu.dma_semaphore, #tpu.memory_space<semaphore_mem>>)
        %dma_wait3A_328 = tpu.memref_slice %arg28[%mul3A_312] : memref<10080xf32, #tpu.memory_space<vmem_shared>> -> memref<112xf32, #tpu.memory_space<vmem_shared>>
        %dma_wait3A_329 = tpu.memref_slice %arg28[%mul3A_312] : memref<10080xf32, #tpu.memory_space<vmem_shared>> -> memref<112xf32, #tpu.memory_space<vmem_shared>>
        tpu.wait_dma2 semaphore(%run_scoped3A : memref<!tpu.dma_semaphore, #tpu.memory_space<semaphore_mem>>) src(%dma_wait3A_329 : memref<112xf32, #tpu.memory_space<vmem_shared>>) dst(%arg27 : memref<112xf32, #tpu.memory_space<vmem>>)
        tpu.yield
      }) : () -> ()
      %mul3A_313 = arith.constant 10080 : i32
      %mul3A_314 = arith.muli %arg0, %mul3A_313 : i32
      %mul3A_315 = arith.constant 112 : i32
      %mul3A_316 = arith.muli %min3A_310, %mul3A_315 : i32
      %add3A_317 = arith.addi %mul3A_314, %mul3A_316 : i32
      "tpu.region"() ({
        %run_scoped3A = tpu.sem_alloc : memref<!tpu.dma_semaphore, #tpu.memory_space<semaphore_mem>>
        %dma_start3A_326 = tpu.memref_slice %arg6[%add3A_317] : memref<20160xf32, #tpu.memory_space<hbm>> -> memref<112xf32, #tpu.memory_space<hbm>>
        %dma_start3A_327 = tpu.memref_slice %arg6[%add3A_317] : memref<20160xf32, #tpu.memory_space<hbm>> -> memref<112xf32, #tpu.memory_space<hbm>>
        tpu.enqueue_dma source(%arg27 : memref<112xf32, #tpu.memory_space<vmem>>) target(%dma_start3A_327 : memref<112xf32, #tpu.memory_space<hbm>>) target_semaphore(%run_scoped3A : memref<!tpu.dma_semaphore, #tpu.memory_space<semaphore_mem>>)
        %dma_wait3A_328 = tpu.memref_slice %arg6[%add3A_317] : memref<20160xf32, #tpu.memory_space<hbm>> -> memref<112xf32, #tpu.memory_space<hbm>>
        %dma_wait3A_329 = tpu.memref_slice %arg6[%add3A_317] : memref<20160xf32, #tpu.memory_space<hbm>> -> memref<112xf32, #tpu.memory_space<hbm>>
        tpu.wait_dma2 semaphore(%run_scoped3A : memref<!tpu.dma_semaphore, #tpu.memory_space<semaphore_mem>>) src(%arg27 : memref<112xf32, #tpu.memory_space<vmem>>) dst(%dma_wait3A_329 : memref<112xf32, #tpu.memory_space<hbm>>)
        tpu.yield
      }) : () -> ()
      %mul3A_318 = arith.constant 112 : i32
      %mul3A_319 = arith.muli %min3A_310, %mul3A_318 : i32
      "tpu.region"() ({
        %run_scoped3A = tpu.sem_alloc : memref<!tpu.dma_semaphore, #tpu.memory_space<semaphore_mem>>
        %dma_start3A_326 = tpu.memref_slice %arg29[%mul3A_319] : memref<10080xf32, #tpu.memory_space<vmem_shared>> -> memref<112xf32, #tpu.memory_space<vmem_shared>>
        %dma_start3A_327 = tpu.memref_slice %arg29[%mul3A_319] : memref<10080xf32, #tpu.memory_space<vmem_shared>> -> memref<112xf32, #tpu.memory_space<vmem_shared>>
        tpu.enqueue_dma source(%dma_start3A_327 : memref<112xf32, #tpu.memory_space<vmem_shared>>) target(%arg26 : memref<112xf32, #tpu.memory_space<vmem>>) target_semaphore(%run_scoped3A : memref<!tpu.dma_semaphore, #tpu.memory_space<semaphore_mem>>)
        %dma_wait3A_328 = tpu.memref_slice %arg29[%mul3A_319] : memref<10080xf32, #tpu.memory_space<vmem_shared>> -> memref<112xf32, #tpu.memory_space<vmem_shared>>
        %dma_wait3A_329 = tpu.memref_slice %arg29[%mul3A_319] : memref<10080xf32, #tpu.memory_space<vmem_shared>> -> memref<112xf32, #tpu.memory_space<vmem_shared>>
        tpu.wait_dma2 semaphore(%run_scoped3A : memref<!tpu.dma_semaphore, #tpu.memory_space<semaphore_mem>>) src(%dma_wait3A_329 : memref<112xf32, #tpu.memory_space<vmem_shared>>) dst(%arg26 : memref<112xf32, #tpu.memory_space<vmem>>)
        tpu.yield
      }) : () -> ()
      %mul3A_320 = arith.constant 10080 : i32
      %mul3A_321 = arith.muli %arg0, %mul3A_320 : i32
      %mul3A_322 = arith.constant 112 : i32
      %mul3A_323 = arith.muli %min3A_310, %mul3A_322 : i32
      %add3A_324 = arith.addi %mul3A_321, %mul3A_323 : i32
      "tpu.region"() ({
        %run_scoped3A = tpu.sem_alloc : memref<!tpu.dma_semaphore, #tpu.memory_space<semaphore_mem>>
        %dma_start3A_326 = tpu.memref_slice %arg7[%add3A_324] : memref<20160xf32, #tpu.memory_space<hbm>> -> memref<112xf32, #tpu.memory_space<hbm>>
        %dma_start3A_327 = tpu.memref_slice %arg7[%add3A_324] : memref<20160xf32, #tpu.memory_space<hbm>> -> memref<112xf32, #tpu.memory_space<hbm>>
        tpu.enqueue_dma source(%arg26 : memref<112xf32, #tpu.memory_space<vmem>>) target(%dma_start3A_327 : memref<112xf32, #tpu.memory_space<hbm>>) target_semaphore(%run_scoped3A : memref<!tpu.dma_semaphore, #tpu.memory_space<semaphore_mem>>)
        %dma_wait3A_328 = tpu.memref_slice %arg7[%add3A_324] : memref<20160xf32, #tpu.memory_space<hbm>> -> memref<112xf32, #tpu.memory_space<hbm>>
        %dma_wait3A_329 = tpu.memref_slice %arg7[%add3A_324] : memref<20160xf32, #tpu.memory_space<hbm>> -> memref<112xf32, #tpu.memory_space<hbm>>
        tpu.wait_dma2 semaphore(%run_scoped3A : memref<!tpu.dma_semaphore, #tpu.memory_space<semaphore_mem>>) src(%arg26 : memref<112xf32, #tpu.memory_space<vmem>>) dst(%dma_wait3A_329 : memref<112xf32, #tpu.memory_space<hbm>>)
        tpu.yield
      }) : () -> ()
      %scan3A_325 = arith.constant 0 : i32
      scf.yield %scan3A_325 : i32
    }
    %scan3A_304 = arith.constant 6 : i32
    return
  }
}

module attributes {stable_mosaic.version = 14 : i64} {
  func.func @_mm_body(%arg0: i32, %arg1: memref<1008x128xf32, #tpu.memory_space<vmem>>, %arg2: memref<128x128xf32, #tpu.memory_space<vmem>>, %arg3: memref<1008x128xf32, #tpu.memory_space<vmem>>) attributes {dimension_semantics = [#tpu.dimension_semantics<arbitrary>], iteration_bounds = array<i64: 10>, scalar_prefetch = 0 : i64, scratch_operands = 0 : i64, tpu.core_type = #tpu.core_type<tc>, window_params = [{transform_indices = @transform_0, window_bounds = array<i64: 1008, 128>}, {pipeline_mode = #tpu.pipeline_mode<synchronous>, transform_indices = @transform_1, window_bounds = array<i64: 128, 128>}, {transform_indices = @transform_2, window_bounds = array<i64: 1008, 128>}]} {
    %get3A = arith.constant 0 : index
    %get3A_0 = arith.constant 0 : index
    %get3A_1 = vector.load %arg1[%get3A, %get3A_0] : memref<1008x128xf32, #tpu.memory_space<vmem>>, vector<1008x128xf32>
    %get3A_2 = arith.constant 0 : index
    %get3A_3 = arith.constant 0 : index
    %get3A_4 = vector.load %arg2[%get3A_2, %get3A_3] : memref<128x128xf32, #tpu.memory_space<vmem>>, vector<128x128xf32>
    %dot_general3A = arith.constant dense<0.000000e+00> : vector<1008x128xf32>
    %dot_general3A_5 = tpu.matmul %get3A_1, %get3A_4, %dot_general3A {dimension_numbers = #tpu.dot_dimension_numbers<[1], [0], [0], [1], [0, 0, 1, 1], [], []>, transpose_lhs_hint = false} : vector<1008x128xf32>, vector<128x128xf32>, vector<1008x128xf32> -> vector<1008x128xf32>
    %swap3A = arith.constant 0 : index
    %swap3A_6 = arith.constant 0 : index
    %swap3A_7 = vector.load %arg3[%swap3A, %swap3A_6] : memref<1008x128xf32, #tpu.memory_space<vmem>>, vector<1008x128xf32>
    tpu.vector_store %arg3[%swap3A, %swap3A_6], %dot_general3A_5 {strides = array<i32>} : memref<1008x128xf32, #tpu.memory_space<vmem>>, vector<1008x128xf32>,
    return
  }
  func.func @transform_0(%arg0: i32) -> (i32, i32) {
    %c0_i32 = arith.constant 0 : i32
    %c0_i32_0 = arith.constant 0 : i32
    return %arg0, %c0_i32 : i32, i32
  }
  func.func @transform_1(%arg0: i32) -> (i32, i32) {
    %c0_i32 = arith.constant 0 : i32
    %c0_i32_0 = arith.constant 0 : i32
    %c0_i32_1 = arith.constant 0 : i32
    return %c0_i32, %c0_i32_0 : i32, i32
  }
  func.func @transform_2(%arg0: i32) -> (i32, i32) {
    %c0_i32 = arith.constant 0 : i32
    %c0_i32_0 = arith.constant 0 : i32
    return %arg0, %c0_i32 : i32, i32
  }
}

module attributes {stable_mosaic.version = 14 : i64} {
  func.func @_comb_body(%arg0: memref<2x10080x128xf32, #tpu.memory_space<vmem>>, %arg1: memref<2x10080xf32, #tpu.memory_space<vmem>>, %arg2: memref<10080x128xf32, #tpu.memory_space<vmem>>) attributes {dimension_semantics = [], scalar_prefetch = 0 : i64, scratch_operands = 0 : i64, tpu.core_type = #tpu.core_type<tc>} {
    %get3A = arith.constant 0 : index
    %get3A_0 = arith.constant 0 : index
    %get3A_1 = arith.constant 0 : index
    %get3A_2 = vector.load %arg0[%get3A, %get3A_0, %get3A_1] : memref<2x10080x128xf32, #tpu.memory_space<vmem>>, vector<1x10080x128xf32>
    %get3A_3 = vector.shape_cast %get3A_2 : vector<1x10080x128xf32> to vector<10080x128xf32>
    %get3A_4 = arith.constant 1 : index
    %get3A_5 = arith.constant 0 : index
    %get3A_6 = arith.constant 0 : index
    %get3A_7 = vector.load %arg0[%get3A_4, %get3A_5, %get3A_6] : memref<2x10080x128xf32, #tpu.memory_space<vmem>>, vector<1x10080x128xf32>
    %get3A_8 = vector.shape_cast %get3A_7 : vector<1x10080x128xf32> to vector<10080x128xf32>
    %add3A = arith.addf %get3A_3, %get3A_8 : vector<10080x128xf32>
    %get3A_9 = arith.constant 0 : index
    %get3A_10 = arith.constant 0 : index
    %get3A_11 = vector.load %arg1[%get3A_9, %get3A_10] : memref<2x10080xf32, #tpu.memory_space<vmem>>, vector<1x10080xf32>
    %get3A_12 = vector.shape_cast %get3A_11 : vector<1x10080xf32> to vector<10080xf32>
    %get3A_13 = arith.constant 1 : index
    %get3A_14 = arith.constant 0 : index
    %get3A_15 = vector.load %arg1[%get3A_13, %get3A_14] : memref<2x10080xf32, #tpu.memory_space<vmem>>, vector<1x10080xf32>
    %get3A_16 = vector.shape_cast %get3A_15 : vector<1x10080xf32> to vector<10080xf32>
    %add3A_17 = arith.addf %get3A_12, %get3A_16 : vector<10080xf32>
    %broadcast_in_dim3A = vector.shape_cast %add3A_17 : vector<10080xf32> to vector<10080x1xf32>
    %gt3A = arith.constant 0.000000e+00 : f32
    %gt3A_18 = vector.broadcast %gt3A : f32 to vector<10080x1xf32>
    %gt3A_19 = arith.cmpf ogt, %broadcast_in_dim3A, %gt3A_18 : vector<10080x1xf32>
    %div3A = arith.constant 1.000000e+00 : f32
    %div3A_20 = vector.broadcast %div3A : f32 to vector<10080x1xf32>
    %div3A_21 = arith.divf %div3A_20, %broadcast_in_dim3A : vector<10080x1xf32>
    %jit3A = arith.constant 0.000000e+00 : f32
    %broadcast_in_dim3A_22 = vector.broadcast %jit3A : f32 to vector<10080x1xf32>
    %select_n3A = arith.select %gt3A_19, %div3A_21, %broadcast_in_dim3A_22 : vector<10080x1xi1>, vector<10080x1xf32>
    %mul3A = vector.broadcast %select_n3A : vector<10080x1xf32> to vector<10080x128xf32>
    %mul3A_23 = arith.mulf %add3A, %mul3A : vector<10080x128xf32>
    %swap3A = arith.constant 0 : index
    %swap3A_24 = arith.constant 0 : index
    %swap3A_25 = vector.load %arg2[%swap3A, %swap3A_24] : memref<10080x128xf32, #tpu.memory_space<vmem>>, vector<10080x128xf32>
    tpu.vector_store %arg2[%swap3A, %swap3A_24], %mul3A_23 {strides = array<i32>} : memref<10080x128xf32, #tpu.memory_space<vmem>>, vector<10080x128xf32>,
    return
  }
}

module attributes {stable_mosaic.version = 14 : i64} {
  func.func @_comb_body(%arg0: memref<2x10080x128xf32, #tpu.memory_space<vmem>>, %arg1: memref<2x10080xf32, #tpu.memory_space<vmem>>, %arg2: memref<10000x128xf32, #tpu.memory_space<vmem>>) attributes {dimension_semantics = [], scalar_prefetch = 0 : i64, scratch_operands = 0 : i64, tpu.core_type = #tpu.core_type<tc>} {
    %get3A = arith.constant 0 : index
    %get3A_0 = arith.constant 0 : index
    %get3A_1 = arith.constant 0 : index
    %get3A_2 = vector.load %arg0[%get3A, %get3A_0, %get3A_1] : memref<2x10080x128xf32, #tpu.memory_space<vmem>>, vector<1x10080x128xf32>
    %get3A_3 = vector.shape_cast %get3A_2 : vector<1x10080x128xf32> to vector<10080x128xf32>
    %slice3A = vector.extract_strided_slice %get3A_3 {offsets = [0, 0], sizes = [10000, 128], strides = [1, 1]} : vector<10080x128xf32> to vector<10000x128xf32>
    %get3A_4 = arith.constant 1 : index
    %get3A_5 = arith.constant 0 : index
    %get3A_6 = arith.constant 0 : index
    %get3A_7 = vector.load %arg0[%get3A_4, %get3A_5, %get3A_6] : memref<2x10080x128xf32, #tpu.memory_space<vmem>>, vector<1x10080x128xf32>
    %get3A_8 = vector.shape_cast %get3A_7 : vector<1x10080x128xf32> to vector<10080x128xf32>
    %slice3A_9 = vector.extract_strided_slice %get3A_8 {offsets = [0, 0], sizes = [10000, 128], strides = [1, 1]} : vector<10080x128xf32> to vector<10000x128xf32>
    %add3A = arith.addf %slice3A, %slice3A_9 : vector<10000x128xf32>
    %get3A_10 = arith.constant 0 : index
    %get3A_11 = arith.constant 0 : index
    %get3A_12 = vector.load %arg1[%get3A_10, %get3A_11] : memref<2x10080xf32, #tpu.memory_space<vmem>>, vector<1x10080xf32>
    %get3A_13 = vector.shape_cast %get3A_12 : vector<1x10080xf32> to vector<10080xf32>
    %slice3A_14 = vector.extract_strided_slice %get3A_13 {offsets = [0], sizes = [10000], strides = [1]} : vector<10080xf32> to vector<10000xf32>
    %get3A_15 = arith.constant 1 : index
    %get3A_16 = arith.constant 0 : index
    %get3A_17 = vector.load %arg1[%get3A_15, %get3A_16] : memref<2x10080xf32, #tpu.memory_space<vmem>>, vector<1x10080xf32>
    %get3A_18 = vector.shape_cast %get3A_17 : vector<1x10080xf32> to vector<10080xf32>
    %slice3A_19 = vector.extract_strided_slice %get3A_18 {offsets = [0], sizes = [10000], strides = [1]} : vector<10080xf32> to vector<10000xf32>
    %add3A_20 = arith.addf %slice3A_14, %slice3A_19 : vector<10000xf32>
    %broadcast_in_dim3A = vector.shape_cast %add3A_20 : vector<10000xf32> to vector<10000x1xf32>
    %gt3A = arith.constant 0.000000e+00 : f32
    %gt3A_21 = vector.broadcast %gt3A : f32 to vector<10000x1xf32>
    %gt3A_22 = arith.cmpf ogt, %broadcast_in_dim3A, %gt3A_21 : vector<10000x1xf32>
    %div3A = arith.constant 1.000000e+00 : f32
    %div3A_23 = vector.broadcast %div3A : f32 to vector<10000x1xf32>
    %div3A_24 = arith.divf %div3A_23, %broadcast_in_dim3A : vector<10000x1xf32>
    %jit3A = arith.constant 0.000000e+00 : f32
    %broadcast_in_dim3A_25 = vector.broadcast %jit3A : f32 to vector<10000x1xf32>
    %select_n3A = arith.select %gt3A_22, %div3A_24, %broadcast_in_dim3A_25 : vector<10000x1xi1>, vector<10000x1xf32>
    %mul3A = vector.broadcast %select_n3A : vector<10000x1xf32> to vector<10000x128xf32>
    %mul3A_26 = arith.mulf %add3A, %mul3A : vector<10000x128xf32>
    %swap3A = arith.constant 0 : index
    %swap3A_27 = arith.constant 0 : index
    %swap3A_28 = vector.load %arg2[%swap3A, %swap3A_27] : memref<10000x128xf32, #tpu.memory_space<vmem>>, vector<10000x128xf32>
    tpu.vector_store %arg2[%swap3A, %swap3A_27], %mul3A_26 {strides = array<i32>} : memref<10000x128xf32, #tpu.memory_space<vmem>>, vector<10000x128xf32>,
    return
  }
}

</mosaic_0001>

<sc_bundles>
// kernel: kernel.10.cloned.1.call-start
scs
__scs_entry_jumppad:
0x0: {  	(pc) =	sbr.rel $0x88, $3  }
0x1: {  	(tag) =	ssettag $0x0;
	lr =	simm.s32 $0x1  }
0x2: {  	[smem:$0x3F9E] =	sst lr;
	_ =	strace $0xD0000000  }
0x3: {  	_ = 	snop  }
0x4: {  	_ = 	snop  }
0x5: {  	_ = 	snop  }
0x6: {  	_ = 	snop  }
0x7: {  	_ = 	snop  }
__scs_overlays_trampoline_lowered:
0x8: {  	[smem:$0x3FAD] =	sst s0  }
0x9: {  	[smem:$0x3FAE] =	sst s1  }
0xa: {  	[smem:$0x3FAF] =	sst s2  }
0xb: {  	[smem:$0x3FB0] =	sst s3  }
0xc: {  	[smem:$0x3FB1] =	sst s4  }
0xd: {  	[smem:$0x3FB2] =	sst s5  }
0xe: {  	[smem:$0x3FB3] =	sst s6  }
0xf: {  	[smem:$0x3FB4] =	sst s7  }
0x10: {  	[smem:$0x3FB5] =	sst s8  }
0x11: {  	[smem:$0x3FB6] =	sst s9;
	s0 =	simm.s32 @!p0 $0x0  }
0x12: {  	s1 =	sld [smem:$0x3F9C];
	s0 =	simm.s32 @p0 $0x1  }
0x13: {  	[smem:$0x3FB7] =	sst s0;
	s0 =	simm.s32 @!p1 $0x0  }
0x14: {  	s2 =	sld [smem:$0x3F9B];
	s0 =	simm.s32 @p1 $0x1  }
0x15: {  	[smem:$0x3FB8] =	sst s0;
	s0 =	simm.s32 @!p2 $0x0  }
0x16: {  	s3 =	sld [smem:$0x3FDB];
	s0 =	simm.s32 @p2 $0x1  }
0x17: {  	s4 =	simm.s32 $0x1BF5;
	[smem:$0x3FBA] =	sst s0  }
0x18: {  	s0 =	sld [smem:$0x3F9D];
	_ =	swait.ge [sflag:s4], $0x0  }
0x19: {  	s7 =	sld [smem:$0x3F9E]  }
0x1a: {  	s8 =	sadd.s32 $0xFFFFE003, lr  }
0x1b: {  	s9 =	sadd.s32 $0xFFFFFEF7, lr;
	s5 =	simm.s32 $0xFFFFFFFF;
	p2 =	slt.u32 s8, $0xFFFFF086  }
0x1c: {  	p1 =	slt.u32 s9, $0xF7A;
	s5 =	simm.s32 @!p2 $0x0  }
0x1d: {  	s5 =	simm.s32 @p1 $0x1;
	p0 =	seq.s32 s7, s2  }
0x1e: {  	s7 =	smul.u32 @!p0 $0xF7A, s2;
	p2 =	seq.s32 @!p0 s5, $0x0  }
0x1f: {  	s9 =	smul.u32 $0xF7A, s1;
	s8 =	simm.s32 @!p0 $0x1BF5;
	p2 =	por !p2, p0  }
0x20: {  	[sflag:s8] =	ssyncset.s32 @!p0 $0xFFFFF086;
	s6 =	sadd.s32 @!p0 s3, s7;
	s7 =	simm.s32 @!p0 $0x108  }
0x21: {  	s3 =	sadd.s32 s3, s9;
	s6 =	sadd.s32 @!p0 $0x88, s6;
	s7 =	simm.s32 @p2 $0x1082  }
0x22: {  	[simem:s7], [sflag:s8] =	dma.local @!p0 [hbm:s6], $0xF7A  }
0x23: {  	s9 =	sor.u32 $0xD0000000, s2;
	s6 =	simm.s32 $0x108;
	_ =	swait.ge @!p0 [sflag:s8], $0x0  }
0x24: {  	s3 =	sadd.s32 $0x88, s3;
	s6 =	simm.s32 @!p1 $0x1082;
	[sflag:s4] =	ssyncset.s32 $0xFFFFF086  }
0x25: {  	[simem:s6], [sflag:s4] =	dma.local [hbm:s3], $0xF7A  }
0x26: {  	[smem:$0x3F9E] =	sst s1;
	(tag) =	ssettag s2;
	_ =	strace s9  }
0x27: {  	s1 =	sld [smem:$0x3FAE]  }
0x28: {  	s2 =	sld [smem:$0x3FAF]  }
0x29: {  	s4 =	sld [smem:$0x3FB1]  }
0x2a: {  	p0 =	seq.s32 s5, $0x0;
	s5 =	sld [smem:$0x3FB2]  }
0x2b: {  	s6 =	sld [smem:$0x3FB3]  }
0x2c: {  	s7 =	sld [smem:$0x3FB4]  }
0x2d: {  	s3 =	simm.s32 $0x108;
	s8 =	sld [smem:$0x3FB5]  }
0x2e: {  	s3 =	simm.s32 @!p0 $0x1082;
	s9 =	sld [smem:$0x3FB6]  }
0x2f: {  	lr =	sadd.s32 s0, s3;
	s0 =	sld [smem:$0x3FAD]  }
0x30: {  	s3 =	sld [smem:$0x3FB0]  }
0x31: {  	[smem:$0x3FB9] =	sst s10  }
0x32: {  	s10 =	sld [smem:$0x3FB7];
	_ =	sdelay $0x3  }
0x33: {  	p0 =	seq.s32 s10, $0x1;
	s10 =	sld [smem:$0x3FB9];
	_ =	sdelay $0x3  }
0x34: {  	[smem:$0x3FB9] =	sst s10  }
0x35: {  	s10 =	sld [smem:$0x3FB8];
	_ =	sdelay $0x3  }
0x36: {  	p1 =	seq.s32 s10, $0x1;
	s10 =	sld [smem:$0x3FB9];
	_ =	sdelay $0x3  }
0x37: {  	[smem:$0x3FB9] =	sst s10  }
0x38: {  	s10 =	sld [smem:$0x3FBA]  }
0x39: {  	_ = 	snop;
	(pc) =	sbr.ind lr, $3  }
0x3a: {  	_ = 	snop  }
0x3b: {  	_ = 	snop  }
0x3c: {  	p2 =	seq.s32 s10, $0x1;
	s10 =	sld [smem:$0x3FB9]  }
0x3d: {  	_ =	shalt  }
0x3e: {  	_ =	shalt  }
0x3f: {  	_ =	shalt  }
0x40: {  	_ =	shalt  }
0x41: {  	_ =	shalt  }
0x42: {  	_ =	shalt  }
0x43: {  	_ =	shalt  }
0x44: {  	_ =	shalt  }
0x45: {  	_ =	shalt  }
0x46: {  	_ =	shalt  }
0x47: {  	_ =	shalt  }
0x48: {  	_ =	shalt  }
0x49: {  	_ =	shalt  }
0x4a: {  	_ =	shalt  }
0x4b: {  	_ =	shalt  }
0x4c: {  	_ =	shalt  }
0x4d: {  	_ =	shalt  }
0x4e: {  	_ =	shalt  }
0x4f: {  	_ =	shalt  }
0x50: {  	_ =	shalt  }
0x51: {  	_ =	shalt  }
0x52: {  	_ =	shalt  }
0x53: {  	_ =	shalt  }
0x54: {  	_ =	shalt  }
0x55: {  	_ =	shalt  }
0x56: {  	_ =	shalt  }
0x57: {  	_ =	shalt  }
0x58: {  	_ =	shalt  }
0x59: {  	_ =	shalt  }
0x5a: {  	_ =	shalt  }
0x5b: {  	_ =	shalt  }
0x5c: {  	_ =	shalt  }
0x5d: {  	_ =	shalt  }
0x5e: {  	_ =	shalt  }
0x5f: {  	_ =	shalt  }
0x60: {  	_ =	shalt  }
0x61: {  	_ =	shalt  }
0x62: {  	_ =	shalt  }
0x63: {  	_ =	shalt  }
0x64: {  	_ =	shalt  }
0x65: {  	_ =	shalt  }
0x66: {  	_ =	shalt  }
0x67: {  	_ =	shalt  }
0x68: {  	_ =	shalt  }
0x69: {  	_ =	shalt  }
0x6a: {  	_ =	shalt  }
0x6b: {  	_ =	shalt  }
0x6c: {  	_ =	shalt  }
0x6d: {  	_ =	shalt  }
0x6e: {  	_ =	shalt  }
0x6f: {  	_ =	shalt  }
0x70: {  	_ =	shalt  }
0x71: {  	_ =	shalt  }
0x72: {  	_ =	shalt  }
0x73: {  	_ =	shalt  }
0x74: {  	_ =	shalt  }
0x75: {  	_ =	shalt  }
0x76: {  	_ =	shalt  }
0x77: {  	_ =	shalt  }
0x78: {  	_ =	shalt  }
0x79: {  	_ =	shalt  }
0x7a: {  	_ =	shalt  }
0x7b: {  	_ =	shalt  }
0x7c: {  	_ =	shalt  }
0x7d: {  	_ =	shalt  }
0x7e: {  	_ =	shalt  }
0x7f: {  	_ =	shalt  }
0x80: {  	_ =	shalt  }
0x81: {  	_ =	shalt  }
0x82: {  	_ =	shalt  }
0x83: {  	_ =	shalt  }
0x84: {  	_ =	shalt  }
0x85: {  	_ =	shalt  }
0x86: {  	_ =	shalt  }
0x87: {  	_ =	shalt  }
.Lfunc_end0:
.L_simem_size_0:
called_computation.1_lowered:
.L_overlay_start_0:
0x88: {  	s2 =	sld [smem:$0x3FD9]  }
0x89: {  	s3 =	sld [smem:$0x3FFE];
	_ =	sdelay $0x1  }
0x8a: {  	s1 =	srdreg.scid  }
0x8b: {  	s0 =	sand.u32 $0x1, s1  }
0x8c: {  	s17 =	sshll.u32 s0, $0xA;
	s2 =	sadd.s32 s3, s2  }
0x8d: {  	s2 =	sadd.s32 s2, s17  }
0x8e: {  	[smem:$0x3FC5] =	sst s2  }
0x8f: {  	_ = 	snop  }
0x90: {  	s2 =	sld [smem:$0x3FD0];
	(tm) =	ssettm $0x1  }
0x91: {  	s18 =	sld [smem:$0x3FFB];
	_ =	sdelay $0x3  }
0x92: {  	_ =	strace s18  }
0x93: {  	s3 =	sld [smem:$0x3FFC];
	_ =	sdelay $0x3  }
0x94: {  	_ =	strace s3  }
0x95: {  	s3 =	sld [smem:$0x3FFD];
	_ =	sdelay $0x3  }
0x96: {  	_ =	strace s3  }
0x97: {  	_ =	strace $0x8FFFFFFF  }
0x98: {  	s19 =	sld [smem:$0x3FDB];
	_ =	sdelay $0x1  }
0x99: {  	s4 =	simm.s32 $_scs_section_size  }
0x9a: {  	s5 =	simm.s32 $_size__tile_overlayer_lowered;
	s6 =	simm.s32 $_tile_overlayer_lowered  }
0x9b: {  	s22 =	simm.s32 $0x1BFF;
	s21 =	sshll.u32 s6, $0x1;
	s3 =	sadd.s32 s4, s19  }
0x9c: {  	s7 =	simm.s32 $0x0;
	s20 =	sshll.u32 s5, $0x1;
	s5 =	sadd.s32 s21, s3  }
0x9d: {  	[timem:s7], [sflag:s22] =	dma.local [hbm:s5], s20  }
0x9e: {  	_ =	swait.ge [sflag:s22], s20  }
0x9f: {  	s4 =	ssub.s32 $0x0, s20;
	[sflag:s22] =	ssyncset.done $0x0  }
0xa0: {  	[sflag:s22] =	ssyncadd.s32 s4;
	_ =	sdelay $0x1  }
0xa1: {  	s23 =	simm.s32 $0x1B8B  }
0xa2: {  	_ =	swait.ge [sflag:s23], $0x1  }
0xa3: {  	[sflag:s23] =	ssyncset.done $0x0  }
0xa4: {  	s25 =	simm.s32 $0x1B8E;
	s24 =	sld [smem:$0x3FFE];
	[sflag:s23] =	ssyncadd.s32 $0xFFFFFFFF  }
0xa5: {  	s26 =	simm.s32 $execute0_lowered;
	[smem:$0x3FD2] =	sst s25  }
0xa6: {  	s5 =	sshll.u32 s26, $0x1;
	_ =	strace $0x80000049;
	[dreg:$0x1] =	wrdreg $0xFFFFFFFF  }
0xa7: {  	s28 =	simm.s32 $_size_execute0_lowered;
	s3 =	sadd.s32 s3, s5;
	[dreg:$0x0] =	wrdreg $0x0  }
0xa8: {  	s5 =	sshll.u32 s28, $0x1;
	[dreg:$0x2] =	wrdreg s3  }
0xa9: {  	[dreg:$0x3] =	wrdreg s5  }
0xaa: {  	[dreg:$0x4] =	wrdreg $0xC0  }
0xab: {  	_ =	task [dreg:s7], $0x5FFFF  }
0xac: {  	[dreg:$0x1] =	wrdreg $0xFFFFFFFF  }
0xad: {  	[dreg:$0x0] =	wrdreg $0x60  }
0xae: {  	[dreg:$0x2] =	wrdreg s24  }
0xaf: {  	[dreg:$0x3] =	wrdreg s2  }
0xb0: {  	[dreg:$0x4] =	wrdreg $0xAB000  }
0xb1: {  	[dreg:$0x5] =	wrdreg $0x9  }
0xb2: {  	_ =	task.clear_ibuf [dreg:s7], $0x6FFFF;
	_ =	strace $0x90000049  }
0xb3: {  	s29 =	simm.s32 $0x9;
	_ =	strace $0x8000004B  }
0xb4: {  	_ =	swait.ge [sflag:s29], $0x1  }
0xb5: {  	[sflag:s29] =	ssyncadd.s32 $0xFFFFFFFF  }
0xb6: {  	_ =	strace $0x9000004B  }
0xb7: {  	_ =	sfence  }
0xb8: {  	s30 =	sld [smem:$0x0];
	_ =	sdelay $0x2  }
0xb9: {  	s31 =	sshll.u32 s1, $0xD;
	s1 =	sshrl.u32 s1, $0x2  }
0xba: {  	s3 =	sand.u32 $0x4000, s31;
	s1 =	sadd.s32 s1, s30  }
0xbb: {  	s0 =	sor.u32 s3, s0;
	s1 =	sshll.u32 s1, $0x11  }
0xbc: {  	s0 =	sor.u32 s1, s0  }
0xbd: {  	s0 =	sadd.s32 $0x8F2B, s0  }
0xbe: {  	[sflag:s0] =	ssyncadd.remote.s32 $0x1  }
0xbf: {  	_ =	sfence.sel $0xFFFF  }
0xc0: {  	[dreg:$0x0] =	wrdreg $0xFFFFFFFF;
	(pc) =	sbr.abs _section_cstart, $3  }
0xc1: {  	[dreg:$0x1] =	wrdreg $0xFFFFFFFF  }
0xc2: {  	_ =	task.clear_ibuf [dreg:s7], $0x2FFFF;
	_ =	strace $0x9FFFFFFF  }
0xc3: {  	(tm) =	ssettm $0x7FFFFFFF  }
tec
execute0_lowered:
.L_overlay_start_1:
0x0: {  	(tag) =	ssettag $0x1  }
0x1: {  	s0 =	rddreg [dreg:$0x0];
	s1 =	srdreg.scid  }
0x2: {  	s21 =	rddreg [dreg:$0x1];
	s20 =	stileid.u32  }
0x3: {  	s3 =	rddreg [dreg:$0x2];
	s1 =	sand.u32 $0x1, s1;
	s11 =	smul.u32 $0x3800, s20  }
0x4: {  	s4 =	simm.s32 $0x0;
	s10 =	sor.u32 $0x10, s20;
	s23 =	smul.u32 $0x13B000, s1  }
0x5: {  	[smem:$0x7FF] =	sst s4;
	s12 =	sor.u32 $0x20, s20;
	s16 =	smul.u32 $0x3800, s10  }
0x6: {  	s5 =	sadd.s32 $0xBE00, s0;
	s13 =	sor.u32 $0x30, s20;
	s17 =	smul.u32 $0x3800, s12  }
0x7: {  	s6 =	sadd.s32 $0x2000, s0;
	s14 =	sor.u32 $0x40, s20;
	s26 =	smul.u32 $0x3800, s13  }
0x8: {  	s0 =	sadd.s32 $0x33400, s0;
	s15 =	sor.u32 $0x50, s20;
	s18 =	smul.u32 $0x3800, s14  }
0x9: {  	s2 =	sshll.u32 s1, $0x4;
	s7 =	ssub.s32 $0x2, s1;
	s1 =	smul.u32 $0x27600, s1  }
0xa: {  	_ =	strace $0x8000004A;
	s15 =	smin.u32 s15, $0x59;
	s12 =	smul.u32 $0xE000, s12  }
0xb: {  	s2 =	sor.u32 s20, s2;
	s8 =	sshrl.u32 s7, $0x1;
	s19 =	smul.u32 $0x3800, s15  }
0xc: {  	s2 =	smul.u32 $0x2760, s2;
	s7 =	ssub.s32 s7, s8;
	s11 =	sadd.s32 s23, s11  }
0xd: {  	s25 =	sadd.s32 s23, s16;
	s17 =	sadd.s32 s23, s17;
	s16 =	sadd.s32 s23, s26  }
0xe: {  	s11 =	sshrl.u32 s11, $0x3;
	s17 =	sshrl.u32 s17, $0x3;
	s31 =	sshrl.u32 s16, $0x3  }
0xf: {  	s7 =	smax.u32 s7, $0x1;
	s2 =	sshrl.u32 s2, $0x3;
	s11 =	sadd.s32 s0, s11  }
0x10: {  	s28 =	sadd.s32 s0, s17;
	s17 =	sadd.s32 s23, s18;
	[dreg:$0x16] =	wrdreg s7  }
0x11: {  	s18 =	smul.u32 $0x2760, s20;
	s22 =	sadd.s32 $0xE, s2;
	[dreg:$0x6] =	wrdreg s11  }
0x12: {  	s24 =	sadd.s32 $0x1C, s2;
	[dreg:$0x8] =	wrdreg s28;
	s28 =	smul.u32 $0xE000, s10  }
0x13: {  	s11 =	sshrl.u32 s25, $0x3;
	s16 =	sshrl.u32 s17, $0x3;
	s10 =	smul.u32 $0xE000, s20  }
0x14: {  	s26 =	sadd.s32 $0x38, s2;
	s20 =	smul.u32 $0xE000, s15;
	s9 =	sadd.s32 s6, s22  }
0x15: {  	s15 =	simm.s32 $0x70;
	s8 =	sadd.s32 s21, s22;
	[dreg:$0x4] =	wrdreg s9  }
0x16: {  	s11 =	sadd.s32 s0, s11;
	s22 =	sadd.s32 s6, s24;
	[dreg:$0x5] =	wrdreg s8  }
0x17: {  	s1 =	sadd.s32 s18, s1;
	s24 =	sadd.s32 s21, s24;
	[dreg:$0x7] =	wrdreg s11  }
0x18: {  	s18 =	smul.u32 $0xE000, s14;
	s14 =	simm.s32 $0x1;
	[dreg:$0xc] =	wrdreg s22  }
0x19: {  	s8 =	sadd.s32 s23, s19;
	s11 =	sadd.s32 s0, s31;
	[dreg:$0xd] =	wrdreg s24  }
0x1a: {  	s19 =	sadd.s32 s0, s16;
	s23 =	sadd.s32 $0x2A, s2;
	[dreg:$0x9] =	wrdreg s11  }
0x1b: {  	s31 =	sadd.s32 s6, s26;
	s9 =	sadd.s32 s6, s2;
	[dreg:$0xa] =	wrdreg s19  }
0x1c: {  	s16 =	smul.u32 $0xE000, s13;
	s13 =	simm.s32 $0x200;
	[dreg:$0x10] =	wrdreg s31  }
0x1d: {  	s8 =	sshrl.u32 s8, $0x3;
	s25 =	sadd.s32 s6, s23;
	[dreg:$0x12] =	wrdreg s9  }
0x1e: {  	s11 =	sadd.s32 s21, s2;
	s2 =	sadd.s32 $0x4DE, s2;
	s19 =	sshrl.u32 s12, $0x2  }
0x1f: {  	s31 =	sadd.s32 $0x230, s1;
	s9 =	simm.s32 $0x300;
	s12 =	simm.s32 $0x80  }
0x20: {  	s0 =	sadd.s32 s0, s8;
	[dreg:$0xe] =	wrdreg s25;
	s8 =	sadd.s32 s21, s26  }
0x21: {  	[dreg:$0x13] =	wrdreg s11;
	s17 =	sadd.s32 s6, s2;
	s2 =	sadd.s32 s21, s2  }
0x22: {  	s22 =	sshrl.u32 s16, $0x2;
	s26 =	sadd.s32 $0x310, s1;
	[dreg:$0xb] =	wrdreg s0  }
0x23: {  	s11 =	simm.s32 $0x180;
	s16 =	simm.s32 $0x4;
	[dreg:$0x11] =	wrdreg s8  }
0x24: {  	s0 =	sadd.s32 s21, s23;
	s8 =	sshrl.u32 s10, $0x2;
	[dreg:$0x14] =	wrdreg s17  }
0x25: {  	[dreg:$0x15] =	wrdreg s2;
	s21 =	sadd.s32 s19, s3;
	s2 =	sshrl.u32 s18, $0x2  }
0x26: {  	s23 =	sshrl.u32 s20, $0x2;
	s10 =	simm.s32 $0x8;
	s17 =	simm.s32 $0x100  }
0x27: {  	s18 =	simm.s32 $0x280;
	s19 =	simm.s32 $0x2;
	s20 =	simm.s32 $0x3B00  }
0x28: {  	[dreg:$0xf] =	wrdreg s0;
	s29 =	sadd.s32 s8, s3;
	s0 =	sshrl.u32 s28, $0x2  }
0x29: {  	[dreg:$0x17] =	wrdreg s21;
	s24 =	sadd.s32 s2, s3;
	s25 =	sadd.s32 s23, s3  }
0x2a: {  	s28 =	sadd.s32 $0x2A0, s1;
	s1 =	sshrl.u32 s26, $0x3;
	s8 =	sshrl.u32 s31, $0x3  }
0x2b: {  	s21 =	simm.s32 $0x5;
	s23 =	simm.s32 $0x3;
	s26 =	simm.s32 $0x6  }
0x2c: {  	s2 =	simm.s32 $0x0;
	s30 =	sadd.s32 s0, s3;
	[dreg:$0x19] =	wrdreg s24  }
0x2d: {  	s0 =	sadd.s32 s22, s3;
	[dreg:$0x1a] =	wrdreg s25;
	s7 =	sshrl.u32 s28, $0x3  }
0x2e: {  	v0 =	vimm.f32 $0.0e+00;
	s22 =	simm.s32 $0x7;
	s24 =	simm.s32 $0x7300;
	[dreg:$0x18] =	wrdreg s0  }
.LBB2_1:
0x2f: {  	s25 =	simm.s32 $0x0;
	s28 =	simm.s32 $0x200  }
.LBB2_2:
0x30: {  	p0 =	sne.s32 s28, $0xDE00;
	[tilespmem:s25+$0x370] =	vst v0  }
0x31: {  	[tilespmem:s25+$0x300] =	vst v0  }
0x32: {  	[tilespmem:s25+$0x310] =	vst v0  }
.Ltmp0:
0x33: {  	[tilespmem:s25+$0x320] =	vst v0;
	(pc) =	sbr.rel @p0 .LBB2_2-.Ltmp0, $4  }
0x34: {  	[tilespmem:s25+$0x330] =	vst v0  }
0x35: {  	[tilespmem:s25+$0x340] =	vst v0  }
0x36: {  	[tilespmem:s25+$0x350] =	vst v0  }
0x37: {  	[tilespmem:s25+$0x360] =	vst v0;
	s25 =	sshra.s32 s28, $0x2;
	s28 =	sadd.s32 $0x200, s28  }
0x38: {  	[tilespmem:s25+$0x370] =	vst v0  }
0x39: {  	[tilespmem:s25+$0x300] =	vst v0  }
0x3a: {  	[tilespmem:s25+$0x310] =	vst v0  }
0x3b: {  	[tilespmem:s25+$0x320] =	vst v0  }
0x3c: {  	[tilespmem:s25+$0x330] =	vst v0  }
0x3d: {  	[tilespmem:s25+$0x340] =	vst v0  }
0x3e: {  	[tilespmem:s25+$0x350] =	vst v0  }
0x3f: {  	[tilespmem:s25+$0x360] =	vst v0  }
0x40: {  	[spmem:s29] =	stream.linear.scatter [tilespmem:s9], [sflag:$0x8], $0x3800, $0x38;
	[tilespmem:$0x1E600] =	vst v63  }
0x41: {  	_ =	swait.ge [sflag:s10], $0x3800  }
0x42: {  	[sflag:s10] =	ssyncset.done $0x0  }
0x43: {  	[sflag:s10] =	ssyncadd.s32 $0xFFFFC800  }
0x44: {  	[spmem:s30] =	stream.linear.scatter [tilespmem:s9], [sflag:$0x8], $0x3800, $0x38;
	[tilespmem:$0x1E600] =	vst v63  }
0x45: {  	_ =	swait.ge [sflag:s10], $0x3800  }
0x46: {  	[sflag:s10] =	ssyncset.done $0x0  }
0x47: {  	s0 =	smov.u32 s30;
	s30 =	rddreg [dreg:$0x17];
	[sflag:s10] =	ssyncadd.s32 $0xFFFFC800  }
0x48: {  	[spmem:s30] =	stream.linear.scatter [tilespmem:s9], [sflag:$0x8], $0x3800, $0x38;
	[tilespmem:$0x1E600] =	vst v63  }
0x49: {  	_ =	swait.ge [sflag:s10], $0x3800  }
0x4a: {  	[sflag:s10] =	ssyncset.done $0x0  }
0x4b: {  	s30 =	rddreg [dreg:$0x18];
	[sflag:s10] =	ssyncadd.s32 $0xFFFFC800  }
0x4c: {  	[spmem:s30] =	stream.linear.scatter [tilespmem:s9], [sflag:$0x8], $0x3800, $0x38;
	[tilespmem:$0x1E600] =	vst v63  }
0x4d: {  	_ =	swait.ge [sflag:s10], $0x3800  }
0x4e: {  	[sflag:s10] =	ssyncset.done $0x0  }
0x4f: {  	s30 =	rddreg [dreg:$0x19];
	[sflag:s10] =	ssyncadd.s32 $0xFFFFC800  }
0x50: {  	[spmem:s30] =	stream.linear.scatter [tilespmem:s9], [sflag:$0x8], $0x3800, $0x38;
	[tilespmem:$0x1E600] =	vst v63  }
0x51: {  	_ =	swait.ge [sflag:s10], $0x3800  }
0x52: {  	[sflag:s10] =	ssyncset.done $0x0  }
0x53: {  	s30 =	rddreg [dreg:$0x1a];
	[sflag:s10] =	ssyncadd.s32 $0xFFFFC800  }
0x54: {  	[spmem:s30] =	stream.linear.scatter [tilespmem:s9], [sflag:$0x8], $0x3800, $0x38;
	[tilespmem:$0x1E600] =	vst v63  }
0x55: {  	_ =	swait.ge [sflag:s10], $0x3800  }
0x56: {  	[sflag:s10] =	ssyncset.done $0x0  }
0x57: {  	[sflag:s10] =	ssyncadd.s32 $0xFFFFC800  }
0x58: {  	[bflag:$0x0] =	sbarrier.arrive $0xFFFF  }
0x59: {  	s30 =	rddreg [dreg:$0x12]  }
0x5a: {  	[tilespmem:s4], [sflag:$0x1] =	stream.linear.gather [hbm4b:s30+s4], $0x70, $0x38;
	[tilespmem:$0x1E600] =	vst v63  }
0x5b: {  	s30 =	rddreg [dreg:$0x13]  }
0x5c: {  	[tilespmem:s11], [sflag:$0x1] =	stream.linear.gather [hbm4b:s30+s4], $0x70, $0x38;
	[tilespmem:$0x1E600] =	vst v63  }
0x5d: {  	s30 =	rddreg [dreg:$0x4]  }
0x5e: {  	[tilespmem:s12], [sflag:$0x2] =	stream.linear.gather [hbm4b:s30+s4], $0x70, $0x38;
	[tilespmem:$0x1E600] =	vst v63  }
0x5f: {  	s30 =	rddreg [dreg:$0x5]  }
0x60: {  	[tilespmem:s13], [sflag:$0x2] =	stream.linear.gather [hbm4b:s30+s4], $0x70, $0x38;
	[tilespmem:$0x1E600] =	vst v63  }
0x61: {  	_ =	swait.ge [sflag:s14], $0x70  }
0x62: {  	[sflag:s14] =	ssyncset.done $0x0  }
0x63: {  	[sflag:s14] =	ssyncadd.s32 $0xFFFFFF90  }
0x64: {  	_ =	swait.ge [sflag:s14], $0x70  }
0x65: {  	[sflag:s14] =	ssyncset.done $0x0  }
0x66: {  	[sflag:s14] =	ssyncadd.s32 $0xFFFFFF90  }
0x67: {  	[tilespmem:s9], [sflag:$0x4] =	stream.indirect.gather [hbm4b:s5+s15], $0x80, s4, s15, $0xb8;
	[tilespmem:$0x1E600] =	vst v63  }
0x68: {  	_ =	swait.ge [sflag:s16], $0x3800  }
0x69: {  	[sflag:s16] =	ssyncset.done $0x0  }
0x6a: {  	[sflag:s16] =	ssyncadd.s32 $0xFFFFC800  }
0x6b: {  	[spmem:s3] =	stream.indirect.scatter.add.f32 [tilespmem:s9], [sflag:$0x7], $0x80, s11, s15, $0xb8;
	[tilespmem:$0x1E600] =	vst v63  }
0x6c: {  	s30 =	rddreg [dreg:$0xc]  }
0x6d: {  	[tilespmem:s17], [sflag:$0x3] =	stream.linear.gather [hbm4b:s30+s4], $0x70, $0x38;
	[tilespmem:$0x1E600] =	vst v63  }
0x6e: {  	s30 =	rddreg [dreg:$0xd]  }
0x6f: {  	[tilespmem:s18], [sflag:$0x3] =	stream.linear.gather [hbm4b:s30+s4], $0x70, $0x38;
	[tilespmem:$0x1E600] =	vst v63  }
0x70: {  	_ =	swait.ge [sflag:s19], $0x70  }
0x71: {  	[sflag:s19] =	ssyncset.done $0x0  }
0x72: {  	[sflag:s19] =	ssyncadd.s32 $0xFFFFFF90  }
0x73: {  	_ =	swait.ge [sflag:s19], $0x70  }
0x74: {  	[sflag:s19] =	ssyncset.done $0x0  }
0x75: {  	[sflag:s19] =	ssyncadd.s32 $0xFFFFFF90  }
0x76: {  	[tilespmem:s20], [sflag:$0x5] =	stream.indirect.gather [hbm4b:s5+s15], $0x80, s12, s15, $0xb8;
	[tilespmem:$0x1E600] =	vst v63  }
0x77: {  	_ =	swait.ge [sflag:s21], $0x3800  }
0x78: {  	[sflag:s21] =	ssyncset.done $0x0  }
0x79: {  	[sflag:s21] =	ssyncadd.s32 $0xFFFFC800  }
0x7a: {  	[spmem:s3] =	stream.indirect.scatter.add.f32 [tilespmem:s20], [sflag:$0x7], $0x80, s13, s15, $0xb8;
	[tilespmem:$0x1E600] =	vst v63  }
0x7b: {  	_ =	swait.ge [sflag:s22], $0x3800  }
0x7c: {  	[sflag:s22] =	ssyncset.done $0x0  }
0x7d: {  	s30 =	rddreg [dreg:$0xe];
	[sflag:s22] =	ssyncadd.s32 $0xFFFFC800  }
0x7e: {  	[tilespmem:s4], [sflag:$0x1] =	stream.linear.gather [hbm4b:s30+s4], $0x70, $0x38;
	[tilespmem:$0x1E600] =	vst v63  }
0x7f: {  	s30 =	rddreg [dreg:$0xf]  }
0x80: {  	[tilespmem:s11], [sflag:$0x1] =	stream.linear.gather [hbm4b:s30+s4], $0x70, $0x38;
	[tilespmem:$0x1E600] =	vst v63  }
0x81: {  	_ =	swait.ge [sflag:s23], $0x70  }
0x82: {  	[sflag:s23] =	ssyncset.done $0x0  }
0x83: {  	[sflag:s23] =	ssyncadd.s32 $0xFFFFFF90  }
0x84: {  	_ =	swait.ge [sflag:s23], $0x70  }
0x85: {  	[sflag:s23] =	ssyncset.done $0x0  }
0x86: {  	[sflag:s23] =	ssyncadd.s32 $0xFFFFFF90  }
0x87: {  	[tilespmem:s24], [sflag:$0x6] =	stream.indirect.gather [hbm4b:s5+s15], $0x80, s17, s15, $0xb8;
	[tilespmem:$0x1E600] =	vst v63  }
0x88: {  	_ =	swait.ge [sflag:s26], $0x3800  }
0x89: {  	[sflag:s26] =	ssyncset.done $0x0  }
0x8a: {  	[sflag:s26] =	ssyncadd.s32 $0xFFFFC800  }
0x8b: {  	[spmem:s3] =	stream.indirect.scatter.add.f32 [tilespmem:s24], [sflag:$0x7], $0x80, s18, s15, $0xb8;
	[tilespmem:$0x1E600] =	vst v63  }
0x8c: {  	_ =	swait.ge [sflag:s22], $0x3800  }
0x8d: {  	[sflag:s22] =	ssyncset.done $0x0  }
0x8e: {  	s30 =	rddreg [dreg:$0x10];
	[sflag:s22] =	ssyncadd.s32 $0xFFFFC800  }
0x8f: {  	[tilespmem:s12], [sflag:$0x2] =	stream.linear.gather [hbm4b:s30+s4], $0x70, $0x38;
	[tilespmem:$0x1E600] =	vst v63  }
0x90: {  	s30 =	rddreg [dreg:$0x11]  }
0x91: {  	[tilespmem:s13], [sflag:$0x2] =	stream.linear.gather [hbm4b:s30+s4], $0x70, $0x38;
	[tilespmem:$0x1E600] =	vst v63  }
0x92: {  	_ =	swait.ge [sflag:s14], $0x70  }
0x93: {  	[sflag:s14] =	ssyncset.done $0x0  }
0x94: {  	[sflag:s14] =	ssyncadd.s32 $0xFFFFFF90  }
0x95: {  	_ =	swait.ge [sflag:s14], $0x70  }
0x96: {  	[sflag:s14] =	ssyncset.done $0x0  }
0x97: {  	[sflag:s14] =	ssyncadd.s32 $0xFFFFFF90  }
0x98: {  	[tilespmem:s9], [sflag:$0x4] =	stream.indirect.gather [hbm4b:s5+s15], $0x80, s4, s15, $0xb8;
	[tilespmem:$0x1E600] =	vst v63  }
0x99: {  	_ =	swait.ge [sflag:s16], $0x3800  }
0x9a: {  	[sflag:s16] =	ssyncset.done $0x0  }
0x9b: {  	[sflag:s16] =	ssyncadd.s32 $0xFFFFC800  }
0x9c: {  	[spmem:s3] =	stream.indirect.scatter.add.f32 [tilespmem:s9], [sflag:$0x7], $0x80, s11, s15, $0xb8;
	[tilespmem:$0x1E600] =	vst v63  }
0x9d: {  	_ =	swait.ge [sflag:s22], $0x3800  }
0x9e: {  	[sflag:s22] =	ssyncset.done $0x0  }
0x9f: {  	s30 =	sadd.s32 s6, s8;
	[sflag:s22] =	ssyncadd.s32 $0xFFFFC800  }
0xa0: {  	[tilespmem:s17], [sflag:$0x3] =	stream.linear.gather [hbm4b:s30+s4], $0x70, $0x38;
	[tilespmem:$0x1E600] =	vst v63  }
0xa1: {  	s28 =	rddreg [dreg:$0x1]  }
0xa2: {  	s30 =	sadd.s32 s28, s8  }
0xa3: {  	[tilespmem:s18], [sflag:$0x3] =	stream.linear.gather [hbm4b:s30+s4], $0x70, $0x38;
	[tilespmem:$0x1E600] =	vst v63  }
0xa4: {  	_ =	swait.ge [sflag:s19], $0x70  }
0xa5: {  	[sflag:s19] =	ssyncset.done $0x0  }
0xa6: {  	[sflag:s19] =	ssyncadd.s32 $0xFFFFFF90  }
0xa7: {  	_ =	swait.ge [sflag:s19], $0x70  }
0xa8: {  	[sflag:s19] =	ssyncset.done $0x0  }
0xa9: {  	[sflag:s19] =	ssyncadd.s32 $0xFFFFFF90  }
0xaa: {  	[tilespmem:s20], [sflag:$0x5] =	stream.indirect.gather [hbm4b:s5+s15], $0x80, s12, s15, $0xb8;
	[tilespmem:$0x1E600] =	vst v63  }
0xab: {  	_ =	swait.ge [sflag:s21], $0x3800  }
0xac: {  	[sflag:s21] =	ssyncset.done $0x0  }
0xad: {  	[sflag:s21] =	ssyncadd.s32 $0xFFFFC800  }
0xae: {  	[spmem:s3] =	stream.indirect.scatter.add.f32 [tilespmem:s20], [sflag:$0x7], $0x80, s13, s15, $0xb8;
	[tilespmem:$0x1E600] =	vst v63  }
0xaf: {  	_ =	swait.ge [sflag:s22], $0x3800  }
0xb0: {  	[sflag:s22] =	ssyncset.done $0x0  }
0xb1: {  	s30 =	sadd.s32 s6, s7;
	[sflag:s22] =	ssyncadd.s32 $0xFFFFC800  }
0xb2: {  	[tilespmem:s4], [sflag:$0x1] =	stream.linear.gather [hbm4b:s30+s4], $0x70, $0x38;
	[tilespmem:$0x1E600] =	vst v63  }
0xb3: {  	s30 =	sadd.s32 s28, s7  }
0xb4: {  	[tilespmem:s11], [sflag:$0x1] =	stream.linear.gather [hbm4b:s30+s4], $0x70, $0x38;
	[tilespmem:$0x1E600] =	vst v63  }
0xb5: {  	_ =	swait.ge [sflag:s23], $0x70  }
0xb6: {  	[sflag:s23] =	ssyncset.done $0x0  }
0xb7: {  	[sflag:s23] =	ssyncadd.s32 $0xFFFFFF90  }
0xb8: {  	_ =	swait.ge [sflag:s23], $0x70  }
0xb9: {  	[sflag:s23] =	ssyncset.done $0x0  }
0xba: {  	[sflag:s23] =	ssyncadd.s32 $0xFFFFFF90  }
0xbb: {  	[tilespmem:s24], [sflag:$0x6] =	stream.indirect.gather [hbm4b:s5+s15], $0x80, s17, s15, $0xb8;
	[tilespmem:$0x1E600] =	vst v63  }
0xbc: {  	_ =	swait.ge [sflag:s26], $0x3800  }
0xbd: {  	[sflag:s26] =	ssyncset.done $0x0  }
0xbe: {  	[sflag:s26] =	ssyncadd.s32 $0xFFFFC800  }
0xbf: {  	[spmem:s3] =	stream.indirect.scatter.add.f32 [tilespmem:s24], [sflag:$0x7], $0x80, s18, s15, $0xb8;
	[tilespmem:$0x1E600] =	vst v63  }
0xc0: {  	_ =	swait.ge [sflag:s22], $0x3800  }
0xc1: {  	[sflag:s22] =	ssyncset.done $0x0  }
0xc2: {  	s30 =	sadd.s32 s6, s1;
	[sflag:s22] =	ssyncadd.s32 $0xFFFFC800  }
0xc3: {  	[tilespmem:s12], [sflag:$0x2] =	stream.linear.gather [hbm4b:s30+s4], $0x70, $0x38;
	[tilespmem:$0x1E600] =	vst v63  }
0xc4: {  	s30 =	sadd.s32 s28, s1  }
0xc5: {  	[tilespmem:s13], [sflag:$0x2] =	stream.linear.gather [hbm4b:s30+s4], $0x70, $0x38;
	[tilespmem:$0x1E600] =	vst v63  }
0xc6: {  	_ =	swait.ge [sflag:s14], $0x70  }
0xc7: {  	[sflag:s14] =	ssyncset.done $0x0  }
0xc8: {  	[sflag:s14] =	ssyncadd.s32 $0xFFFFFF90  }
0xc9: {  	_ =	swait.ge [sflag:s14], $0x70  }
0xca: {  	s31 =	smov.u32 s29;
	s25 =	simm.s32 $0x1B;
	[sflag:s14] =	ssyncset.done $0x0  }
0xcb: {  	s29 =	sadd.s32 $0x2A, s6;
	s28 =	sadd.s32 $0x2A, s28;
	[sflag:s14] =	ssyncadd.s32 $0xFFFFFF90  }
.LBB2_4:
0xcc: {  	[tilespmem:s9], [sflag:$0x4] =	stream.indirect.gather [hbm4b:s5+s15], $0x80, s4, s15, $0xb8;
	[tilespmem:$0x1E600] =	vst v63  }
0xcd: {  	p0 =	sne.s32 s25, $0x1;
	s25 =	sadd.s32 $0xFFFFFFFF, s25;
	_ =	swait.ge [sflag:s16], $0x3800  }
0xce: {  	[sflag:s16] =	ssyncset.done $0x0  }
0xcf: {  	[sflag:s16] =	ssyncadd.s32 $0xFFFFC800  }
0xd0: {  	[spmem:s3] =	stream.indirect.scatter.add.f32 [tilespmem:s9], [sflag:$0x7], $0x80, s11, s15, $0xb8;
	[tilespmem:$0x1E600] =	vst v63  }
0xd1: {  	_ =	swait.ge [sflag:s22], $0x3800  }
0xd2: {  	[sflag:s22] =	ssyncset.done $0x0  }
0xd3: {  	s30 =	sadd.s32 s29, s8;
	[sflag:s22] =	ssyncadd.s32 $0xFFFFC800  }
0xd4: {  	[tilespmem:s17], [sflag:$0x3] =	stream.linear.gather [hbm4b:s30+s4], $0x70, $0x38;
	[tilespmem:$0x1E600] =	vst v63  }
0xd5: {  	s30 =	sadd.s32 s28, s8  }
0xd6: {  	[tilespmem:s18], [sflag:$0x3] =	stream.linear.gather [hbm4b:s30+s4], $0x70, $0x38;
	[tilespmem:$0x1E600] =	vst v63  }
0xd7: {  	_ =	swait.ge [sflag:s19], $0x70  }
0xd8: {  	[sflag:s19] =	ssyncset.done $0x0  }
0xd9: {  	[sflag:s19] =	ssyncadd.s32 $0xFFFFFF90  }
0xda: {  	_ =	swait.ge [sflag:s19], $0x70  }
0xdb: {  	[sflag:s19] =	ssyncset.done $0x0  }
0xdc: {  	[sflag:s19] =	ssyncadd.s32 $0xFFFFFF90  }
0xdd: {  	[tilespmem:s20], [sflag:$0x5] =	stream.indirect.gather [hbm4b:s5+s15], $0x80, s12, s15, $0xb8;
	[tilespmem:$0x1E600] =	vst v63  }
0xde: {  	_ =	swait.ge [sflag:s21], $0x3800  }
0xdf: {  	[sflag:s21] =	ssyncset.done $0x0  }
0xe0: {  	[sflag:s21] =	ssyncadd.s32 $0xFFFFC800  }
0xe1: {  	[spmem:s3] =	stream.indirect.scatter.add.f32 [tilespmem:s20], [sflag:$0x7], $0x80, s13, s15, $0xb8;
	[tilespmem:$0x1E600] =	vst v63  }
0xe2: {  	_ =	swait.ge [sflag:s22], $0x3800  }
0xe3: {  	[sflag:s22] =	ssyncset.done $0x0  }
0xe4: {  	s30 =	sadd.s32 s29, s7;
	[sflag:s22] =	ssyncadd.s32 $0xFFFFC800  }
0xe5: {  	[tilespmem:s4], [sflag:$0x1] =	stream.linear.gather [hbm4b:s30+s4], $0x70, $0x38;
	[tilespmem:$0x1E600] =	vst v63  }
0xe6: {  	s30 =	sadd.s32 s28, s7  }
0xe7: {  	[tilespmem:s11], [sflag:$0x1] =	stream.linear.gather [hbm4b:s30+s4], $0x70, $0x38;
	[tilespmem:$0x1E600] =	vst v63  }
0xe8: {  	_ =	swait.ge [sflag:s23], $0x70  }
0xe9: {  	[sflag:s23] =	ssyncset.done $0x0  }
0xea: {  	[sflag:s23] =	ssyncadd.s32 $0xFFFFFF90  }
0xeb: {  	_ =	swait.ge [sflag:s23], $0x70  }
0xec: {  	[sflag:s23] =	ssyncset.done $0x0  }
0xed: {  	[sflag:s23] =	ssyncadd.s32 $0xFFFFFF90  }
0xee: {  	[tilespmem:s24], [sflag:$0x6] =	stream.indirect.gather [hbm4b:s5+s15], $0x80, s17, s15, $0xb8;
	[tilespmem:$0x1E600] =	vst v63  }
0xef: {  	_ =	swait.ge [sflag:s26], $0x3800  }
0xf0: {  	[sflag:s26] =	ssyncset.done $0x0  }
0xf1: {  	[sflag:s26] =	ssyncadd.s32 $0xFFFFC800  }
0xf2: {  	[spmem:s3] =	stream.indirect.scatter.add.f32 [tilespmem:s24], [sflag:$0x7], $0x80, s18, s15, $0xb8;
	[tilespmem:$0x1E600] =	vst v63  }
0xf3: {  	_ =	swait.ge [sflag:s22], $0x3800  }
0xf4: {  	[sflag:s22] =	ssyncset.done $0x0  }
0xf5: {  	s30 =	sadd.s32 s29, s1;
	[sflag:s22] =	ssyncadd.s32 $0xFFFFC800  }
0xf6: {  	[tilespmem:s12], [sflag:$0x2] =	stream.linear.gather [hbm4b:s30+s4], $0x70, $0x38;
	[tilespmem:$0x1E600] =	vst v63  }
0xf7: {  	s30 =	sadd.s32 s28, s1  }
0xf8: {  	[tilespmem:s13], [sflag:$0x2] =	stream.linear.gather [hbm4b:s30+s4], $0x70, $0x38;
	[tilespmem:$0x1E600] =	vst v63  }
0xf9: {  	_ =	swait.ge [sflag:s14], $0x70  }
.Ltmp1:
0xfa: {  	[sflag:s14] =	ssyncset.done $0x0;
	(pc) =	sbr.rel @p0 .LBB2_4-.Ltmp1, $4  }
0xfb: {  	[sflag:s14] =	ssyncadd.s32 $0xFFFFFF90  }
0xfc: {  	_ =	swait.ge [sflag:s14], $0x70  }
0xfd: {  	[sflag:s14] =	ssyncset.done $0x0  }
0xfe: {  	s29 =	sadd.s32 $0x2A, s29;
	s28 =	sadd.s32 $0x2A, s28;
	[sflag:s14] =	ssyncadd.s32 $0xFFFFFF90  }
0xff: {  	[tilespmem:s9], [sflag:$0x4] =	stream.indirect.gather [hbm4b:s5+s15], $0x80, s4, s15, $0xb8;
	[tilespmem:$0x1E600] =	vst v63  }
0x100: {  	_ =	swait.ge [sflag:s16], $0x3800  }
0x101: {  	[sflag:s16] =	ssyncset.done $0x0  }
0x102: {  	[sflag:s16] =	ssyncadd.s32 $0xFFFFC800  }
0x103: {  	[spmem:s3] =	stream.indirect.scatter.add.f32 [tilespmem:s9], [sflag:$0x7], $0x80, s11, s15, $0xb8;
	[tilespmem:$0x1E600] =	vst v63  }
0x104: {  	_ =	swait.ge [sflag:s22], $0x3800  }
0x105: {  	[sflag:s22] =	ssyncset.done $0x0  }
0x106: {  	s25 =	rddreg [dreg:$0x14];
	[sflag:s22] =	ssyncadd.s32 $0xFFFFC800  }
0x107: {  	[tilespmem:s17], [sflag:$0x3] =	stream.linear.gather [hbm4b:s25+s4], $0x70, $0x38;
	[tilespmem:$0x1E600] =	vst v63  }
0x108: {  	s28 =	rddreg [dreg:$0x15]  }
0x109: {  	[tilespmem:s18], [sflag:$0x3] =	stream.linear.gather [hbm4b:s28+s4], $0x70, $0x38;
	[tilespmem:$0x1E600] =	vst v63  }
0x10a: {  	_ =	swait.ge [sflag:s19], $0x70  }
0x10b: {  	[sflag:s19] =	ssyncset.done $0x0  }
0x10c: {  	[sflag:s19] =	ssyncadd.s32 $0xFFFFFF90  }
0x10d: {  	_ =	swait.ge [sflag:s19], $0x70  }
0x10e: {  	[sflag:s19] =	ssyncset.done $0x0  }
0x10f: {  	[sflag:s19] =	ssyncadd.s32 $0xFFFFFF90  }
0x110: {  	[tilespmem:s20], [sflag:$0x5] =	stream.indirect.gather [hbm4b:s5+s15], $0x80, s12, s15, $0xb8;
	[tilespmem:$0x1E600] =	vst v63  }
0x111: {  	_ =	swait.ge [sflag:s21], $0x3800  }
0x112: {  	[sflag:s21] =	ssyncset.done $0x0  }
0x113: {  	[sflag:s21] =	ssyncadd.s32 $0xFFFFC800  }
0x114: {  	[spmem:s3] =	stream.indirect.scatter.add.f32 [tilespmem:s20], [sflag:$0x7], $0x80, s13, s15, $0xb8;
	[tilespmem:$0x1E600] =	vst v63  }
0x115: {  	_ =	swait.ge [sflag:s22], $0x3800  }
0x116: {  	[sflag:s22] =	ssyncset.done $0x0  }
0x117: {  	[sflag:s22] =	ssyncadd.s32 $0xFFFFC800  }
0x118: {  	_ =	swait.ge [sflag:s23], $0x70  }
0x119: {  	[sflag:s23] =	ssyncset.done $0x0  }
0x11a: {  	[sflag:s23] =	ssyncadd.s32 $0xFFFFFF90  }
0x11b: {  	_ =	swait.ge [sflag:s23], $0x70  }
0x11c: {  	[sflag:s23] =	ssyncset.done $0x0  }
0x11d: {  	[sflag:s23] =	ssyncadd.s32 $0xFFFFFF90  }
0x11e: {  	[tilespmem:s24], [sflag:$0x6] =	stream.indirect.gather [hbm4b:s5+s15], $0x80, s17, s15, $0xb8;
	[tilespmem:$0x1E600] =	vst v63  }
0x11f: {  	_ =	swait.ge [sflag:s26], $0x3800  }
0x120: {  	[sflag:s26] =	ssyncset.done $0x0  }
0x121: {  	[sflag:s26] =	ssyncadd.s32 $0xFFFFC800  }
0x122: {  	[spmem:s3] =	stream.indirect.scatter.add.f32 [tilespmem:s24], [sflag:$0x7], $0x80, s18, s15, $0xb8;
	[tilespmem:$0x1E600] =	vst v63  }
0x123: {  	_ =	swait.ge [sflag:s22], $0x3800  }
0x124: {  	[sflag:s22] =	ssyncset.done $0x0  }
0x125: {  	[sflag:s22] =	ssyncadd.s32 $0xFFFFC800  }
0x126: {  	_ =	swait.ge [sflag:s22], $0x3800  }
0x127: {  	[sflag:s22] =	ssyncset.done $0x0  }
0x128: {  	[sflag:s22] =	ssyncadd.s32 $0xFFFFC800  }
0x129: {  	[bflag:$0x0] =	sbarrier.arrive $0xFFFF  }
0x12a: {  	[tilespmem:s9], [sflag:$0x8] =	stream.linear.gather [spmem:s31], $0x3800, $0x38;
	[tilespmem:$0x1E600] =	vst v63  }
0x12b: {  	_ =	swait.ge [sflag:s10], $0x3800  }
0x12c: {  	[sflag:s10] =	ssyncset.done $0x0  }
0x12d: {  	s29 =	smov.u32 s31;
	s31 =	rddreg [dreg:$0x6];
	[sflag:s10] =	ssyncadd.s32 $0xFFFFC800  }
0x12e: {  	[hbm4b:s31+s4] =	stream.linear.scatter [tilespmem:s9], [sflag:$0x8], $0x3800, $0x38;
	[tilespmem:$0x1E600] =	vst v63  }
0x12f: {  	_ =	swait.ge [sflag:s10], $0x3800  }
0x130: {  	[sflag:s10] =	ssyncset.done $0x0  }
0x131: {  	[sflag:s10] =	ssyncadd.s32 $0xFFFFC800  }
0x132: {  	[tilespmem:s9], [sflag:$0x8] =	stream.linear.gather [spmem:s0], $0x3800, $0x38;
	[tilespmem:$0x1E600] =	vst v63  }
0x133: {  	_ =	swait.ge [sflag:s10], $0x3800  }
0x134: {  	[sflag:s10] =	ssyncset.done $0x0  }
0x135: {  	s28 =	rddreg [dreg:$0x7];
	[sflag:s10] =	ssyncadd.s32 $0xFFFFC800  }
0x136: {  	[hbm4b:s28+s4] =	stream.linear.scatter [tilespmem:s9], [sflag:$0x8], $0x3800, $0x38;
	[tilespmem:$0x1E600] =	vst v63  }
0x137: {  	_ =	swait.ge [sflag:s10], $0x3800  }
0x138: {  	[sflag:s10] =	ssyncset.done $0x0  }
0x139: {  	s31 =	rddreg [dreg:$0x17];
	[sflag:s10] =	ssyncadd.s32 $0xFFFFC800  }
0x13a: {  	[tilespmem:s9], [sflag:$0x8] =	stream.linear.gather [spmem:s31], $0x3800, $0x38;
	[tilespmem:$0x1E600] =	vst v63  }
0x13b: {  	_ =	swait.ge [sflag:s10], $0x3800  }
0x13c: {  	[sflag:s10] =	ssyncset.done $0x0  }
0x13d: {  	s30 =	smov.u32 s0;
	s0 =	rddreg [dreg:$0x8];
	[sflag:s10] =	ssyncadd.s32 $0xFFFFC800  }
0x13e: {  	[hbm4b:s0+s4] =	stream.linear.scatter [tilespmem:s9], [sflag:$0x8], $0x3800, $0x38;
	[tilespmem:$0x1E600] =	vst v63  }
0x13f: {  	_ =	swait.ge [sflag:s10], $0x3800  }
0x140: {  	[sflag:s10] =	ssyncset.done $0x0  }
0x141: {  	s25 =	rddreg [dreg:$0x18];
	[sflag:s10] =	ssyncadd.s32 $0xFFFFC800  }
0x142: {  	[tilespmem:s9], [sflag:$0x8] =	stream.linear.gather [spmem:s25], $0x3800, $0x38;
	[tilespmem:$0x1E600] =	vst v63  }
0x143: {  	_ =	swait.ge [sflag:s10], $0x3800  }
0x144: {  	[sflag:s10] =	ssyncset.done $0x0  }
0x145: {  	s28 =	rddreg [dreg:$0x9];
	[sflag:s10] =	ssyncadd.s32 $0xFFFFC800  }
0x146: {  	[hbm4b:s28+s4] =	stream.linear.scatter [tilespmem:s9], [sflag:$0x8], $0x3800, $0x38;
	[tilespmem:$0x1E600] =	vst v63  }
0x147: {  	_ =	swait.ge [sflag:s10], $0x3800  }
0x148: {  	[sflag:s10] =	ssyncset.done $0x0  }
0x149: {  	s31 =	rddreg [dreg:$0x19];
	[sflag:s10] =	ssyncadd.s32 $0xFFFFC800  }
0x14a: {  	[tilespmem:s9], [sflag:$0x8] =	stream.linear.gather [spmem:s31], $0x3800, $0x38;
	[tilespmem:$0x1E600] =	vst v63  }
0x14b: {  	_ =	swait.ge [sflag:s10], $0x3800  }
0x14c: {  	[sflag:s10] =	ssyncset.done $0x0  }
0x14d: {  	s0 =	rddreg [dreg:$0xa];
	[sflag:s10] =	ssyncadd.s32 $0xFFFFC800  }
0x14e: {  	[hbm4b:s0+s4] =	stream.linear.scatter [tilespmem:s9], [sflag:$0x8], $0x3800, $0x38;
	[tilespmem:$0x1E600] =	vst v63  }
0x14f: {  	_ =	swait.ge [sflag:s10], $0x3800  }
0x150: {  	[sflag:s10] =	ssyncset.done $0x0  }
0x151: {  	s25 =	rddreg [dreg:$0x1a];
	[sflag:s10] =	ssyncadd.s32 $0xFFFFC800  }
0x152: {  	[tilespmem:s9], [sflag:$0x8] =	stream.linear.gather [spmem:s25], $0x3800, $0x38;
	[tilespmem:$0x1E600] =	vst v63  }
0x153: {  	_ =	swait.ge [sflag:s10], $0x3800  }
0x154: {  	[sflag:s10] =	ssyncset.done $0x0  }
0x155: {  	s28 =	rddreg [dreg:$0xb];
	[sflag:s10] =	ssyncadd.s32 $0xFFFFC800  }
0x156: {  	[hbm4b:s28+s4] =	stream.linear.scatter [tilespmem:s9], [sflag:$0x8], $0x3800, $0x38;
	[tilespmem:$0x1E600] =	vst v63  }
0x157: {  	_ =	swait.ge [sflag:s10], $0x3800  }
0x158: {  	s2 =	sadd.s32 $0x1, s2;
	s31 =	rddreg [dreg:$0x16]  }
0x159: {  	p0 =	sne.s32 s2, s31  }
.Ltmp2:
0x15a: {  	_ = 	snop;
	(pc) =	sbr.rel @p0 .LBB2_1-.Ltmp2, $3  }
0x15b: {  	_ =	sdelay $0x1  }
0x15c: {  	[sflag:s10] =	ssyncset.done $0x0  }
0x15d: {  	[sflag:s10] =	ssyncadd.s32 $0xFFFFC800  }
0x15e: {  	_ =	sfence.sel $0x180000  }
0x15f: {  	[bflag:$0x0] =	sbarrier.arrive $0xFFFF  }
0x160: {  	_ =	strace $0x9000004A  }
0x161: {  	s0 =	stileid.u32;
	[bflag:$0x2] =	sbarrier.arrive $0xFFFF  }
0x162: {  	p0 =	sne.s32 s0, $0x0;
	s0 =	rddreg [dreg:$0x3]  }
0x163: {  	s0 =	sadd.s32 @!p0 $0x100000, s0  }
0x164: {  	[sflag:s0] =	ssyncadd.tile.s32 @!p0 $0x1;
	_ =	shalt  }
.Lfunc_end2:
_tile_overlayer_lowered:
.L_overlay_start_2:
0x165: {  	(tag) =	ssettag $0x2  }
0x166: {  	s0 =	rddreg [dreg:$0x0];
	s2 =	stileid.u32  }
0x167: {  	s1 =	rddreg [dreg:$0x1];
	p0 =	sne.s32 s2, $0x0  }
0x168: {  	s3 =	rddreg [dreg:$0x2];
	[bflag:$0x3] =	sbarrier.arrive $0xFFFF;
	s2 =	simm.s32 @!p0 $0x1C08  }
0x169: {  	[timem:s3], [sflag:s2] =	dma.local @!p0 [hbm:s0], s1  }
0x16a: {  	s0 =	simm.s32 @!p0 $0x8  }
0x16b: {  	_ =	swait.ge @!p0 [sflag:s0], s1  }
0x16c: {  	s1 =	ssub.s32 @!p0 $0x0, s1;
	[sflag:s0] =	ssyncset.done @!p0 $0x0  }
0x16d: {  	[sflag:s0] =	ssyncadd.s32 @!p0 s1  }
0x16e: {  	[bflag:$0x3] =	sbarrier.arrive $0xFFFF  }
0x16f: {  	_ =	shalt  }

// kernel: kernel.7.cloned.1.call-start
scs
__scs_entry_jumppad:
0x0: {  	(pc) =	sbr.rel $0x88, $3  }
0x1: {  	(tag) =	ssettag $0x0;
	lr =	simm.s32 $0x1  }
0x2: {  	[smem:$0x3F9E] =	sst lr;
	_ =	strace $0xD0000000  }
0x3: {  	_ = 	snop  }
0x4: {  	_ = 	snop  }
0x5: {  	_ = 	snop  }
0x6: {  	_ = 	snop  }
0x7: {  	_ = 	snop  }
__scs_overlays_trampoline_lowered:
0x8: {  	[smem:$0x3FAD] =	sst s0  }
0x9: {  	[smem:$0x3FAE] =	sst s1  }
0xa: {  	[smem:$0x3FAF] =	sst s2  }
0xb: {  	[smem:$0x3FB0] =	sst s3  }
0xc: {  	[smem:$0x3FB1] =	sst s4  }
0xd: {  	[smem:$0x3FB2] =	sst s5  }
0xe: {  	[smem:$0x3FB3] =	sst s6  }
0xf: {  	[smem:$0x3FB4] =	sst s7  }
0x10: {  	[smem:$0x3FB5] =	sst s8  }
0x11: {  	[smem:$0x3FB6] =	sst s9;
	s0 =	simm.s32 @!p0 $0x0  }
0x12: {  	s1 =	sld [smem:$0x3F9C];
	s0 =	simm.s32 @p0 $0x1  }
0x13: {  	[smem:$0x3FB7] =	sst s0;
	s0 =	simm.s32 @!p1 $0x0  }
0x14: {  	s2 =	sld [smem:$0x3F9B];
	s0 =	simm.s32 @p1 $0x1  }
0x15: {  	[smem:$0x3FB8] =	sst s0;
	s0 =	simm.s32 @!p2 $0x0  }
0x16: {  	s3 =	sld [smem:$0x3FDB];
	s0 =	simm.s32 @p2 $0x1  }
0x17: {  	s4 =	simm.s32 $0x1BF5;
	[smem:$0x3FBA] =	sst s0  }
0x18: {  	s0 =	sld [smem:$0x3F9D];
	_ =	swait.ge [sflag:s4], $0x0  }
0x19: {  	s7 =	sld [smem:$0x3F9E]  }
0x1a: {  	s8 =	sadd.s32 $0xFFFFE003, lr  }
0x1b: {  	s9 =	sadd.s32 $0xFFFFFEF7, lr;
	s5 =	simm.s32 $0xFFFFFFFF;
	p2 =	slt.u32 s8, $0xFFFFF086  }
0x1c: {  	p1 =	slt.u32 s9, $0xF7A;
	s5 =	simm.s32 @!p2 $0x0  }
0x1d: {  	s5 =	simm.s32 @p1 $0x1;
	p0 =	seq.s32 s7, s2  }
0x1e: {  	s7 =	smul.u32 @!p0 $0xF7A, s2;
	p2 =	seq.s32 @!p0 s5, $0x0  }
0x1f: {  	s9 =	smul.u32 $0xF7A, s1;
	s8 =	simm.s32 @!p0 $0x1BF5;
	p2 =	por !p2, p0  }
0x20: {  	[sflag:s8] =	ssyncset.s32 @!p0 $0xFFFFF086;
	s6 =	sadd.s32 @!p0 s3, s7;
	s7 =	simm.s32 @!p0 $0x108  }
0x21: {  	s3 =	sadd.s32 s3, s9;
	s6 =	sadd.s32 @!p0 $0x88, s6;
	s7 =	simm.s32 @p2 $0x1082  }
0x22: {  	[simem:s7], [sflag:s8] =	dma.local @!p0 [hbm:s6], $0xF7A  }
0x23: {  	s9 =	sor.u32 $0xD0000000, s2;
	s6 =	simm.s32 $0x108;
	_ =	swait.ge @!p0 [sflag:s8], $0x0  }
0x24: {  	s3 =	sadd.s32 $0x88, s3;
	s6 =	simm.s32 @!p1 $0x1082;
	[sflag:s4] =	ssyncset.s32 $0xFFFFF086  }
0x25: {  	[simem:s6], [sflag:s4] =	dma.local [hbm:s3], $0xF7A  }
0x26: {  	[smem:$0x3F9E] =	sst s1;
	(tag) =	ssettag s2;
	_ =	strace s9  }
0x27: {  	s1 =	sld [smem:$0x3FAE]  }
0x28: {  	s2 =	sld [smem:$0x3FAF]  }
0x29: {  	s4 =	sld [smem:$0x3FB1]  }
0x2a: {  	p0 =	seq.s32 s5, $0x0;
	s5 =	sld [smem:$0x3FB2]  }
0x2b: {  	s6 =	sld [smem:$0x3FB3]  }
0x2c: {  	s7 =	sld [smem:$0x3FB4]  }
0x2d: {  	s3 =	simm.s32 $0x108;
	s8 =	sld [smem:$0x3FB5]  }
0x2e: {  	s3 =	simm.s32 @!p0 $0x1082;
	s9 =	sld [smem:$0x3FB6]  }
0x2f: {  	lr =	sadd.s32 s0, s3;
	s0 =	sld [smem:$0x3FAD]  }
0x30: {  	s3 =	sld [smem:$0x3FB0]  }
0x31: {  	[smem:$0x3FB9] =	sst s10  }
0x32: {  	s10 =	sld [smem:$0x3FB7];
	_ =	sdelay $0x3  }
0x33: {  	p0 =	seq.s32 s10, $0x1;
	s10 =	sld [smem:$0x3FB9];
	_ =	sdelay $0x3  }
0x34: {  	[smem:$0x3FB9] =	sst s10  }
0x35: {  	s10 =	sld [smem:$0x3FB8];
	_ =	sdelay $0x3  }
0x36: {  	p1 =	seq.s32 s10, $0x1;
	s10 =	sld [smem:$0x3FB9];
	_ =	sdelay $0x3  }
0x37: {  	[smem:$0x3FB9] =	sst s10  }
0x38: {  	s10 =	sld [smem:$0x3FBA]  }
0x39: {  	_ = 	snop;
	(pc) =	sbr.ind lr, $3  }
0x3a: {  	_ = 	snop  }
0x3b: {  	_ = 	snop  }
0x3c: {  	p2 =	seq.s32 s10, $0x1;
	s10 =	sld [smem:$0x3FB9]  }
0x3d: {  	_ =	shalt  }
0x3e: {  	_ =	shalt  }
0x3f: {  	_ =	shalt  }
0x40: {  	_ =	shalt  }
0x41: {  	_ =	shalt  }
0x42: {  	_ =	shalt  }
0x43: {  	_ =	shalt  }
0x44: {  	_ =	shalt  }
0x45: {  	_ =	shalt  }
0x46: {  	_ =	shalt  }
0x47: {  	_ =	shalt  }
0x48: {  	_ =	shalt  }
0x49: {  	_ =	shalt  }
0x4a: {  	_ =	shalt  }
0x4b: {  	_ =	shalt  }
0x4c: {  	_ =	shalt  }
0x4d: {  	_ =	shalt  }
0x4e: {  	_ =	shalt  }
0x4f: {  	_ =	shalt  }
0x50: {  	_ =	shalt  }
0x51: {  	_ =	shalt  }
0x52: {  	_ =	shalt  }
0x53: {  	_ =	shalt  }
0x54: {  	_ =	shalt  }
0x55: {  	_ =	shalt  }
0x56: {  	_ =	shalt  }
0x57: {  	_ =	shalt  }
0x58: {  	_ =	shalt  }
0x59: {  	_ =	shalt  }
0x5a: {  	_ =	shalt  }
0x5b: {  	_ =	shalt  }
0x5c: {  	_ =	shalt  }
0x5d: {  	_ =	shalt  }
0x5e: {  	_ =	shalt  }
0x5f: {  	_ =	shalt  }
0x60: {  	_ =	shalt  }
0x61: {  	_ =	shalt  }
0x62: {  	_ =	shalt  }
0x63: {  	_ =	shalt  }
0x64: {  	_ =	shalt  }
0x65: {  	_ =	shalt  }
0x66: {  	_ =	shalt  }
0x67: {  	_ =	shalt  }
0x68: {  	_ =	shalt  }
0x69: {  	_ =	shalt  }
0x6a: {  	_ =	shalt  }
0x6b: {  	_ =	shalt  }
0x6c: {  	_ =	shalt  }
0x6d: {  	_ =	shalt  }
0x6e: {  	_ =	shalt  }
0x6f: {  	_ =	shalt  }
0x70: {  	_ =	shalt  }
0x71: {  	_ =	shalt  }
0x72: {  	_ =	shalt  }
0x73: {  	_ =	shalt  }
0x74: {  	_ =	shalt  }
0x75: {  	_ =	shalt  }
0x76: {  	_ =	shalt  }
0x77: {  	_ =	shalt  }
0x78: {  	_ =	shalt  }
0x79: {  	_ =	shalt  }
0x7a: {  	_ =	shalt  }
0x7b: {  	_ =	shalt  }
0x7c: {  	_ =	shalt  }
0x7d: {  	_ =	shalt  }
0x7e: {  	_ =	shalt  }
0x7f: {  	_ =	shalt  }
0x80: {  	_ =	shalt  }
0x81: {  	_ =	shalt  }
0x82: {  	_ =	shalt  }
0x83: {  	_ =	shalt  }
0x84: {  	_ =	shalt  }
0x85: {  	_ =	shalt  }
0x86: {  	_ =	shalt  }
0x87: {  	_ =	shalt  }
.Lfunc_end0:
.L_simem_size_0:
called_computation_lowered:
.L_overlay_start_0:
0x88: {  	s2 =	sld [smem:$0x3FD9]  }
0x89: {  	s3 =	sld [smem:$0x3FFE];
	_ =	sdelay $0x1  }
0x8a: {  	s1 =	srdreg.scid  }
0x8b: {  	s0 =	sand.u32 $0x1, s1  }
0x8c: {  	s17 =	sshll.u32 s0, $0xA;
	s2 =	sadd.s32 s3, s2  }
0x8d: {  	s2 =	sadd.s32 s2, s17  }
0x8e: {  	[smem:$0x3FC5] =	sst s2  }
0x8f: {  	_ = 	snop  }
0x90: {  	s2 =	sld [smem:$0x3FD0];
	(tm) =	ssettm $0x1  }
0x91: {  	s18 =	sld [smem:$0x3FFB];
	_ =	sdelay $0x3  }
0x92: {  	_ =	strace s18  }
0x93: {  	s3 =	sld [smem:$0x3FFC];
	_ =	sdelay $0x3  }
0x94: {  	_ =	strace s3  }
0x95: {  	s3 =	sld [smem:$0x3FFD];
	_ =	sdelay $0x3  }
0x96: {  	_ =	strace s3  }
0x97: {  	_ =	strace $0x8FFFFFFF  }
0x98: {  	s19 =	sld [smem:$0x3FDB];
	_ =	sdelay $0x1  }
0x99: {  	s4 =	simm.s32 $_scs_section_size  }
0x9a: {  	s5 =	simm.s32 $_size__tile_overlayer_lowered;
	s6 =	simm.s32 $_tile_overlayer_lowered  }
0x9b: {  	s22 =	simm.s32 $0x1BFF;
	s21 =	sshll.u32 s6, $0x1;
	s3 =	sadd.s32 s4, s19  }
0x9c: {  	s7 =	simm.s32 $0x0;
	s20 =	sshll.u32 s5, $0x1;
	s5 =	sadd.s32 s21, s3  }
0x9d: {  	[timem:s7], [sflag:s22] =	dma.local [hbm:s5], s20  }
0x9e: {  	_ =	swait.ge [sflag:s22], s20  }
0x9f: {  	s4 =	ssub.s32 $0x0, s20;
	[sflag:s22] =	ssyncset.done $0x0  }
0xa0: {  	[sflag:s22] =	ssyncadd.s32 s4;
	_ =	sdelay $0x1  }
0xa1: {  	s23 =	simm.s32 $0x1B8B  }
0xa2: {  	_ =	swait.ge [sflag:s23], $0x1  }
0xa3: {  	[sflag:s23] =	ssyncset.done $0x0  }
0xa4: {  	s25 =	simm.s32 $0x1B8E;
	s24 =	sld [smem:$0x3FFE];
	[sflag:s23] =	ssyncadd.s32 $0xFFFFFFFF  }
0xa5: {  	s26 =	simm.s32 $execute0_lowered;
	[smem:$0x3FD2] =	sst s25  }
0xa6: {  	s5 =	sshll.u32 s26, $0x1;
	_ =	strace $0x80000046;
	[dreg:$0x1] =	wrdreg $0xFFFFFFFF  }
0xa7: {  	s28 =	simm.s32 $_size_execute0_lowered;
	s3 =	sadd.s32 s3, s5;
	[dreg:$0x0] =	wrdreg $0x0  }
0xa8: {  	s5 =	sshll.u32 s28, $0x1;
	[dreg:$0x2] =	wrdreg s3  }
0xa9: {  	[dreg:$0x3] =	wrdreg s5  }
0xaa: {  	[dreg:$0x4] =	wrdreg $0xC0  }
0xab: {  	_ =	task [dreg:s7], $0x5FFFF  }
0xac: {  	[dreg:$0x1] =	wrdreg $0xFFFFFFFF  }
0xad: {  	[dreg:$0x0] =	wrdreg $0x60  }
0xae: {  	[dreg:$0x2] =	wrdreg s24  }
0xaf: {  	[dreg:$0x3] =	wrdreg s2  }
0xb0: {  	[dreg:$0x4] =	wrdreg $0xAB000  }
0xb1: {  	[dreg:$0x5] =	wrdreg $0x1E7000  }
0xb2: {  	[dreg:$0x6] =	wrdreg $0x1E9780  }
0xb3: {  	[dreg:$0x7] =	wrdreg $0x9  }
0xb4: {  	_ =	task.clear_ibuf [dreg:s7], $0x8FFFF;
	_ =	strace $0x90000046  }
0xb5: {  	s29 =	simm.s32 $0x9;
	_ =	strace $0x80000048  }
0xb6: {  	_ =	swait.ge [sflag:s29], $0x1  }
0xb7: {  	[sflag:s29] =	ssyncadd.s32 $0xFFFFFFFF  }
0xb8: {  	_ =	strace $0x90000048  }
0xb9: {  	_ =	sfence  }
0xba: {  	s30 =	sld [smem:$0x0];
	_ =	sdelay $0x2  }
0xbb: {  	s31 =	sshll.u32 s1, $0xD;
	s1 =	sshrl.u32 s1, $0x2  }
0xbc: {  	s3 =	sand.u32 $0x4000, s31;
	s1 =	sadd.s32 s1, s30  }
0xbd: {  	s0 =	sor.u32 s3, s0;
	s1 =	sshll.u32 s1, $0x11  }
0xbe: {  	s0 =	sor.u32 s1, s0  }
0xbf: {  	s0 =	sadd.s32 $0x8F2B, s0  }
0xc0: {  	[sflag:s0] =	ssyncadd.remote.s32 $0x1  }
0xc1: {  	_ =	sfence.sel $0xFFFF  }
0xc2: {  	[dreg:$0x0] =	wrdreg $0xFFFFFFFF;
	(pc) =	sbr.abs _section_cstart, $3  }
0xc3: {  	[dreg:$0x1] =	wrdreg $0xFFFFFFFF  }
0xc4: {  	_ =	task.clear_ibuf [dreg:s7], $0x2FFFF;
	_ =	strace $0x9FFFFFFF  }
0xc5: {  	(tm) =	ssettm $0x7FFFFFFF  }
tec
execute0_lowered:
.L_overlay_start_1:
0x0: {  	(tag) =	ssettag $0x1  }
0x1: {  	s10 =	rddreg [dreg:$0x0]  }
0x2: {  	s21 =	rddreg [dreg:$0x1]  }
0x3: {  	s23 =	rddreg [dreg:$0x2]  }
0x4: {  	s3 =	rddreg [dreg:$0x3]  }
0x5: {  	s4 =	rddreg [dreg:$0x4]  }
0x6: {  	s0 =	srdreg.scid;
	s6 =	simm.s32 $0x0;
	s22 =	stileid.u32  }
0x7: {  	s11 =	sand.u32 $0x1, s0;
	[smem:$0x7FF] =	sst s6;
	s7 =	sadd.s32 $0xBE00, s10  }
0x8: {  	s13 =	sadd.s32 $0x33E00, s10;
	s9 =	sor.u32 $0x10, s22;
	s20 =	smul.u32 $0x3800, s22  }
0x9: {  	s8 =	sor.u32 $0x20, s22;
	s5 =	sor.u32 $0x30, s22;
	s14 =	smul.u32 $0x13B000, s11  }
0xa: {  	s16 =	sor.u32 $0x50, s22;
	s0 =	sshll.u32 s11, $0x4;
	s18 =	smul.u32 $0x3800, s9  }
0xb: {  	_ =	strace $0x80000047;
	s1 =	ssub.s32 $0x2, s11;
	s25 =	smul.u32 $0x3800, s8  }
0xc: {  	s2 =	smul.u32 $0x3800, s5;
	s0 =	sor.u32 s22, s0;
	s19 =	sshrl.u32 s1, $0x1  }
0xd: {  	s12 =	smul.u32 $0x2760, s0;
	s15 =	ssub.s32 s1, s19;
	s0 =	sor.u32 $0x40, s22  }
0xe: {  	s26 =	sadd.s32 s14, s18;
	s18 =	sadd.s32 s14, s2;
	s2 =	smul.u32 $0x2760, s22  }
0xf: {  	s17 =	sadd.s32 s14, s20;
	s1 =	smin.u32 s16, $0x59;
	s19 =	smul.u32 $0x3800, s0  }
0x10: {  	s24 =	sshrl.u32 s17, $0x3;
	s17 =	sadd.s32 s14, s25;
	s20 =	smul.u32 $0x3800, s1  }
0x11: {  	s16 =	sadd.s32 s13, s24;
	s17 =	sshrl.u32 s17, $0x3;
	s24 =	sshrl.u32 s18, $0x3  }
0x12: {  	s12 =	sshrl.u32 s12, $0x3;
	[dreg:$0x6] =	wrdreg s16;
	s16 =	sshrl.u32 s26, $0x3  }
0x13: {  	s17 =	sadd.s32 s13, s17;
	s25 =	sadd.s32 s14, s19;
	s14 =	sadd.s32 s14, s20  }
0x14: {  	s26 =	smul.u32 $0x27600, s11;
	s16 =	sadd.s32 s13, s16;
	[dreg:$0x8] =	wrdreg s17  }
0x15: {  	s17 =	sshrl.u32 s25, $0x3;
	[dreg:$0x7] =	wrdreg s16;
	s16 =	sadd.s32 s13, s24  }
0x16: {  	s14 =	sshrl.u32 s14, $0x3;
	s17 =	sadd.s32 s13, s17;
	[dreg:$0x9] =	wrdreg s16  }
0x17: {  	s20 =	sadd.s32 $0xE, s12;
	s13 =	sadd.s32 s13, s14;
	[dreg:$0xa] =	wrdreg s17  }
0x18: {  	s25 =	sadd.s32 $0x1C, s12;
	s24 =	sadd.s32 s21, s20;
	[dreg:$0xb] =	wrdreg s13  }
0x19: {  	s14 =	sadd.s32 $0x2000, s10;
	s16 =	sadd.s32 $0x33400, s10;
	[dreg:$0xf] =	wrdreg s24  }
0x1a: {  	s17 =	sadd.s32 $0x82A00, s10;
	s10 =	sadd.s32 s14, s20;
	[dreg:$0xc] =	wrdreg s14  }
0x1b: {  	s13 =	sadd.s32 s2, s26;
	s26 =	sadd.s32 s21, s25;
	[dreg:$0x10] =	wrdreg s10  }
0x1c: {  	s20 =	sadd.s32 s21, s12;
	[dreg:$0x11] =	wrdreg s26  }
0x1d: {  	s2 =	sadd.s32 $0x2A, s12;
	s24 =	sadd.s32 s14, s12;
	[dreg:$0x15] =	wrdreg s20  }
0x1e: {  	s10 =	sadd.s32 s14, s25;
	s19 =	sadd.s32 s21, s2;
	[dreg:$0x16] =	wrdreg s24  }
0x1f: {  	s24 =	smax.u32 s15, $0x1;
	s15 =	smul.u32 $0xE000, s0;
	[dreg:$0xd] =	wrdreg s16  }
0x20: {  	s25 =	sadd.s32 $0x38, s12;
	s0 =	smul.u32 $0x70, s0;
	[dreg:$0xe] =	wrdreg s17  }
0x21: {  	[dreg:$0x12] =	wrdreg s10;
	s10 =	sadd.s32 s14, s2;
	s2 =	smul.u32 $0x2760, s11  }
0x22: {  	s26 =	sadd.s32 $0x4DE, s12;
	[dreg:$0x13] =	wrdreg s19;
	s19 =	smul.u32 $0xE000, s22  }
0x23: {  	s18 =	sadd.s32 s21, s25;
	s20 =	sadd.s32 s21, s26;
	s21 =	smul.u32 $0xE000, s9  }
0x24: {  	s11 =	sadd.s32 s14, s26;
	[dreg:$0x1b] =	wrdreg s24;
	s26 =	smul.u32 $0xE000, s5  }
0x25: {  	s9 =	smul.u32 $0x70, s9;
	[dreg:$0x14] =	wrdreg s10  }
0x26: {  	s22 =	smul.u32 $0x70, s22;
	[dreg:$0x17] =	wrdreg s18  }
0x27: {  	s28 =	simm.s32 $0x1E600;
	s5 =	smul.u32 $0x70, s5;
	[dreg:$0x19] =	wrdreg s20  }
0x28: {  	s10 =	sadd.s32 s14, s25;
	[dreg:$0x1a] =	wrdreg s11;
	s25 =	smul.u32 $0xE000, s8  }
0x29: {  	s29 =	simm.s32 $0x100;
	s8 =	smul.u32 $0x70, s8;
	[dreg:$0x18] =	wrdreg s10  }
0x2a: {  	s12 =	sshrl.u32 s19, $0x2;
	s10 =	sshrl.u32 s21, $0x2;
	s18 =	sshrl.u32 s26, $0x2  }
0x2b: {  	s19 =	smul.u32 $0xE000, s1;
	s26 =	sadd.s32 s22, s4;
	[smem:$0x7FD] =	sst s2  }
0x2c: {  	s1 =	smul.u32 $0x70, s1;
	s14 =	sadd.s32 s5, s3;
	[smem:$0x7F1] =	sst s26  }
0x2d: {  	s5 =	sadd.s32 s5, s4;
	s12 =	sadd.s32 s12, s23;
	[smem:$0x7F6] =	sst s14  }
0x2e: {  	s10 =	sadd.s32 s10, s23;
	s11 =	sshrl.u32 s25, $0x2;
	[smem:$0x7F7] =	sst s5  }
0x2f: {  	s20 =	sadd.s32 s18, s23;
	s25 =	sadd.s32 s22, s3;
	[dreg:$0x1c] =	wrdreg s12  }
0x30: {  	s22 =	sadd.s32 $0x230, s13;
	s26 =	simm.s32 $0x4;
	[dreg:$0x1d] =	wrdreg s10  }
0x31: {  	s5 =	simm.s32 $0x6;
	s11 =	sadd.s32 s11, s23;
	[dreg:$0x1f] =	wrdreg s20  }
0x32: {  	s10 =	sshrl.u32 s15, $0x2;
	s21 =	sshrl.u32 s19, $0x2;
	[smem:$0x7F0] =	sst s25  }
0x33: {  	s12 =	sadd.s32 s8, s3;
	s8 =	sadd.s32 s8, s4;
	[dreg:$0x1e] =	wrdreg s11  }
0x34: {  	s15 =	sadd.s32 s0, s3;
	s0 =	sadd.s32 s0, s4;
	[smem:$0x7F4] =	sst s12  }
0x35: {  	s18 =	sadd.s32 s1, s3;
	s19 =	sadd.s32 s1, s4;
	[smem:$0x7F5] =	sst s8  }
0x36: {  	s20 =	sadd.s32 $0x310, s13;
	s25 =	simm.s32 $0x70;
	[smem:$0x7F8] =	sst s15  }
0x37: {  	s1 =	simm.s32 $0x280;
	s10 =	sadd.s32 s10, s23;
	[smem:$0x7F9] =	sst s0  }
0x38: {  	s24 =	sadd.s32 s21, s23;
	s11 =	sadd.s32 s9, s3;
	[smem:$0x7FA] =	sst s18  }
0x39: {  	s9 =	sadd.s32 s9, s4;
	[smem:$0x7FB] =	sst s19;
	s21 =	sadd.s32 $0x2A0, s13  }
0x3a: {  	s30 =	sshrl.u32 s20, $0x3;
	s13 =	sshrl.u32 s22, $0x3;
	s18 =	simm.s32 $0x9  }
0x3b: {  	s8 =	simm.s32 $0x1E680;
	s20 =	simm.s32 $0x180;
	[smem:$0x7EE] =	sst s10  }
0x3c: {  	s22 =	simm.s32 $0x200;
	s0 =	simm.s32 $0x2;
	[smem:$0x7EF] =	sst s24  }
0x3d: {  	s12 =	simm.s32 $0x3;
	s19 =	simm.s32 $0x7300;
	[smem:$0x7F2] =	sst s11  }
0x3e: {  	s23 =	simm.s32 $0x0;
	[smem:$0x7F3] =	sst s9;
	s31 =	sshrl.u32 s21, $0x3  }
0x3f: {  	s21 =	simm.s32 $0x80;
	s24 =	simm.s32 $0x1;
	s9 =	simm.s32 $0x5  }
0x40: {  	v0 =	vimm.f32 $0.0e+00;
	v1 =	vimm.f32 $1.000000000e+00;
	s10 =	simm.s32 $0x7;
	s11 =	simm.s32 $0x8;
	[smem:$0x7FC] =	sst s23  }
.LBB2_1:
0x41: {  	s15 =	simm.s32 $0x0;
	s16 =	simm.s32 $0x200  }
.LBB2_2:
0x42: {  	p0 =	sne.s32 s16, $0xDE00;
	[tilespmem:s15+$0x370] =	vst v0  }
0x43: {  	[tilespmem:s15+$0x300] =	vst v0  }
0x44: {  	[tilespmem:s15+$0x310] =	vst v0  }
.Ltmp0:
0x45: {  	[tilespmem:s15+$0x320] =	vst v0;
	(pc) =	sbr.rel @p0 .LBB2_2-.Ltmp0, $4  }
0x46: {  	[tilespmem:s15+$0x330] =	vst v0  }
0x47: {  	[tilespmem:s15+$0x340] =	vst v0  }
0x48: {  	[tilespmem:s15+$0x350] =	vst v0  }
0x49: {  	[tilespmem:s15+$0x360] =	vst v0;
	s15 =	sshra.s32 s16, $0x2;
	s16 =	sadd.s32 $0x200, s16  }
0x4a: {  	[tilespmem:s15+$0x370] =	vst v0  }
0x4b: {  	[tilespmem:s15+$0x300] =	vst v0  }
0x4c: {  	[tilespmem:s15+$0x310] =	vst v0  }
0x4d: {  	[tilespmem:s15+$0x320] =	vst v0  }
0x4e: {  	[tilespmem:s15+$0x330] =	vst v0  }
0x4f: {  	[tilespmem:s15+$0x340] =	vst v0  }
0x50: {  	[tilespmem:s15+$0x350] =	vst v0  }
0x51: {  	[tilespmem:s15+$0x360] =	vst v0;
	s2 =	rddreg [dreg:$0x1c];
	s15 =	simm.s32 $0x300  }
0x52: {  	[spmem:s2] =	stream.linear.scatter [tilespmem:s15], [sflag:$0x9], $0x3800, $0x38;
	[tilespmem:$0x1EBF0] =	vst v63  }
0x53: {  	_ =	swait.ge [sflag:s18], $0x3800  }
0x54: {  	[sflag:s18] =	ssyncset.done $0x0  }
0x55: {  	s14 =	rddreg [dreg:$0x1d];
	[sflag:s18] =	ssyncadd.s32 $0xFFFFC800  }
0x56: {  	[spmem:s14] =	stream.linear.scatter [tilespmem:s15], [sflag:$0x9], $0x3800, $0x38;
	[tilespmem:$0x1EBF0] =	vst v63  }
0x57: {  	_ =	swait.ge [sflag:s18], $0x3800  }
0x58: {  	[sflag:s18] =	ssyncset.done $0x0  }
0x59: {  	s16 =	rddreg [dreg:$0x1e];
	[sflag:s18] =	ssyncadd.s32 $0xFFFFC800  }
0x5a: {  	[spmem:s16] =	stream.linear.scatter [tilespmem:s15], [sflag:$0x9], $0x3800, $0x38;
	[tilespmem:$0x1EBF0] =	vst v63  }
0x5b: {  	_ =	swait.ge [sflag:s18], $0x3800  }
0x5c: {  	[sflag:s18] =	ssyncset.done $0x0  }
0x5d: {  	s17 =	rddreg [dreg:$0x1f];
	[sflag:s18] =	ssyncadd.s32 $0xFFFFC800  }
0x5e: {  	[spmem:s17] =	stream.linear.scatter [tilespmem:s15], [sflag:$0x9], $0x3800, $0x38;
	[tilespmem:$0x1EBF0] =	vst v63  }
0x5f: {  	_ =	swait.ge [sflag:s18], $0x3800  }
0x60: {  	s23 =	sld [smem:$0x7EE]  }
0x61: {  	[sflag:s18] =	ssyncset.done $0x0  }
0x62: {  	[sflag:s18] =	ssyncadd.s32 $0xFFFFC800  }
0x63: {  	[spmem:s23] =	stream.linear.scatter [tilespmem:s15], [sflag:$0x9], $0x3800, $0x38;
	[tilespmem:$0x1EBF0] =	vst v63  }
0x64: {  	_ =	swait.ge [sflag:s18], $0x3800  }
0x65: {  	s14 =	sld [smem:$0x7EF]  }
0x66: {  	[sflag:s18] =	ssyncset.done $0x0  }
0x67: {  	[sflag:s18] =	ssyncadd.s32 $0xFFFFC800  }
0x68: {  	[spmem:s14] =	stream.linear.scatter [tilespmem:s15], [sflag:$0x9], $0x3800, $0x38;
	[tilespmem:$0x1EBF0] =	vst v63  }
0x69: {  	_ =	swait.ge [sflag:s18], $0x3800  }
0x6a: {  	[sflag:s18] =	ssyncset.done $0x0  }
0x6b: {  	[sflag:s18] =	ssyncadd.s32 $0xFFFFC800  }
0x6c: {  	[tilespmem:$0x1E600] =	vst v1  }
0x6d: {  	[tilespmem:$0x1E680] =	vst v0  }
0x6e: {  	[tilespmem:$0x1E610] =	vst v1  }
0x6f: {  	[tilespmem:$0x1E690] =	vst v0  }
0x70: {  	[tilespmem:$0x1E620] =	vst v1  }
0x71: {  	[tilespmem:$0x1E6A0] =	vst v0  }
0x72: {  	[tilespmem:$0x1E630] =	vst v1  }
0x73: {  	[tilespmem:$0x1E6B0] =	vst v0  }
0x74: {  	[tilespmem:$0x1E640] =	vst v1  }
0x75: {  	[tilespmem:$0x1E6C0] =	vst v0  }
0x76: {  	[tilespmem:$0x1E650] =	vst v1  }
0x77: {  	s16 =	sld [smem:$0x7F0];
	[tilespmem:$0x1E6D0] =	vst v0  }
0x78: {  	[tilespmem:$0x1E660] =	vst v1  }
0x79: {  	[tilespmem:$0x1E6E0] =	vst v0  }
0x7a: {  	[spmem:s16] =	stream.linear.scatter [tilespmem:s8], [sflag:$0x9], $0x70, $0x38;
	[tilespmem:$0x1EBF0] =	vst v63  }
0x7b: {  	_ =	swait.ge [sflag:s18], $0x70  }
0x7c: {  	s17 =	sld [smem:$0x7F1]  }
0x7d: {  	[sflag:s18] =	ssyncset.done $0x0  }
0x7e: {  	[sflag:s18] =	ssyncadd.s32 $0xFFFFFF90  }
0x7f: {  	[spmem:s17] =	stream.linear.scatter [tilespmem:s8], [sflag:$0x9], $0x70, $0x38;
	[tilespmem:$0x1EBF0] =	vst v63  }
0x80: {  	_ =	swait.ge [sflag:s18], $0x70  }
0x81: {  	s23 =	sld [smem:$0x7F2]  }
0x82: {  	[sflag:s18] =	ssyncset.done $0x0  }
0x83: {  	[sflag:s18] =	ssyncadd.s32 $0xFFFFFF90  }
0x84: {  	[spmem:s23] =	stream.linear.scatter [tilespmem:s8], [sflag:$0x9], $0x70, $0x38;
	[tilespmem:$0x1EBF0] =	vst v63  }
0x85: {  	_ =	swait.ge [sflag:s18], $0x70  }
0x86: {  	s14 =	sld [smem:$0x7F3]  }
0x87: {  	[sflag:s18] =	ssyncset.done $0x0  }
0x88: {  	[sflag:s18] =	ssyncadd.s32 $0xFFFFFF90  }
0x89: {  	[spmem:s14] =	stream.linear.scatter [tilespmem:s8], [sflag:$0x9], $0x70, $0x38;
	[tilespmem:$0x1EBF0] =	vst v63  }
0x8a: {  	_ =	swait.ge [sflag:s18], $0x70  }
0x8b: {  	s16 =	sld [smem:$0x7F4]  }
0x8c: {  	[sflag:s18] =	ssyncset.done $0x0  }
0x8d: {  	[sflag:s18] =	ssyncadd.s32 $0xFFFFFF90  }
0x8e: {  	[spmem:s16] =	stream.linear.scatter [tilespmem:s8], [sflag:$0x9], $0x70, $0x38;
	[tilespmem:$0x1EBF0] =	vst v63  }
0x8f: {  	_ =	swait.ge [sflag:s18], $0x70  }
0x90: {  	s17 =	sld [smem:$0x7F5]  }
0x91: {  	[sflag:s18] =	ssyncset.done $0x0  }
0x92: {  	[sflag:s18] =	ssyncadd.s32 $0xFFFFFF90  }
0x93: {  	[spmem:s17] =	stream.linear.scatter [tilespmem:s8], [sflag:$0x9], $0x70, $0x38;
	[tilespmem:$0x1EBF0] =	vst v63  }
0x94: {  	_ =	swait.ge [sflag:s18], $0x70  }
0x95: {  	s23 =	sld [smem:$0x7F6]  }
0x96: {  	[sflag:s18] =	ssyncset.done $0x0  }
0x97: {  	[sflag:s18] =	ssyncadd.s32 $0xFFFFFF90  }
0x98: {  	[spmem:s23] =	stream.linear.scatter [tilespmem:s8], [sflag:$0x9], $0x70, $0x38;
	[tilespmem:$0x1EBF0] =	vst v63  }
0x99: {  	_ =	swait.ge [sflag:s18], $0x70  }
0x9a: {  	s14 =	sld [smem:$0x7F7]  }
0x9b: {  	[sflag:s18] =	ssyncset.done $0x0  }
0x9c: {  	[sflag:s18] =	ssyncadd.s32 $0xFFFFFF90  }
0x9d: {  	[spmem:s14] =	stream.linear.scatter [tilespmem:s8], [sflag:$0x9], $0x70, $0x38;
	[tilespmem:$0x1EBF0] =	vst v63  }
0x9e: {  	_ =	swait.ge [sflag:s18], $0x70  }
0x9f: {  	s16 =	sld [smem:$0x7F8]  }
0xa0: {  	[sflag:s18] =	ssyncset.done $0x0  }
0xa1: {  	[sflag:s18] =	ssyncadd.s32 $0xFFFFFF90  }
0xa2: {  	[spmem:s16] =	stream.linear.scatter [tilespmem:s8], [sflag:$0x9], $0x70, $0x38;
	[tilespmem:$0x1EBF0] =	vst v63  }
0xa3: {  	_ =	swait.ge [sflag:s18], $0x70  }
0xa4: {  	s17 =	sld [smem:$0x7F9]  }
0xa5: {  	[sflag:s18] =	ssyncset.done $0x0  }
0xa6: {  	[sflag:s18] =	ssyncadd.s32 $0xFFFFFF90  }
0xa7: {  	[spmem:s17] =	stream.linear.scatter [tilespmem:s8], [sflag:$0x9], $0x70, $0x38;
	[tilespmem:$0x1EBF0] =	vst v63  }
0xa8: {  	_ =	swait.ge [sflag:s18], $0x70  }
0xa9: {  	s23 =	sld [smem:$0x7FA]  }
0xaa: {  	[sflag:s18] =	ssyncset.done $0x0  }
0xab: {  	[sflag:s18] =	ssyncadd.s32 $0xFFFFFF90  }
0xac: {  	[spmem:s23] =	stream.linear.scatter [tilespmem:s8], [sflag:$0x9], $0x70, $0x38;
	[tilespmem:$0x1EBF0] =	vst v63  }
0xad: {  	_ =	swait.ge [sflag:s18], $0x70  }
0xae: {  	s14 =	sld [smem:$0x7FB]  }
0xaf: {  	[sflag:s18] =	ssyncset.done $0x0  }
0xb0: {  	[sflag:s18] =	ssyncadd.s32 $0xFFFFFF90  }
0xb1: {  	[spmem:s14] =	stream.linear.scatter [tilespmem:s8], [sflag:$0x9], $0x70, $0x38;
	[tilespmem:$0x1EBF0] =	vst v63  }
0xb2: {  	_ =	swait.ge [sflag:s18], $0x70  }
0xb3: {  	[sflag:s18] =	ssyncset.done $0x0  }
0xb4: {  	[sflag:s18] =	ssyncadd.s32 $0xFFFFFF90  }
0xb5: {  	[bflag:$0x0] =	sbarrier.arrive $0xFFFF  }
0xb6: {  	s16 =	rddreg [dreg:$0x15]  }
0xb7: {  	[tilespmem:s6], [sflag:$0x1] =	stream.linear.gather [hbm4b:s16+s6], $0x70, $0x38;
	[tilespmem:$0x1EBF0] =	vst v63  }
0xb8: {  	s17 =	rddreg [dreg:$0x16]  }
0xb9: {  	[tilespmem:s20], [sflag:$0x1] =	stream.linear.gather [hbm4b:s17+s6], $0x70, $0x38;
	[tilespmem:$0x1EBF0] =	vst v63  }
0xba: {  	s23 =	rddreg [dreg:$0xf]  }
0xbb: {  	[tilespmem:s21], [sflag:$0x2] =	stream.linear.gather [hbm4b:s23+s6], $0x70, $0x38;
	[tilespmem:$0x1EBF0] =	vst v63  }
0xbc: {  	s2 =	rddreg [dreg:$0x10]  }
0xbd: {  	[tilespmem:s22], [sflag:$0x2] =	stream.linear.gather [hbm4b:s2+s6], $0x70, $0x38;
	[tilespmem:$0x1EBF0] =	vst v63  }
0xbe: {  	_ =	swait.ge [sflag:s24], $0x70  }
0xbf: {  	[sflag:s24] =	ssyncset.done $0x0  }
0xc0: {  	[sflag:s24] =	ssyncadd.s32 $0xFFFFFF90  }
0xc1: {  	_ =	swait.ge [sflag:s24], $0x70  }
0xc2: {  	[sflag:s24] =	ssyncset.done $0x0  }
0xc3: {  	[sflag:s24] =	ssyncadd.s32 $0xFFFFFF90  }
0xc4: {  	[tilespmem:s15], [sflag:$0x4] =	stream.indirect.gather [hbm4b:s7+s25], $0x80, s6, s25, $0xb8;
	[tilespmem:$0x1EBF0] =	vst v63  }
0xc5: {  	_ =	swait.ge [sflag:s26], $0x3800  }
0xc6: {  	[sflag:s26] =	ssyncset.done $0x0  }
0xc7: {  	[sflag:s26] =	ssyncadd.s32 $0xFFFFC800  }
0xc8: {  	s2 =	rddreg [dreg:$0x2]  }
0xc9: {  	[spmem:s2] =	stream.indirect.scatter.add.f32 [tilespmem:s15], [sflag:$0x7], $0x80, s20, s25, $0xb8;
	[tilespmem:$0x1EBF0] =	vst v63  }
0xca: {  	_ = 	snop  }
0xcb: {  	[spmem:s3] =	stream.indirect.scatter.add.f32 [tilespmem:s28], [sflag:$0x8], $0x1, s20, s25, $0xb8;
	[tilespmem:$0x1EBF0] =	vst v63  }
0xcc: {  	_ = 	snop  }
0xcd: {  	[spmem:s4] =	stream.indirect.scatter.add.f32 [tilespmem:s28], [sflag:$0x8], $0x1, s6, s25, $0xb8;
	[tilespmem:$0x1EBF0] =	vst v63  }
0xce: {  	s14 =	rddreg [dreg:$0x11]  }
0xcf: {  	[tilespmem:s29], [sflag:$0x3] =	stream.linear.gather [hbm4b:s14+s6], $0x70, $0x38;
	[tilespmem:$0x1EBF0] =	vst v63  }
0xd0: {  	s16 =	rddreg [dreg:$0x12]  }
0xd1: {  	[tilespmem:s1], [sflag:$0x3] =	stream.linear.gather [hbm4b:s16+s6], $0x70, $0x38;
	[tilespmem:$0x1EBF0] =	vst v63  }
0xd2: {  	_ =	swait.ge [sflag:s0], $0x70  }
0xd3: {  	[sflag:s0] =	ssyncset.done $0x0  }
0xd4: {  	[sflag:s0] =	ssyncadd.s32 $0xFFFFFF90  }
0xd5: {  	_ =	swait.ge [sflag:s0], $0x70  }
0xd6: {  	[sflag:s0] =	ssyncset.done $0x0  }
0xd7: {  	s17 =	simm.s32 $0x3B00;
	[sflag:s0] =	ssyncadd.s32 $0xFFFFFF90  }
0xd8: {  	[tilespmem:s17], [sflag:$0x5] =	stream.indirect.gather [hbm4b:s7+s25], $0x80, s21, s25, $0xb8;
	[tilespmem:$0x1EBF0] =	vst v63  }
0xd9: {  	_ =	swait.ge [sflag:s9], $0x3800  }
0xda: {  	[sflag:s9] =	ssyncset.done $0x0  }
0xdb: {  	[sflag:s9] =	ssyncadd.s32 $0xFFFFC800  }
0xdc: {  	[spmem:s2] =	stream.indirect.scatter.add.f32 [tilespmem:s17], [sflag:$0x7], $0x80, s22, s25, $0xb8;
	[tilespmem:$0x1EBF0] =	vst v63  }
0xdd: {  	_ = 	snop  }
0xde: {  	[spmem:s3] =	stream.indirect.scatter.add.f32 [tilespmem:s28], [sflag:$0x8], $0x1, s22, s25, $0xb8;
	[tilespmem:$0x1EBF0] =	vst v63  }
0xdf: {  	_ = 	snop  }
0xe0: {  	[spmem:s4] =	stream.indirect.scatter.add.f32 [tilespmem:s28], [sflag:$0x8], $0x1, s21, s25, $0xb8;
	[tilespmem:$0x1EBF0] =	vst v63  }
0xe1: {  	_ =	swait.ge [sflag:s10], $0x3800  }
0xe2: {  	[sflag:s10] =	ssyncset.done $0x0  }
0xe3: {  	[sflag:s10] =	ssyncadd.s32 $0xFFFFC800  }
0xe4: {  	_ =	swait.ge [sflag:s11], $0x70  }
0xe5: {  	[sflag:s11] =	ssyncset.done $0x0  }
0xe6: {  	[sflag:s11] =	ssyncadd.s32 $0xFFFFFF90  }
0xe7: {  	_ =	swait.ge [sflag:s11], $0x70  }
0xe8: {  	[sflag:s11] =	ssyncset.done $0x0  }
0xe9: {  	s23 =	rddreg [dreg:$0x13];
	[sflag:s11] =	ssyncadd.s32 $0xFFFFFF90  }
0xea: {  	[tilespmem:s6], [sflag:$0x1] =	stream.linear.gather [hbm4b:s23+s6], $0x70, $0x38;
	[tilespmem:$0x1EBF0] =	vst v63  }
0xeb: {  	s14 =	rddreg [dreg:$0x14]  }
0xec: {  	[tilespmem:s20], [sflag:$0x1] =	stream.linear.gather [hbm4b:s14+s6], $0x70, $0x38;
	[tilespmem:$0x1EBF0] =	vst v63  }
0xed: {  	_ =	swait.ge [sflag:s12], $0x70  }
0xee: {  	[sflag:s12] =	ssyncset.done $0x0  }
0xef: {  	[sflag:s12] =	ssyncadd.s32 $0xFFFFFF90  }
0xf0: {  	_ =	swait.ge [sflag:s12], $0x70  }
0xf1: {  	[sflag:s12] =	ssyncset.done $0x0  }
0xf2: {  	[sflag:s12] =	ssyncadd.s32 $0xFFFFFF90  }
0xf3: {  	[tilespmem:s19], [sflag:$0x6] =	stream.indirect.gather [hbm4b:s7+s25], $0x80, s29, s25, $0xb8;
	[tilespmem:$0x1EBF0] =	vst v63  }
0xf4: {  	_ =	swait.ge [sflag:s5], $0x3800  }
0xf5: {  	[sflag:s5] =	ssyncset.done $0x0  }
0xf6: {  	[sflag:s5] =	ssyncadd.s32 $0xFFFFC800  }
0xf7: {  	[spmem:s2] =	stream.indirect.scatter.add.f32 [tilespmem:s19], [sflag:$0x7], $0x80, s1, s25, $0xb8;
	[tilespmem:$0x1EBF0] =	vst v63  }
0xf8: {  	_ = 	snop  }
0xf9: {  	[spmem:s3] =	stream.indirect.scatter.add.f32 [tilespmem:s28], [sflag:$0x8], $0x1, s1, s25, $0xb8;
	[tilespmem:$0x1EBF0] =	vst v63  }
0xfa: {  	_ = 	snop  }
0xfb: {  	[spmem:s4] =	stream.indirect.scatter.add.f32 [tilespmem:s28], [sflag:$0x8], $0x1, s29, s25, $0xb8;
	[tilespmem:$0x1EBF0] =	vst v63  }
0xfc: {  	_ =	swait.ge [sflag:s10], $0x3800  }
0xfd: {  	[sflag:s10] =	ssyncset.done $0x0  }
0xfe: {  	[sflag:s10] =	ssyncadd.s32 $0xFFFFC800  }
0xff: {  	_ =	swait.ge [sflag:s11], $0x70  }
0x100: {  	[sflag:s11] =	ssyncset.done $0x0  }
0x101: {  	[sflag:s11] =	ssyncadd.s32 $0xFFFFFF90  }
0x102: {  	_ =	swait.ge [sflag:s11], $0x70  }
0x103: {  	[sflag:s11] =	ssyncset.done $0x0  }
0x104: {  	s16 =	rddreg [dreg:$0x17];
	[sflag:s11] =	ssyncadd.s32 $0xFFFFFF90  }
0x105: {  	[tilespmem:s21], [sflag:$0x2] =	stream.linear.gather [hbm4b:s16+s6], $0x70, $0x38;
	[tilespmem:$0x1EBF0] =	vst v63  }
0x106: {  	s17 =	rddreg [dreg:$0x18]  }
0x107: {  	[tilespmem:s22], [sflag:$0x2] =	stream.linear.gather [hbm4b:s17+s6], $0x70, $0x38;
	[tilespmem:$0x1EBF0] =	vst v63  }
0x108: {  	_ =	swait.ge [sflag:s24], $0x70  }
0x109: {  	[sflag:s24] =	ssyncset.done $0x0  }
0x10a: {  	[sflag:s24] =	ssyncadd.s32 $0xFFFFFF90  }
0x10b: {  	_ =	swait.ge [sflag:s24], $0x70  }
0x10c: {  	[sflag:s24] =	ssyncset.done $0x0  }
0x10d: {  	[sflag:s24] =	ssyncadd.s32 $0xFFFFFF90  }
0x10e: {  	[tilespmem:s15], [sflag:$0x4] =	stream.indirect.gather [hbm4b:s7+s25], $0x80, s6, s25, $0xb8;
	[tilespmem:$0x1EBF0] =	vst v63  }
0x10f: {  	_ =	swait.ge [sflag:s26], $0x3800  }
0x110: {  	[sflag:s26] =	ssyncset.done $0x0  }
0x111: {  	[sflag:s26] =	ssyncadd.s32 $0xFFFFC800  }
0x112: {  	[spmem:s2] =	stream.indirect.scatter.add.f32 [tilespmem:s15], [sflag:$0x7], $0x80, s20, s25, $0xb8;
	[tilespmem:$0x1EBF0] =	vst v63  }
0x113: {  	_ = 	snop  }
0x114: {  	[spmem:s3] =	stream.indirect.scatter.add.f32 [tilespmem:s28], [sflag:$0x8], $0x1, s20, s25, $0xb8;
	[tilespmem:$0x1EBF0] =	vst v63  }
0x115: {  	_ = 	snop  }
0x116: {  	[spmem:s4] =	stream.indirect.scatter.add.f32 [tilespmem:s28], [sflag:$0x8], $0x1, s6, s25, $0xb8;
	[tilespmem:$0x1EBF0] =	vst v63  }
0x117: {  	_ =	swait.ge [sflag:s10], $0x3800  }
0x118: {  	[sflag:s10] =	ssyncset.done $0x0  }
0x119: {  	[sflag:s10] =	ssyncadd.s32 $0xFFFFC800  }
0x11a: {  	_ =	swait.ge [sflag:s11], $0x70  }
0x11b: {  	[sflag:s11] =	ssyncset.done $0x0  }
0x11c: {  	[sflag:s11] =	ssyncadd.s32 $0xFFFFFF90  }
0x11d: {  	_ =	swait.ge [sflag:s11], $0x70  }
0x11e: {  	[sflag:s11] =	ssyncset.done $0x0  }
0x11f: {  	[sflag:s11] =	ssyncadd.s32 $0xFFFFFF90  }
0x120: {  	s17 =	rddreg [dreg:$0x1]  }
0x121: {  	s16 =	rddreg [dreg:$0xc];
	s23 =	sadd.s32 s17, s13  }
0x122: {  	[tilespmem:s29], [sflag:$0x3] =	stream.linear.gather [hbm4b:s23+s6], $0x70, $0x38;
	[tilespmem:$0x1EBF0] =	vst v63  }
0x123: {  	s14 =	sadd.s32 s16, s13  }
0x124: {  	[tilespmem:s1], [sflag:$0x3] =	stream.linear.gather [hbm4b:s14+s6], $0x70, $0x38;
	[tilespmem:$0x1EBF0] =	vst v63  }
0x125: {  	_ =	swait.ge [sflag:s0], $0x70  }
0x126: {  	[sflag:s0] =	ssyncset.done $0x0  }
0x127: {  	[sflag:s0] =	ssyncadd.s32 $0xFFFFFF90  }
0x128: {  	_ =	swait.ge [sflag:s0], $0x70  }
0x129: {  	[sflag:s0] =	ssyncset.done $0x0  }
0x12a: {  	s8 =	simm.s32 $0x3B00;
	[sflag:s0] =	ssyncadd.s32 $0xFFFFFF90  }
0x12b: {  	[tilespmem:s8], [sflag:$0x5] =	stream.indirect.gather [hbm4b:s7+s25], $0x80, s21, s25, $0xb8;
	[tilespmem:$0x1EBF0] =	vst v63  }
0x12c: {  	_ =	swait.ge [sflag:s9], $0x3800  }
0x12d: {  	[sflag:s9] =	ssyncset.done $0x0  }
0x12e: {  	[sflag:s9] =	ssyncadd.s32 $0xFFFFC800  }
0x12f: {  	[spmem:s2] =	stream.indirect.scatter.add.f32 [tilespmem:s8], [sflag:$0x7], $0x80, s22, s25, $0xb8;
	[tilespmem:$0x1EBF0] =	vst v63  }
0x130: {  	_ = 	snop  }
0x131: {  	[spmem:s3] =	stream.indirect.scatter.add.f32 [tilespmem:s28], [sflag:$0x8], $0x1, s22, s25, $0xb8;
	[tilespmem:$0x1EBF0] =	vst v63  }
0x132: {  	_ = 	snop  }
0x133: {  	[spmem:s4] =	stream.indirect.scatter.add.f32 [tilespmem:s28], [sflag:$0x8], $0x1, s21, s25, $0xb8;
	[tilespmem:$0x1EBF0] =	vst v63  }
0x134: {  	_ =	swait.ge [sflag:s10], $0x3800  }
0x135: {  	[sflag:s10] =	ssyncset.done $0x0  }
0x136: {  	[sflag:s10] =	ssyncadd.s32 $0xFFFFC800  }
0x137: {  	_ =	swait.ge [sflag:s11], $0x70  }
0x138: {  	[sflag:s11] =	ssyncset.done $0x0  }
0x139: {  	[sflag:s11] =	ssyncadd.s32 $0xFFFFFF90  }
0x13a: {  	_ =	swait.ge [sflag:s11], $0x70  }
0x13b: {  	[sflag:s11] =	ssyncset.done $0x0  }
0x13c: {  	s23 =	sadd.s32 s17, s31;
	[sflag:s11] =	ssyncadd.s32 $0xFFFFFF90  }
0x13d: {  	[tilespmem:s6], [sflag:$0x1] =	stream.linear.gather [hbm4b:s23+s6], $0x70, $0x38;
	[tilespmem:$0x1EBF0] =	vst v63  }
0x13e: {  	s14 =	sadd.s32 s16, s31  }
0x13f: {  	[tilespmem:s20], [sflag:$0x1] =	stream.linear.gather [hbm4b:s14+s6], $0x70, $0x38;
	[tilespmem:$0x1EBF0] =	vst v63  }
0x140: {  	_ =	swait.ge [sflag:s12], $0x70  }
0x141: {  	[sflag:s12] =	ssyncset.done $0x0  }
0x142: {  	[sflag:s12] =	ssyncadd.s32 $0xFFFFFF90  }
0x143: {  	_ =	swait.ge [sflag:s12], $0x70  }
0x144: {  	[sflag:s12] =	ssyncset.done $0x0  }
0x145: {  	[sflag:s12] =	ssyncadd.s32 $0xFFFFFF90  }
0x146: {  	[tilespmem:s19], [sflag:$0x6] =	stream.indirect.gather [hbm4b:s7+s25], $0x80, s29, s25, $0xb8;
	[tilespmem:$0x1EBF0] =	vst v63  }
0x147: {  	_ =	swait.ge [sflag:s5], $0x3800  }
0x148: {  	[sflag:s5] =	ssyncset.done $0x0  }
0x149: {  	[sflag:s5] =	ssyncadd.s32 $0xFFFFC800  }
0x14a: {  	[spmem:s2] =	stream.indirect.scatter.add.f32 [tilespmem:s19], [sflag:$0x7], $0x80, s1, s25, $0xb8;
	[tilespmem:$0x1EBF0] =	vst v63  }
0x14b: {  	_ = 	snop  }
0x14c: {  	[spmem:s3] =	stream.indirect.scatter.add.f32 [tilespmem:s28], [sflag:$0x8], $0x1, s1, s25, $0xb8;
	[tilespmem:$0x1EBF0] =	vst v63  }
0x14d: {  	_ = 	snop  }
0x14e: {  	[spmem:s4] =	stream.indirect.scatter.add.f32 [tilespmem:s28], [sflag:$0x8], $0x1, s29, s25, $0xb8;
	[tilespmem:$0x1EBF0] =	vst v63  }
0x14f: {  	_ =	swait.ge [sflag:s10], $0x3800  }
0x150: {  	[sflag:s10] =	ssyncset.done $0x0  }
0x151: {  	[sflag:s10] =	ssyncadd.s32 $0xFFFFC800  }
0x152: {  	_ =	swait.ge [sflag:s11], $0x70  }
0x153: {  	[sflag:s11] =	ssyncset.done $0x0  }
0x154: {  	[sflag:s11] =	ssyncadd.s32 $0xFFFFFF90  }
0x155: {  	_ =	swait.ge [sflag:s11], $0x70  }
0x156: {  	[sflag:s11] =	ssyncset.done $0x0  }
0x157: {  	s19 =	sadd.s32 s17, s30;
	[sflag:s11] =	ssyncadd.s32 $0xFFFFFF90  }
0x158: {  	[tilespmem:s21], [sflag:$0x2] =	stream.linear.gather [hbm4b:s19+s6], $0x70, $0x38;
	[tilespmem:$0x1EBF0] =	vst v63  }
0x159: {  	s23 =	sadd.s32 s16, s30  }
0x15a: {  	[tilespmem:s22], [sflag:$0x2] =	stream.linear.gather [hbm4b:s23+s6], $0x70, $0x38;
	[tilespmem:$0x1EBF0] =	vst v63  }
0x15b: {  	_ =	swait.ge [sflag:s24], $0x70  }
0x15c: {  	[sflag:s24] =	ssyncset.done $0x0  }
0x15d: {  	[sflag:s24] =	ssyncadd.s32 $0xFFFFFF90  }
0x15e: {  	s15 =	simm.s32 $0x1B;
	_ =	swait.ge [sflag:s24], $0x70  }
0x15f: {  	s16 =	sadd.s32 $0x2A, s16;
	s14 =	simm.s32 $0x7300;
	[sflag:s24] =	ssyncset.done $0x0  }
0x160: {  	s23 =	sadd.s32 $0x2A, s17;
	s17 =	simm.s32 $0x300;
	[sflag:s24] =	ssyncadd.s32 $0xFFFFFF90  }
.LBB2_4:
0x161: {  	[tilespmem:s17], [sflag:$0x4] =	stream.indirect.gather [hbm4b:s7+s25], $0x80, s6, s25, $0xb8;
	[tilespmem:$0x1EBF0] =	vst v63  }
0x162: {  	p0 =	sne.s32 s15, $0x1;
	s15 =	sadd.s32 $0xFFFFFFFF, s15;
	_ =	swait.ge [sflag:s26], $0x3800  }
0x163: {  	[sflag:s26] =	ssyncset.done $0x0  }
0x164: {  	[sflag:s26] =	ssyncadd.s32 $0xFFFFC800  }
0x165: {  	[spmem:s2] =	stream.indirect.scatter.add.f32 [tilespmem:s17], [sflag:$0x7], $0x80, s20, s25, $0xb8;
	[tilespmem:$0x1EBF0] =	vst v63  }
0x166: {  	_ = 	snop  }
0x167: {  	[spmem:s3] =	stream.indirect.scatter.add.f32 [tilespmem:s28], [sflag:$0x8], $0x1, s20, s25, $0xb8;
	[tilespmem:$0x1EBF0] =	vst v63  }
0x168: {  	_ = 	snop  }
0x169: {  	[spmem:s4] =	stream.indirect.scatter.add.f32 [tilespmem:s28], [sflag:$0x8], $0x1, s6, s25, $0xb8;
	[tilespmem:$0x1EBF0] =	vst v63  }
0x16a: {  	_ =	swait.ge [sflag:s10], $0x3800  }
0x16b: {  	[sflag:s10] =	ssyncset.done $0x0  }
0x16c: {  	[sflag:s10] =	ssyncadd.s32 $0xFFFFC800  }
0x16d: {  	_ =	swait.ge [sflag:s11], $0x70  }
0x16e: {  	[sflag:s11] =	ssyncset.done $0x0  }
0x16f: {  	[sflag:s11] =	ssyncadd.s32 $0xFFFFFF90  }
0x170: {  	_ =	swait.ge [sflag:s11], $0x70  }
0x171: {  	[sflag:s11] =	ssyncset.done $0x0  }
0x172: {  	s19 =	sadd.s32 s23, s13;
	[sflag:s11] =	ssyncadd.s32 $0xFFFFFF90  }
0x173: {  	[tilespmem:s29], [sflag:$0x3] =	stream.linear.gather [hbm4b:s19+s6], $0x70, $0x38;
	[tilespmem:$0x1EBF0] =	vst v63  }
0x174: {  	s19 =	sadd.s32 s16, s13  }
0x175: {  	[tilespmem:s1], [sflag:$0x3] =	stream.linear.gather [hbm4b:s19+s6], $0x70, $0x38;
	[tilespmem:$0x1EBF0] =	vst v63  }
0x176: {  	_ =	swait.ge [sflag:s0], $0x70  }
0x177: {  	[sflag:s0] =	ssyncset.done $0x0  }
0x178: {  	[sflag:s0] =	ssyncadd.s32 $0xFFFFFF90  }
0x179: {  	_ =	swait.ge [sflag:s0], $0x70  }
0x17a: {  	[sflag:s0] =	ssyncset.done $0x0  }
0x17b: {  	[sflag:s0] =	ssyncadd.s32 $0xFFFFFF90  }
0x17c: {  	[tilespmem:s8], [sflag:$0x5] =	stream.indirect.gather [hbm4b:s7+s25], $0x80, s21, s25, $0xb8;
	[tilespmem:$0x1EBF0] =	vst v63  }
0x17d: {  	_ =	swait.ge [sflag:s9], $0x3800  }
0x17e: {  	[sflag:s9] =	ssyncset.done $0x0  }
0x17f: {  	[sflag:s9] =	ssyncadd.s32 $0xFFFFC800  }
0x180: {  	[spmem:s2] =	stream.indirect.scatter.add.f32 [tilespmem:s8], [sflag:$0x7], $0x80, s22, s25, $0xb8;
	[tilespmem:$0x1EBF0] =	vst v63  }
0x181: {  	_ = 	snop  }
0x182: {  	[spmem:s3] =	stream.indirect.scatter.add.f32 [tilespmem:s28], [sflag:$0x8], $0x1, s22, s25, $0xb8;
	[tilespmem:$0x1EBF0] =	vst v63  }
0x183: {  	_ = 	snop  }
0x184: {  	[spmem:s4] =	stream.indirect.scatter.add.f32 [tilespmem:s28], [sflag:$0x8], $0x1, s21, s25, $0xb8;
	[tilespmem:$0x1EBF0] =	vst v63  }
0x185: {  	_ =	swait.ge [sflag:s10], $0x3800  }
0x186: {  	[sflag:s10] =	ssyncset.done $0x0  }
0x187: {  	[sflag:s10] =	ssyncadd.s32 $0xFFFFC800  }
0x188: {  	_ =	swait.ge [sflag:s11], $0x70  }
0x189: {  	[sflag:s11] =	ssyncset.done $0x0  }
0x18a: {  	[sflag:s11] =	ssyncadd.s32 $0xFFFFFF90  }
0x18b: {  	_ =	swait.ge [sflag:s11], $0x70  }
0x18c: {  	[sflag:s11] =	ssyncset.done $0x0  }
0x18d: {  	s19 =	sadd.s32 s23, s31;
	[sflag:s11] =	ssyncadd.s32 $0xFFFFFF90  }
0x18e: {  	[tilespmem:s6], [sflag:$0x1] =	stream.linear.gather [hbm4b:s19+s6], $0x70, $0x38;
	[tilespmem:$0x1EBF0] =	vst v63  }
0x18f: {  	s19 =	sadd.s32 s16, s31  }
0x190: {  	[tilespmem:s20], [sflag:$0x1] =	stream.linear.gather [hbm4b:s19+s6], $0x70, $0x38;
	[tilespmem:$0x1EBF0] =	vst v63  }
0x191: {  	_ =	swait.ge [sflag:s12], $0x70  }
0x192: {  	[sflag:s12] =	ssyncset.done $0x0  }
0x193: {  	[sflag:s12] =	ssyncadd.s32 $0xFFFFFF90  }
0x194: {  	_ =	swait.ge [sflag:s12], $0x70  }
0x195: {  	[sflag:s12] =	ssyncset.done $0x0  }
0x196: {  	[sflag:s12] =	ssyncadd.s32 $0xFFFFFF90  }
0x197: {  	[tilespmem:s14], [sflag:$0x6] =	stream.indirect.gather [hbm4b:s7+s25], $0x80, s29, s25, $0xb8;
	[tilespmem:$0x1EBF0] =	vst v63  }
0x198: {  	_ =	swait.ge [sflag:s5], $0x3800  }
0x199: {  	[sflag:s5] =	ssyncset.done $0x0  }
0x19a: {  	[sflag:s5] =	ssyncadd.s32 $0xFFFFC800  }
0x19b: {  	[spmem:s2] =	stream.indirect.scatter.add.f32 [tilespmem:s14], [sflag:$0x7], $0x80, s1, s25, $0xb8;
	[tilespmem:$0x1EBF0] =	vst v63  }
0x19c: {  	_ = 	snop  }
0x19d: {  	[spmem:s3] =	stream.indirect.scatter.add.f32 [tilespmem:s28], [sflag:$0x8], $0x1, s1, s25, $0xb8;
	[tilespmem:$0x1EBF0] =	vst v63  }
0x19e: {  	_ = 	snop  }
0x19f: {  	[spmem:s4] =	stream.indirect.scatter.add.f32 [tilespmem:s28], [sflag:$0x8], $0x1, s29, s25, $0xb8;
	[tilespmem:$0x1EBF0] =	vst v63  }
0x1a0: {  	_ =	swait.ge [sflag:s10], $0x3800  }
0x1a1: {  	[sflag:s10] =	ssyncset.done $0x0  }
0x1a2: {  	[sflag:s10] =	ssyncadd.s32 $0xFFFFC800  }
0x1a3: {  	_ =	swait.ge [sflag:s11], $0x70  }
0x1a4: {  	[sflag:s11] =	ssyncset.done $0x0  }
0x1a5: {  	[sflag:s11] =	ssyncadd.s32 $0xFFFFFF90  }
0x1a6: {  	_ =	swait.ge [sflag:s11], $0x70  }
0x1a7: {  	[sflag:s11] =	ssyncset.done $0x0  }
0x1a8: {  	s19 =	sadd.s32 s23, s30;
	[sflag:s11] =	ssyncadd.s32 $0xFFFFFF90  }
0x1a9: {  	[tilespmem:s21], [sflag:$0x2] =	stream.linear.gather [hbm4b:s19+s6], $0x70, $0x38;
	[tilespmem:$0x1EBF0] =	vst v63  }
0x1aa: {  	s19 =	sadd.s32 s16, s30  }
0x1ab: {  	[tilespmem:s22], [sflag:$0x2] =	stream.linear.gather [hbm4b:s19+s6], $0x70, $0x38;
	[tilespmem:$0x1EBF0] =	vst v63  }
0x1ac: {  	_ =	swait.ge [sflag:s24], $0x70  }
.Ltmp1:
0x1ad: {  	[sflag:s24] =	ssyncset.done $0x0;
	(pc) =	sbr.rel @p0 .LBB2_4-.Ltmp1, $4  }
0x1ae: {  	[sflag:s24] =	ssyncadd.s32 $0xFFFFFF90  }
0x1af: {  	_ =	swait.ge [sflag:s24], $0x70  }
0x1b0: {  	[sflag:s24] =	ssyncset.done $0x0  }
0x1b1: {  	s23 =	sadd.s32 $0x2A, s23;
	s16 =	sadd.s32 $0x2A, s16;
	[sflag:s24] =	ssyncadd.s32 $0xFFFFFF90  }
0x1b2: {  	[tilespmem:s17], [sflag:$0x4] =	stream.indirect.gather [hbm4b:s7+s25], $0x80, s6, s25, $0xb8;
	[tilespmem:$0x1EBF0] =	vst v63  }
0x1b3: {  	_ =	swait.ge [sflag:s26], $0x3800  }
0x1b4: {  	[sflag:s26] =	ssyncset.done $0x0  }
0x1b5: {  	[sflag:s26] =	ssyncadd.s32 $0xFFFFC800  }
0x1b6: {  	[spmem:s2] =	stream.indirect.scatter.add.f32 [tilespmem:s17], [sflag:$0x7], $0x80, s20, s25, $0xb8;
	[tilespmem:$0x1EBF0] =	vst v63  }
0x1b7: {  	_ = 	snop  }
0x1b8: {  	[spmem:s3] =	stream.indirect.scatter.add.f32 [tilespmem:s28], [sflag:$0x8], $0x1, s20, s25, $0xb8;
	[tilespmem:$0x1EBF0] =	vst v63  }
0x1b9: {  	s15 =	simm.s32 $0x0  }
0x1ba: {  	[spmem:s4] =	stream.indirect.scatter.add.f32 [tilespmem:s28], [sflag:$0x8], $0x1, s15, s25, $0xb8;
	[tilespmem:$0x1EBF0] =	vst v63  }
0x1bb: {  	_ =	swait.ge [sflag:s10], $0x3800  }
0x1bc: {  	[sflag:s10] =	ssyncset.done $0x0  }
0x1bd: {  	[sflag:s10] =	ssyncadd.s32 $0xFFFFC800  }
0x1be: {  	_ =	swait.ge [sflag:s11], $0x70  }
0x1bf: {  	[sflag:s11] =	ssyncset.done $0x0  }
0x1c0: {  	[sflag:s11] =	ssyncadd.s32 $0xFFFFFF90  }
0x1c1: {  	_ =	swait.ge [sflag:s11], $0x70  }
0x1c2: {  	[sflag:s11] =	ssyncset.done $0x0  }
0x1c3: {  	s8 =	rddreg [dreg:$0x19];
	[sflag:s11] =	ssyncadd.s32 $0xFFFFFF90  }
0x1c4: {  	[tilespmem:s29], [sflag:$0x3] =	stream.linear.gather [hbm4b:s8+s15], $0x70, $0x38;
	[tilespmem:$0x1EBF0] =	vst v63  }
0x1c5: {  	s20 =	rddreg [dreg:$0x1a]  }
0x1c6: {  	[tilespmem:s1], [sflag:$0x3] =	stream.linear.gather [hbm4b:s20+s15], $0x70, $0x38;
	[tilespmem:$0x1EBF0] =	vst v63  }
0x1c7: {  	_ =	swait.ge [sflag:s0], $0x70  }
0x1c8: {  	[sflag:s0] =	ssyncset.done $0x0  }
0x1c9: {  	[sflag:s0] =	ssyncadd.s32 $0xFFFFFF90  }
0x1ca: {  	_ =	swait.ge [sflag:s0], $0x70  }
0x1cb: {  	[sflag:s0] =	ssyncset.done $0x0  }
0x1cc: {  	s16 =	simm.s32 $0x3B00;
	[sflag:s0] =	ssyncadd.s32 $0xFFFFFF90  }
0x1cd: {  	[tilespmem:s16], [sflag:$0x5] =	stream.indirect.gather [hbm4b:s7+s25], $0x80, s21, s25, $0xb8;
	[tilespmem:$0x1EBF0] =	vst v63  }
0x1ce: {  	_ =	swait.ge [sflag:s9], $0x3800  }
0x1cf: {  	[sflag:s9] =	ssyncset.done $0x0  }
0x1d0: {  	[sflag:s9] =	ssyncadd.s32 $0xFFFFC800  }
0x1d1: {  	[spmem:s2] =	stream.indirect.scatter.add.f32 [tilespmem:s16], [sflag:$0x7], $0x80, s22, s25, $0xb8;
	[tilespmem:$0x1EBF0] =	vst v63  }
0x1d2: {  	_ = 	snop  }
0x1d3: {  	[spmem:s3] =	stream.indirect.scatter.add.f32 [tilespmem:s28], [sflag:$0x8], $0x1, s22, s25, $0xb8;
	[tilespmem:$0x1EBF0] =	vst v63  }
0x1d4: {  	_ = 	snop  }
0x1d5: {  	[spmem:s4] =	stream.indirect.scatter.add.f32 [tilespmem:s28], [sflag:$0x8], $0x1, s21, s25, $0xb8;
	[tilespmem:$0x1EBF0] =	vst v63  }
0x1d6: {  	_ =	swait.ge [sflag:s10], $0x3800  }
0x1d7: {  	[sflag:s10] =	ssyncset.done $0x0  }
0x1d8: {  	[sflag:s10] =	ssyncadd.s32 $0xFFFFC800  }
0x1d9: {  	_ =	swait.ge [sflag:s11], $0x70  }
0x1da: {  	[sflag:s11] =	ssyncset.done $0x0  }
0x1db: {  	[sflag:s11] =	ssyncadd.s32 $0xFFFFFF90  }
0x1dc: {  	_ =	swait.ge [sflag:s11], $0x70  }
0x1dd: {  	[sflag:s11] =	ssyncset.done $0x0  }
0x1de: {  	[sflag:s11] =	ssyncadd.s32 $0xFFFFFF90  }
0x1df: {  	_ =	swait.ge [sflag:s12], $0x70  }
0x1e0: {  	[sflag:s12] =	ssyncset.done $0x0  }
0x1e1: {  	[sflag:s12] =	ssyncadd.s32 $0xFFFFFF90  }
0x1e2: {  	_ =	swait.ge [sflag:s12], $0x70  }
0x1e3: {  	[sflag:s12] =	ssyncset.done $0x0  }
0x1e4: {  	[sflag:s12] =	ssyncadd.s32 $0xFFFFFF90  }
0x1e5: {  	[tilespmem:s14], [sflag:$0x6] =	stream.indirect.gather [hbm4b:s7+s25], $0x80, s29, s25, $0xb8;
	[tilespmem:$0x1EBF0] =	vst v63  }
0x1e6: {  	_ =	swait.ge [sflag:s5], $0x3800  }
0x1e7: {  	[sflag:s5] =	ssyncset.done $0x0  }
0x1e8: {  	[sflag:s5] =	ssyncadd.s32 $0xFFFFC800  }
0x1e9: {  	[spmem:s2] =	stream.indirect.scatter.add.f32 [tilespmem:s14], [sflag:$0x7], $0x80, s1, s25, $0xb8;
	[tilespmem:$0x1EBF0] =	vst v63  }
0x1ea: {  	_ = 	snop  }
0x1eb: {  	[spmem:s3] =	stream.indirect.scatter.add.f32 [tilespmem:s28], [sflag:$0x8], $0x1, s1, s25, $0xb8;
	[tilespmem:$0x1EBF0] =	vst v63  }
0x1ec: {  	_ = 	snop  }
0x1ed: {  	[spmem:s4] =	stream.indirect.scatter.add.f32 [tilespmem:s28], [sflag:$0x8], $0x1, s29, s25, $0xb8;
	[tilespmem:$0x1EBF0] =	vst v63  }
0x1ee: {  	_ =	swait.ge [sflag:s10], $0x3800  }
0x1ef: {  	[sflag:s10] =	ssyncset.done $0x0  }
0x1f0: {  	[sflag:s10] =	ssyncadd.s32 $0xFFFFC800  }
0x1f1: {  	_ =	swait.ge [sflag:s11], $0x70  }
0x1f2: {  	[sflag:s11] =	ssyncset.done $0x0  }
0x1f3: {  	[sflag:s11] =	ssyncadd.s32 $0xFFFFFF90  }
0x1f4: {  	_ =	swait.ge [sflag:s11], $0x70  }
0x1f5: {  	[sflag:s11] =	ssyncset.done $0x0  }
0x1f6: {  	[sflag:s11] =	ssyncadd.s32 $0xFFFFFF90  }
0x1f7: {  	_ =	swait.ge [sflag:s10], $0x3800  }
0x1f8: {  	[sflag:s10] =	ssyncset.done $0x0  }
0x1f9: {  	[sflag:s10] =	ssyncadd.s32 $0xFFFFC800  }
0x1fa: {  	_ =	swait.ge [sflag:s11], $0x70  }
0x1fb: {  	[sflag:s11] =	ssyncset.done $0x0  }
0x1fc: {  	[sflag:s11] =	ssyncadd.s32 $0xFFFFFF90  }
0x1fd: {  	_ =	swait.ge [sflag:s11], $0x70  }
0x1fe: {  	[sflag:s11] =	ssyncset.done $0x0  }
0x1ff: {  	[sflag:s11] =	ssyncadd.s32 $0xFFFFFF90  }
0x200: {  	[bflag:$0x0] =	sbarrier.arrive $0xFFFF  }
0x201: {  	s23 =	rddreg [dreg:$0x1c]  }
0x202: {  	[tilespmem:s17], [sflag:$0x9] =	stream.linear.gather [spmem:s23], $0x3800, $0x38;
	[tilespmem:$0x1EBF0] =	vst v63  }
0x203: {  	_ =	swait.ge [sflag:s18], $0x3800  }
0x204: {  	[sflag:s18] =	ssyncset.done $0x0  }
0x205: {  	s2 =	rddreg [dreg:$0x6];
	[sflag:s18] =	ssyncadd.s32 $0xFFFFC800  }
0x206: {  	[hbm4b:s2+s15] =	stream.linear.scatter [tilespmem:s17], [sflag:$0x9], $0x3800, $0x38;
	[tilespmem:$0x1EBF0] =	vst v63  }
0x207: {  	_ =	swait.ge [sflag:s18], $0x3800  }
0x208: {  	[sflag:s18] =	ssyncset.done $0x0  }
0x209: {  	s8 =	rddreg [dreg:$0x1d];
	[sflag:s18] =	ssyncadd.s32 $0xFFFFC800  }
0x20a: {  	[tilespmem:s17], [sflag:$0x9] =	stream.linear.gather [spmem:s8], $0x3800, $0x38;
	[tilespmem:$0x1EBF0] =	vst v63  }
0x20b: {  	_ =	swait.ge [sflag:s18], $0x3800  }
0x20c: {  	[sflag:s18] =	ssyncset.done $0x0  }
0x20d: {  	s14 =	rddreg [dreg:$0x7];
	[sflag:s18] =	ssyncadd.s32 $0xFFFFC800  }
0x20e: {  	[hbm4b:s14+s15] =	stream.linear.scatter [tilespmem:s17], [sflag:$0x9], $0x3800, $0x38;
	[tilespmem:$0x1EBF0] =	vst v63  }
0x20f: {  	_ =	swait.ge [sflag:s18], $0x3800  }
0x210: {  	[sflag:s18] =	ssyncset.done $0x0  }
0x211: {  	s19 =	rddreg [dreg:$0x1e];
	[sflag:s18] =	ssyncadd.s32 $0xFFFFC800  }
0x212: {  	[tilespmem:s17], [sflag:$0x9] =	stream.linear.gather [spmem:s19], $0x3800, $0x38;
	[tilespmem:$0x1EBF0] =	vst v63  }
0x213: {  	_ =	swait.ge [sflag:s18], $0x3800  }
0x214: {  	[sflag:s18] =	ssyncset.done $0x0  }
0x215: {  	s20 =	rddreg [dreg:$0x8];
	[sflag:s18] =	ssyncadd.s32 $0xFFFFC800  }
0x216: {  	[hbm4b:s20+s15] =	stream.linear.scatter [tilespmem:s17], [sflag:$0x9], $0x3800, $0x38;
	[tilespmem:$0x1EBF0] =	vst v63  }
0x217: {  	_ =	swait.ge [sflag:s18], $0x3800  }
0x218: {  	[sflag:s18] =	ssyncset.done $0x0  }
0x219: {  	s23 =	rddreg [dreg:$0x1f];
	[sflag:s18] =	ssyncadd.s32 $0xFFFFC800  }
0x21a: {  	[tilespmem:s17], [sflag:$0x9] =	stream.linear.gather [spmem:s23], $0x3800, $0x38;
	[tilespmem:$0x1EBF0] =	vst v63  }
0x21b: {  	_ =	swait.ge [sflag:s18], $0x3800  }
0x21c: {  	[sflag:s18] =	ssyncset.done $0x0  }
0x21d: {  	s2 =	rddreg [dreg:$0x9];
	[sflag:s18] =	ssyncadd.s32 $0xFFFFC800  }
0x21e: {  	[hbm4b:s2+s15] =	stream.linear.scatter [tilespmem:s17], [sflag:$0x9], $0x3800, $0x38;
	[tilespmem:$0x1EBF0] =	vst v63  }
0x21f: {  	_ =	swait.ge [sflag:s18], $0x3800  }
0x220: {  	s8 =	sld [smem:$0x7EE]  }
0x221: {  	[sflag:s18] =	ssyncset.done $0x0  }
0x222: {  	[sflag:s18] =	ssyncadd.s32 $0xFFFFC800  }
0x223: {  	[tilespmem:s17], [sflag:$0x9] =	stream.linear.gather [spmem:s8], $0x3800, $0x38;
	[tilespmem:$0x1EBF0] =	vst v63  }
0x224: {  	_ =	swait.ge [sflag:s18], $0x3800  }
0x225: {  	[sflag:s18] =	ssyncset.done $0x0  }
0x226: {  	s14 =	rddreg [dreg:$0xa];
	[sflag:s18] =	ssyncadd.s32 $0xFFFFC800  }
0x227: {  	[hbm4b:s14+s15] =	stream.linear.scatter [tilespmem:s17], [sflag:$0x9], $0x3800, $0x38;
	[tilespmem:$0x1EBF0] =	vst v63  }
0x228: {  	_ =	swait.ge [sflag:s18], $0x3800  }
0x229: {  	s19 =	sld [smem:$0x7EF]  }
0x22a: {  	[sflag:s18] =	ssyncset.done $0x0  }
0x22b: {  	[sflag:s18] =	ssyncadd.s32 $0xFFFFC800  }
0x22c: {  	[tilespmem:s17], [sflag:$0x9] =	stream.linear.gather [spmem:s19], $0x3800, $0x38;
	[tilespmem:$0x1EBF0] =	vst v63  }
0x22d: {  	_ =	swait.ge [sflag:s18], $0x3800  }
0x22e: {  	[sflag:s18] =	ssyncset.done $0x0  }
0x22f: {  	s23 =	stileid.u32;
	s20 =	rddreg [dreg:$0xb];
	[sflag:s18] =	ssyncadd.s32 $0xFFFFC800  }
0x230: {  	[hbm4b:s20+s15] =	stream.linear.scatter [tilespmem:s17], [sflag:$0x9], $0x3800, $0x38;
	[tilespmem:$0x1EBF0] =	vst v63  }
0x231: {  	s15 =	sadd.s32 $0x0, s23  }
0x232: {  	p0 =	slt.s32 s15, $0x59  }
0x233: {  	s15 =	simm.s32 @!p0 $0x59  }
0x234: {  	_ =	swait.ge [sflag:s18], $0x3800;
	s15 =	smul.u32 $0x70, s15  }
0x235: {  	[sflag:s18] =	ssyncset.done $0x0;
	s2 =	sld [smem:$0x7FD]  }
0x236: {  	s20 =	simm.s32 $0x1E680;
	[sflag:s18] =	ssyncadd.s32 $0xFFFFC800;
	s14 =	sadd.s32 s15, s3  }
0x237: {  	[tilespmem:s20], [sflag:$0x9] =	stream.linear.gather [spmem:s14], $0x70, $0x38;
	[tilespmem:$0x1EBF0] =	vst v63  }
0x238: {  	s19 =	sadd.s32 s2, s15;
	_ =	swait.ge [sflag:s18], $0x70  }
0x239: {  	s16 =	sshrl.u32 s19, $0x3;
	[sflag:s18] =	ssyncset.done $0x0;
	s8 =	rddreg [dreg:$0xd]  }
0x23a: {  	s19 =	sadd.s32 s8, s16;
	[sflag:s18] =	ssyncadd.s32 $0xFFFFFF90  }
0x23b: {  	[hbm4b:s19+s6] =	stream.linear.scatter [tilespmem:s20], [sflag:$0x9], $0x70, $0x38;
	[tilespmem:$0x1EBF0] =	vst v63  }
0x23c: {  	_ =	swait.ge [sflag:s18], $0x70  }
0x23d: {  	[sflag:s18] =	ssyncset.done $0x0  }
0x23e: {  	s15 =	sadd.s32 s15, s4;
	[sflag:s18] =	ssyncadd.s32 $0xFFFFFF90  }
0x23f: {  	[tilespmem:s28], [sflag:$0x9] =	stream.linear.gather [spmem:s15], $0x70, $0x38;
	[tilespmem:$0x1EBF0] =	vst v63  }
0x240: {  	s19 =	sadd.s32 $0x10, s23;
	_ =	swait.ge [sflag:s18], $0x70  }
0x241: {  	p0 =	slt.s32 s19, $0x59;
	[sflag:s18] =	ssyncset.done $0x0;
	s14 =	rddreg [dreg:$0xe]  }
0x242: {  	s19 =	simm.s32 @!p0 $0x59;
	s23 =	sadd.s32 s14, s16;
	[sflag:s18] =	ssyncadd.s32 $0xFFFFFF90  }
0x243: {  	[hbm4b:s23+s6] =	stream.linear.scatter [tilespmem:s28], [sflag:$0x9], $0x70, $0x38;
	[tilespmem:$0x1EBF0] =	vst v63  }
0x244: {  	s15 =	simm.s32 $0x20;
	s16 =	smul.u32 $0x70, s19;
	_ =	swait.ge [sflag:s18], $0x70  }
.LBB2_6:
0x245: {  	p0 =	sne.s32 s15, $0x50  }
0x246: {  	[sflag:s18] =	ssyncset.done $0x0;
	s19 =	smov.u32 s15;
	s15 =	sadd.s32 $0x10, s15  }
0x247: {  	s23 =	sadd.s32 s16, s3;
	s17 =	sadd.s32 s2, s16;
	[sflag:s18] =	ssyncadd.s32 $0xFFFFFF90  }
0x248: {  	[tilespmem:s20], [sflag:$0x9] =	stream.linear.gather [spmem:s23], $0x70, $0x38;
	[tilespmem:$0x1EBF0] =	vst v63  }
0x249: {  	s17 =	sshrl.u32 s17, $0x3;
	_ =	swait.ge [sflag:s18], $0x70  }
0x24a: {  	s23 =	sadd.s32 s8, s17;
	[sflag:s18] =	ssyncset.done $0x0  }
0x24b: {  	[sflag:s18] =	ssyncadd.s32 $0xFFFFFF90  }
0x24c: {  	[hbm4b:s23+s6] =	stream.linear.scatter [tilespmem:s20], [sflag:$0x9], $0x70, $0x38;
	[tilespmem:$0x1EBF0] =	vst v63  }
0x24d: {  	s23 =	stileid.u32  }
0x24e: {  	_ =	swait.ge [sflag:s18], $0x70  }
0x24f: {  	s16 =	sadd.s32 s16, s4;
	[sflag:s18] =	ssyncset.done $0x0  }
0x250: {  	[sflag:s18] =	ssyncadd.s32 $0xFFFFFF90  }
0x251: {  	[tilespmem:s28], [sflag:$0x9] =	stream.linear.gather [spmem:s16], $0x70, $0x38;
	[tilespmem:$0x1EBF0] =	vst v63  }
.Ltmp2:
0x252: {  	s16 =	sadd.s32 s19, s23;
	_ =	swait.ge [sflag:s18], $0x70;
	(pc) =	sbr.rel @p0 .LBB2_6-.Ltmp2, $4  }
0x253: {  	s17 =	sadd.s32 s14, s17;
	p1 =	slt.s32 s16, $0x59;
	[sflag:s18] =	ssyncset.done $0x0  }
0x254: {  	s16 =	simm.s32 @!p1 $0x59;
	[sflag:s18] =	ssyncadd.s32 $0xFFFFFF90  }
0x255: {  	[hbm4b:s17+s6] =	stream.linear.scatter [tilespmem:s28], [sflag:$0x9], $0x70, $0x38;
	[tilespmem:$0x1EBF0] =	vst v63  }
0x256: {  	s16 =	smul.u32 $0x70, s16;
	_ =	swait.ge [sflag:s18], $0x70  }
0x257: {  	[sflag:s18] =	ssyncset.done $0x0  }
0x258: {  	s15 =	sadd.s32 s16, s3;
	[sflag:s18] =	ssyncadd.s32 $0xFFFFFF90  }
0x259: {  	[tilespmem:s20], [sflag:$0x9] =	stream.linear.gather [spmem:s15], $0x70, $0x38;
	[tilespmem:$0x1EBF0] =	vst v63  }
0x25a: {  	s2 =	sadd.s32 s2, s16;
	_ =	swait.ge [sflag:s18], $0x70  }
0x25b: {  	s15 =	sshrl.u32 s2, $0x3;
	[sflag:s18] =	ssyncset.done $0x0  }
0x25c: {  	s17 =	sadd.s32 s8, s15;
	[sflag:s18] =	ssyncadd.s32 $0xFFFFFF90  }
0x25d: {  	[hbm4b:s17+s6] =	stream.linear.scatter [tilespmem:s20], [sflag:$0x9], $0x70, $0x38;
	[tilespmem:$0x1EBF0] =	vst v63  }
0x25e: {  	_ =	swait.ge [sflag:s18], $0x70  }
0x25f: {  	[sflag:s18] =	ssyncset.done $0x0  }
0x260: {  	s17 =	sadd.s32 s16, s4;
	[sflag:s18] =	ssyncadd.s32 $0xFFFFFF90  }
0x261: {  	[tilespmem:s28], [sflag:$0x9] =	stream.linear.gather [spmem:s17], $0x70, $0x38;
	[tilespmem:$0x1EBF0] =	vst v63  }
0x262: {  	_ =	swait.ge [sflag:s18], $0x70  }
0x263: {  	[sflag:s18] =	ssyncset.done $0x0  }
0x264: {  	s15 =	sadd.s32 s14, s15;
	[sflag:s18] =	ssyncadd.s32 $0xFFFFFF90  }
0x265: {  	[hbm4b:s15+s6] =	stream.linear.scatter [tilespmem:s28], [sflag:$0x9], $0x70, $0x38;
	[tilespmem:$0x1EBF0] =	vst v63  }
0x266: {  	_ =	swait.ge [sflag:s18], $0x70  }
0x267: {  	s19 =	sld [smem:$0x7FC];
	_ =	sdelay $0x2  }
0x268: {  	s20 =	rddreg [dreg:$0x1b];
	s16 =	sadd.s32 $0x1, s19  }
0x269: {  	p0 =	sne.s32 s16, s20  }
.Ltmp3:
0x26a: {  	_ = 	snop;
	(pc) =	sbr.rel @p0 .LBB2_1-.Ltmp3, $4  }
0x26b: {  	_ = 	snop  }
0x26c: {  	[sflag:s18] =	ssyncset.done $0x0  }
0x26d: {  	s8 =	simm.s32 $0x1E680;
	[sflag:s18] =	ssyncadd.s32 $0xFFFFFF90  }
0x26e: {  	s19 =	simm.s32 $0x7300;
	[smem:$0x7FC] =	sst s16;
	s20 =	simm.s32 $0x180  }
0x26f: {  	_ =	sfence.sel $0x180000  }
0x270: {  	[bflag:$0x0] =	sbarrier.arrive $0xFFFF  }
0x271: {  	_ =	strace $0x90000047  }
0x272: {  	[bflag:$0x2] =	sbarrier.arrive $0xFFFF  }
0x273: {  	p0 =	sne.s32 s23, $0x0;
	s0 =	rddreg [dreg:$0x5]  }
0x274: {  	s0 =	sadd.s32 @!p0 $0x100000, s0  }
0x275: {  	[sflag:s0] =	ssyncadd.tile.s32 @!p0 $0x1;
	_ =	shalt  }
.Lfunc_end2:
_tile_overlayer_lowered:
.L_overlay_start_2:
0x276: {  	(tag) =	ssettag $0x2  }
0x277: {  	s0 =	rddreg [dreg:$0x0];
	s2 =	stileid.u32  }
0x278: {  	s1 =	rddreg [dreg:$0x1];
	p0 =	sne.s32 s2, $0x0  }
0x279: {  	s3 =	rddreg [dreg:$0x2];
	[bflag:$0x3] =	sbarrier.arrive $0xFFFF;
	s2 =	simm.s32 @!p0 $0x1C09  }
0x27a: {  	[timem:s3], [sflag:s2] =	dma.local @!p0 [hbm:s0], s1  }
0x27b: {  	s0 =	simm.s32 @!p0 $0x9  }
0x27c: {  	_ =	swait.ge @!p0 [sflag:s0], s1  }
0x27d: {  	s1 =	ssub.s32 @!p0 $0x0, s1;
	[sflag:s0] =	ssyncset.done @!p0 $0x0  }
0x27e: {  	[sflag:s0] =	ssyncadd.s32 @!p0 s1  }
0x27f: {  	[bflag:$0x3] =	sbarrier.arrive $0xFFFF  }
0x280: {  	_ =	shalt  }

</sc_bundles>
